<compile_context>
chip_gen: v7x
topology: tpu7x:2x2x1
jax: 0.10.2.dev20260603
libtpu: 0.0.44.dev20260713+nightly
codegen_flags: <defaults>
</compile_context>

<pallas_src>
import functools

import jax
import jax.numpy as jnp
from jax import lax
from jax.experimental import pallas as pl
from jax.experimental.pallas import tpu as pltpu
from jax.experimental.pallas import tpu_sc as plsc

_D = 64
_NC = 2
_NS = 16
_NW = _NC * _NS
_CH = 128
_NBUF = 4
_NWB = 2


def _build_gather(n_units, seq, d):
    per_w = n_units // _NW
    nbc = 16384 // _CH
    mesh = plsc.VectorSubcoreMesh(core_axis_name="c", subcore_axis_name="s")

    @functools.partial(
        pl.kernel,
        mesh=mesh,
        out_type=jax.ShapeDtypeStruct((seq, d // 8, nbc, 8, _CH), jnp.float32),
        scratch_types=(
            [pltpu.VMEM((per_w, _CH), jnp.int32)]
            + [pltpu.VMEM((_CH, d), jnp.float32)] * _NBUF
            + [pltpu.VMEM((d, _CH), jnp.float32)] * _NWB
            + [pltpu.SemaphoreType.DMA] * (_NBUF + _NWB)
        ),
        compiler_params=pltpu.CompilerParams(needs_layout_passes=False, use_tc_tiling_on_sc=False, disable_bounds_checks=True),
    )
    def gather_kernel(idx_hbm, table_hbm, out_hbm, idx_v, *bufs_and_sems):
        gbuf = bufs_and_sems[:_NBUF]
        wbuf = bufs_and_sems[_NBUF:_NBUF + _NWB]
        gsem = bufs_and_sems[_NBUF + _NWB:2 * _NBUF + _NWB]
        wsem = bufs_and_sems[2 * _NBUF + _NWB:]
        w = lax.axis_index("s") * _NC + lax.axis_index("c")
        u0 = w * per_w
        pltpu.sync_copy(idx_hbm.at[w], idx_v)
        for b in range(_NBUF):
            pltpu.async_copy(table_hbm.at[idx_v.at[b]], gbuf[b], gsem[b])

        iota16 = lax.iota(jnp.int32, 16)
        rows_v = [bg * 16 + iota16 for bg in range(8)]
        zeros16 = jnp.full((16,), 0, jnp.int32)

        def transpose_unit(g, wb):
            @plsc.parallel_loop(0, d, 1, unroll=8)
            def _f(f):
                cols = zeros16 + f
                for bg in range(8):
                    v = g[f, pl.ds((bg % 4) * 16, 16)]
                    wb[f, pl.ds(bg * 16, 16)] = v

        def group(grp, carry):
            for b in range(_NBUF):
                j = grp * _NBUF + b
                u = u0 + j
                s = u // nbc
                bc = u % nbc
                ws = b % _NWB
                pltpu.make_async_copy(
                    table_hbm.at[pl.ds(0, _CH)], gbuf[b], gsem[b]).wait()
                @pl.when(j >= _NWB)
                def _():
                    for fr in range(8):
                        pltpu.make_async_copy(
                            wbuf[ws].at[pl.ds(fr * 8, 8)],
                            out_hbm.at[0, fr, 0], wsem[ws]).wait()
                transpose_unit(gbuf[b], wbuf[ws])
                nxt = j + _NBUF

                @pl.when(nxt < per_w)
                def _():
                    pltpu.async_copy(
                        table_hbm.at[idx_v.at[nxt]], gbuf[b], gsem[b])
                for fr in range(8):
                    pltpu.async_copy(
                        wbuf[ws].at[pl.ds(fr * 8, 8)],
                        out_hbm.at[s, fr, bc], wsem[ws])
            return carry

        lax.fori_loop(0, per_w // _NBUF, group, 0)
        for ws in range(_NWB):
            for fr in range(8):
                pltpu.make_async_copy(
                    wbuf[ws].at[pl.ds(fr * 8, 8)],
                    out_hbm.at[0, fr, 0], wsem[ws]).wait()

    return gather_kernel


def kernel(poi_idx, poi_embedding):
    bsz, seq = poi_idx.shape
    d = poi_embedding.shape[1]
    idx_t = jnp.transpose(poi_idx, (1, 0)).astype(jnp.int32)
    n_units = (bsz * seq) // _CH
    idx3 = jnp.reshape(idx_t, (_NW, n_units // _NW, _CH))
    out5 = _build_gather(n_units, seq, d)(idx3, poi_embedding)
    out = jnp.transpose(out5, (2, 4, 0, 1, 3))
    return jnp.reshape(out, (bsz, seq, d))

# --- scband reference (transcript-rebuilt; emitter-appended) ---
"""Pipeline reference for scband-poi-embeddings-66099546685522 (READ-ONLY COPY).

The authoritative reference and input builder live on the scoring server;
editing this copy changes nothing except your own understanding.
"""

import jax, jax.numpy as jnp
import numpy as np

NUM_POIS = 1000000
EMBED_DIM = 64

def setup_inputs(seed: int = 0) -> dict:
    key = jax.random.key(seed)
    k_idx, k_tbl = jax.random.split(key)
    poi_idx = jax.random.randint(k_idx, (16384, 50), 0, NUM_POIS, dtype=jnp.int64 if jax.config.read('jax_enable_x64') else jnp.int32)
    poi_embedding = jax.random.normal(k_tbl, (NUM_POIS, EMBED_DIM), dtype=jnp.float32)
    return {"poi_idx": poi_idx, "poi_embedding": poi_embedding}

def reference(poi_idx, poi_embedding):
    # nn.Embedding lookup: table[idx]
    return jnp.take(poi_embedding, poi_idx, axis=0)

if __name__ == "__main__":
    import jax
    _d = setup_inputs()
    print(jax.jit(kernel)(*tuple(_d.values())))

</pallas_src>

<mosaic_0001>
#map = affine_map<(d0, d1) -> (0, 0, 0)>
#map1 = affine_map<(d0, d1) -> (0, 0)>
#map2 = affine_map<(d0, d1) -> (0, 0, 0, 0, 0)>
module attributes {stable_mosaic.version = 14 : i64} {
  func.func @gather_kernel(%arg0: i32, %arg1: i32, %arg2: memref<32x200x128xi32, #tpu.memory_space<hbm>>, %arg3: memref<1000000x64xf32, #tpu.memory_space<hbm>>, %arg4: memref<50x8x128x8x128xf32, #tpu.memory_space<hbm>>, %arg5: memref<200x128xi32, #tpu.memory_space<vmem>>, %arg6: memref<128x64xf32, #tpu.memory_space<vmem>>, %arg7: memref<128x64xf32, #tpu.memory_space<vmem>>, %arg8: memref<128x64xf32, #tpu.memory_space<vmem>>, %arg9: memref<128x64xf32, #tpu.memory_space<vmem>>, %arg10: memref<64x128xf32, #tpu.memory_space<vmem>>, %arg11: memref<64x128xf32, #tpu.memory_space<vmem>>, %arg12: memref<!tpu.dma_semaphore, #tpu.memory_space<semaphore_mem>>, %arg13: memref<!tpu.dma_semaphore, #tpu.memory_space<semaphore_mem>>, %arg14: memref<!tpu.dma_semaphore, #tpu.memory_space<semaphore_mem>>, %arg15: memref<!tpu.dma_semaphore, #tpu.memory_space<semaphore_mem>>, %arg16: memref<!tpu.dma_semaphore, #tpu.memory_space<semaphore_mem>>, %arg17: memref<!tpu.dma_semaphore, #tpu.memory_space<semaphore_mem>>) attributes {dimension_semantics = [#tpu.dimension_semantics<core_parallel>, #tpu.dimension_semantics<subcore_parallel>], iteration_bounds = array<i64: 2, 16>, scalar_prefetch = 0 : i64, scratch_operands = 13 : i64, tpu.core_type = #tpu.core_type<sc_vector_subcore>, window_params = [{transform_indices = #map}, {transform_indices = #map1}, {transform_indices = #map2}]} {
    %mul3A = arith.constant 2 : i32
    %mul3A_0 = arith.muli %arg1, %mul3A : i32
    %add3A = arith.addi %mul3A_0, %arg0 : i32
    %mul3A_1 = arith.constant 200 : i32
    %mul3A_2 = arith.muli %add3A, %mul3A_1 : i32
    "tpu.region"() ({
      %run_scoped3A = tpu.sem_alloc : memref<!tpu.dma_semaphore, #tpu.memory_space<semaphore_mem>>
      %dma_start3A_331 = arith.constant 0 : i32
      %dma_start3A_332 = arith.constant 0 : i32
      %dma_start3A_333 = tpu.memref_slice %arg2[%add3A, %dma_start3A_331, %dma_start3A_332] : memref<32x200x128xi32, #tpu.memory_space<hbm>> -> memref<1x200x128xi32, #tpu.memory_space<hbm>>
      %dma_start3A_334 = tpu.memref_squeeze %dma_start3A_333 : memref<1x200x128xi32, #tpu.memory_space<hbm>> -> memref<200x128xi32, #tpu.memory_space<hbm>>
      %dma_start3A_335 = arith.constant 0 : i32
      %dma_start3A_336 = arith.constant 0 : i32
      %dma_start3A_337 = tpu.memref_slice %arg2[%add3A, %dma_start3A_335, %dma_start3A_336] : memref<32x200x128xi32, #tpu.memory_space<hbm>> -> memref<1x200x128xi32, #tpu.memory_space<hbm>>
      %dma_start3A_338 = tpu.memref_squeeze %dma_start3A_337 : memref<1x200x128xi32, #tpu.memory_space<hbm>> -> memref<200x128xi32, #tpu.memory_space<hbm>>
      tpu.enqueue_dma source(%dma_start3A_338 : memref<200x128xi32, #tpu.memory_space<hbm>>) target(%arg5 : memref<200x128xi32, #tpu.memory_space<vmem>>) target_semaphore(%run_scoped3A : memref<!tpu.dma_semaphore, #tpu.memory_space<semaphore_mem>>)
      %dma_wait3A_339 = arith.constant 0 : i32
      %dma_wait3A_340 = arith.constant 0 : i32
      %dma_wait3A_341 = tpu.memref_slice %arg2[%add3A, %dma_wait3A_339, %dma_wait3A_340] : memref<32x200x128xi32, #tpu.memory_space<hbm>> -> memref<1x200x128xi32, #tpu.memory_space<hbm>>
      %dma_wait3A_342 = tpu.memref_squeeze %dma_wait3A_341 : memref<1x200x128xi32, #tpu.memory_space<hbm>> -> memref<200x128xi32, #tpu.memory_space<hbm>>
      %dma_wait3A_343 = arith.constant 0 : i32
      %dma_wait3A_344 = arith.constant 0 : i32
      %dma_wait3A_345 = tpu.memref_slice %arg2[%add3A, %dma_wait3A_343, %dma_wait3A_344] : memref<32x200x128xi32, #tpu.memory_space<hbm>> -> memref<1x200x128xi32, #tpu.memory_space<hbm>>
      %dma_wait3A_346 = tpu.memref_squeeze %dma_wait3A_345 : memref<1x200x128xi32, #tpu.memory_space<hbm>> -> memref<200x128xi32, #tpu.memory_space<hbm>>
      tpu.wait_dma2 semaphore(%run_scoped3A : memref<!tpu.dma_semaphore, #tpu.memory_space<semaphore_mem>>) src(%dma_wait3A_346 : memref<200x128xi32, #tpu.memory_space<hbm>>) dst(%arg5 : memref<200x128xi32, #tpu.memory_space<vmem>>)
      tpu.yield
    }) : () -> ()
    %dma_start3A = arith.constant 0 : i32
    %dma_start3A_3 = arith.constant 0 : i32
    %dma_start3A_4 = tpu.memref_slice %arg5[%dma_start3A, %dma_start3A_3] : memref<200x128xi32, #tpu.memory_space<vmem>> -> memref<1x128xi32, #tpu.memory_space<vmem>>
    %dma_start3A_5 = tpu.memref_squeeze %dma_start3A_4 : memref<1x128xi32, #tpu.memory_space<vmem>> -> memref<128xi32, #tpu.memory_space<vmem>>
    %dma_start3A_6 = arith.constant 0 : i32
    %dma_start3A_7 = arith.constant 0 : i32
    %dma_start3A_8 = tpu.memref_slice %arg3[%dma_start3A_6, %dma_start3A_7] : memref<1000000x64xf32, #tpu.memory_space<hbm>> -> memref<1000000x64xf32, #tpu.memory_space<hbm>>
    tpu.enqueue_indirect_dma source(%dma_start3A_8 : memref<1000000x64xf32, #tpu.memory_space<hbm>>) target(%arg6 : memref<128x64xf32, #tpu.memory_space<vmem>>) offsets(%dma_start3A_5 : memref<128xi32, #tpu.memory_space<vmem>>) semaphore(%arg12 : memref<!tpu.dma_semaphore, #tpu.memory_space<semaphore_mem>>)
    %dma_start3A_9 = arith.constant 1 : i32
    %dma_start3A_10 = arith.constant 0 : i32
    %dma_start3A_11 = tpu.memref_slice %arg5[%dma_start3A_9, %dma_start3A_10] : memref<200x128xi32, #tpu.memory_space<vmem>> -> memref<1x128xi32, #tpu.memory_space<vmem>>
    %dma_start3A_12 = tpu.memref_squeeze %dma_start3A_11 : memref<1x128xi32, #tpu.memory_space<vmem>> -> memref<128xi32, #tpu.memory_space<vmem>>
    %dma_start3A_13 = arith.constant 0 : i32
    %dma_start3A_14 = arith.constant 0 : i32
    %dma_start3A_15 = tpu.memref_slice %arg3[%dma_start3A_13, %dma_start3A_14] : memref<1000000x64xf32, #tpu.memory_space<hbm>> -> memref<1000000x64xf32, #tpu.memory_space<hbm>>
    tpu.enqueue_indirect_dma source(%dma_start3A_15 : memref<1000000x64xf32, #tpu.memory_space<hbm>>) target(%arg7 : memref<128x64xf32, #tpu.memory_space<vmem>>) offsets(%dma_start3A_12 : memref<128xi32, #tpu.memory_space<vmem>>) semaphore(%arg13 : memref<!tpu.dma_semaphore, #tpu.memory_space<semaphore_mem>>)
    %dma_start3A_16 = arith.constant 2 : i32
    %dma_start3A_17 = arith.constant 0 : i32
    %dma_start3A_18 = tpu.memref_slice %arg5[%dma_start3A_16, %dma_start3A_17] : memref<200x128xi32, #tpu.memory_space<vmem>> -> memref<1x128xi32, #tpu.memory_space<vmem>>
    %dma_start3A_19 = tpu.memref_squeeze %dma_start3A_18 : memref<1x128xi32, #tpu.memory_space<vmem>> -> memref<128xi32, #tpu.memory_space<vmem>>
    %dma_start3A_20 = arith.constant 0 : i32
    %dma_start3A_21 = arith.constant 0 : i32
    %dma_start3A_22 = tpu.memref_slice %arg3[%dma_start3A_20, %dma_start3A_21] : memref<1000000x64xf32, #tpu.memory_space<hbm>> -> memref<1000000x64xf32, #tpu.memory_space<hbm>>
    tpu.enqueue_indirect_dma source(%dma_start3A_22 : memref<1000000x64xf32, #tpu.memory_space<hbm>>) target(%arg8 : memref<128x64xf32, #tpu.memory_space<vmem>>) offsets(%dma_start3A_19 : memref<128xi32, #tpu.memory_space<vmem>>) semaphore(%arg14 : memref<!tpu.dma_semaphore, #tpu.memory_space<semaphore_mem>>)
    %dma_start3A_23 = arith.constant 3 : i32
    %dma_start3A_24 = arith.constant 0 : i32
    %dma_start3A_25 = tpu.memref_slice %arg5[%dma_start3A_23, %dma_start3A_24] : memref<200x128xi32, #tpu.memory_space<vmem>> -> memref<1x128xi32, #tpu.memory_space<vmem>>
    %dma_start3A_26 = tpu.memref_squeeze %dma_start3A_25 : memref<1x128xi32, #tpu.memory_space<vmem>> -> memref<128xi32, #tpu.memory_space<vmem>>
    %dma_start3A_27 = arith.constant 0 : i32
    %dma_start3A_28 = arith.constant 0 : i32
    %dma_start3A_29 = tpu.memref_slice %arg3[%dma_start3A_27, %dma_start3A_28] : memref<1000000x64xf32, #tpu.memory_space<hbm>> -> memref<1000000x64xf32, #tpu.memory_space<hbm>>
    tpu.enqueue_indirect_dma source(%dma_start3A_29 : memref<1000000x64xf32, #tpu.memory_space<hbm>>) target(%arg9 : memref<128x64xf32, #tpu.memory_space<vmem>>) offsets(%dma_start3A_26 : memref<128xi32, #tpu.memory_space<vmem>>) semaphore(%arg15 : memref<!tpu.dma_semaphore, #tpu.memory_space<semaphore_mem>>)
    %iota3A = tpu.iota {dimensions = array<i32: 0>} : vector<16xi32>
    %add3A_30 = arith.constant 0 : i32
    %add3A_31 = vector.broadcast %add3A_30 : i32 to vector<16xi32>
    %add3A_32 = arith.addi %add3A_31, %iota3A : vector<16xi32>
    %add3A_33 = arith.constant 16 : i32
    %add3A_34 = vector.broadcast %add3A_33 : i32 to vector<16xi32>
    %add3A_35 = arith.addi %add3A_34, %iota3A : vector<16xi32>
    %add3A_36 = arith.constant 32 : i32
    %add3A_37 = vector.broadcast %add3A_36 : i32 to vector<16xi32>
    %add3A_38 = arith.addi %add3A_37, %iota3A : vector<16xi32>
    %add3A_39 = arith.constant 48 : i32
    %add3A_40 = vector.broadcast %add3A_39 : i32 to vector<16xi32>
    %add3A_41 = arith.addi %add3A_40, %iota3A : vector<16xi32>
    %add3A_42 = arith.constant 64 : i32
    %add3A_43 = vector.broadcast %add3A_42 : i32 to vector<16xi32>
    %add3A_44 = arith.addi %add3A_43, %iota3A : vector<16xi32>
    %add3A_45 = arith.constant 80 : i32
    %add3A_46 = vector.broadcast %add3A_45 : i32 to vector<16xi32>
    %add3A_47 = arith.addi %add3A_46, %iota3A : vector<16xi32>
    %add3A_48 = arith.constant 96 : i32
    %add3A_49 = vector.broadcast %add3A_48 : i32 to vector<16xi32>
    %add3A_50 = arith.addi %add3A_49, %iota3A : vector<16xi32>
    %add3A_51 = arith.constant 112 : i32
    %add3A_52 = vector.broadcast %add3A_51 : i32 to vector<16xi32>
    %add3A_53 = arith.addi %add3A_52, %iota3A : vector<16xi32>
    %broadcast_in_dim3A = arith.constant 0 : i32
    %broadcast_in_dim3A_54 = vector.broadcast %broadcast_in_dim3A : i32 to vector<16xi32>
    %scan3A = arith.constant 0 : i32
    %scan3A_55 = arith.constant 0 : i32
    %scan3A_56 = arith.constant 50 : i32
    %scan3A_57 = arith.addi %scan3A_55, %scan3A_56 : i32
    %scan3A_58 = arith.constant 1 : i32
    scf.for %scan3A_331 = %scan3A_55 to %scan3A_57 step %scan3A_58  : i32 {
      %mul3A_332 = arith.constant 4 : i32
      %mul3A_333 = arith.muli %scan3A_331, %mul3A_332 : i32
      %add3A_334 = arith.constant 0 : i32
      %add3A_335 = arith.addi %mul3A_333, %add3A_334 : i32
      %add3A_336 = arith.addi %mul3A_2, %add3A_335 : i32
      %jit3A = arith.constant 128 : i32
      %div3A = arith.divsi %add3A_336, %jit3A : i32
      %sign3A = arith.constant 0 : i32
      %sign3A_337 = arith.cmpi sgt, %add3A_336, %sign3A : i32
      %sign3A_338 = arith.extui %sign3A_337 : i1 to i32
      %sign3A_339 = arith.constant 0 : i32
      %sign3A_340 = arith.cmpi slt, %add3A_336, %sign3A_339 : i32
      %sign3A_341 = arith.extui %sign3A_340 : i1 to i32
      %sign3A_342 = arith.subi %sign3A_338, %sign3A_341 : i32
      %sign3A_343 = arith.constant 0 : i32
      %sign3A_344 = arith.cmpi sgt, %jit3A, %sign3A_343 : i32
      %sign3A_345 = arith.extui %sign3A_344 : i1 to i32
      %sign3A_346 = arith.constant 0 : i32
      %sign3A_347 = arith.cmpi slt, %jit3A, %sign3A_346 : i32
      %sign3A_348 = arith.extui %sign3A_347 : i1 to i32
      %sign3A_349 = arith.subi %sign3A_345, %sign3A_348 : i32
      %ne3A = arith.cmpi ne, %sign3A_342, %sign3A_349 : i32
      %rem3A = arith.remsi %add3A_336, %jit3A : i32
      %ne3A_350 = arith.constant 0 : i32
      %ne3A_351 = arith.cmpi ne, %rem3A, %ne3A_350 : i32
      %and3A = arith.andi %ne3A, %ne3A_351 : i1
      %sub3A = arith.constant 1 : i32
      %sub3A_352 = arith.subi %div3A, %sub3A : i32
      %select_n3A = arith.select %and3A, %sub3A_352, %div3A : i32
      %jit3A_353 = arith.constant 128 : i32
      %eq3A = arith.constant 0 : i32
      %eq3A_354 = arith.cmpi eq, %jit3A_353, %eq3A : i32
      %jit3A_355 = arith.constant 1 : i32
      %select_n3A_356 = arith.select %eq3A_354, %jit3A_355, %jit3A_353 : i32
      %rem3A_357 = arith.remsi %add3A_336, %select_n3A_356 : i32
      %ne3A_358 = arith.constant 0 : i32
      %ne3A_359 = arith.cmpi ne, %rem3A_357, %ne3A_358 : i32
      %lt3A = arith.constant 0 : i32
      %lt3A_360 = arith.cmpi slt, %rem3A_357, %lt3A : i32
      %lt3A_361 = arith.constant 0 : i32
      %lt3A_362 = arith.cmpi slt, %select_n3A_356, %lt3A_361 : i32
      %ne3A_363 = arith.xori %lt3A_360, %lt3A_362 : i1
      %and3A_364 = arith.andi %ne3A_363, %ne3A_359 : i1
      %add3A_365 = arith.addi %rem3A_357, %select_n3A_356 : i32
      %select_n3A_366 = arith.select %and3A_364, %add3A_365, %rem3A_357 : i32
      %dma_wait3A_367 = arith.constant 0 : i32
      %dma_wait3A_368 = arith.constant 0 : i32
      %dma_wait3A_369 = tpu.memref_slice %arg3[%dma_wait3A_367, %dma_wait3A_368] : memref<1000000x64xf32, #tpu.memory_space<hbm>> -> memref<128x64xf32, #tpu.memory_space<hbm>>
      %dma_wait3A_370 = arith.constant 0 : i32
      %dma_wait3A_371 = arith.constant 0 : i32
      %dma_wait3A_372 = tpu.memref_slice %arg3[%dma_wait3A_370, %dma_wait3A_371] : memref<1000000x64xf32, #tpu.memory_space<hbm>> -> memref<128x64xf32, #tpu.memory_space<hbm>>
      tpu.wait_dma2 semaphore(%arg12 : memref<!tpu.dma_semaphore, #tpu.memory_space<semaphore_mem>>) src(%dma_wait3A_372 : memref<128x64xf32, #tpu.memory_space<hbm>>) dst(%arg6 : memref<128x64xf32, #tpu.memory_space<vmem>>)
      %ge3A = arith.constant 2 : i32
      %ge3A_373 = arith.cmpi sge, %add3A_335, %ge3A : i32
      %convert_element_type3A = arith.extui %ge3A_373 : i1 to i32
      %cond3A = arith.constant 0 : i32
      %cond3A_374 = arith.cmpi ne, %convert_element_type3A, %cond3A : i32
      scf.if %cond3A_374 {
        %dma_wait3A_1062 = arith.constant 0 : i32
        %dma_wait3A_1063 = arith.constant 0 : i32
        %dma_wait3A_1064 = arith.constant 0 : i32
        %dma_wait3A_1065 = arith.constant 0 : i32
        %dma_wait3A_1066 = arith.constant 0 : i32
        %dma_wait3A_1067 = tpu.memref_slice %arg10[%dma_wait3A_1065, %dma_wait3A_1066] : memref<64x128xf32, #tpu.memory_space<vmem>> -> memref<8x128xf32, #tpu.memory_space<vmem>>
        %dma_wait3A_1068 = arith.constant 0 : i32
        %dma_wait3A_1069 = arith.constant 0 : i32
        %dma_wait3A_1070 = tpu.memref_slice %arg4[%dma_wait3A_1062, %dma_wait3A_1063, %dma_wait3A_1064, %dma_wait3A_1068, %dma_wait3A_1069] : memref<50x8x128x8x128xf32, #tpu.memory_space<hbm>> -> memref<1x1x1x8x128xf32, #tpu.memory_space<hbm>>
        %dma_wait3A_1071 = tpu.memref_squeeze %dma_wait3A_1070 : memref<1x1x1x8x128xf32, #tpu.memory_space<hbm>> -> memref<8x128xf32, #tpu.memory_space<hbm>>
        %dma_wait3A_1072 = arith.constant 0 : i32
        %dma_wait3A_1073 = arith.constant 0 : i32
        %dma_wait3A_1074 = tpu.memref_slice %arg4[%dma_wait3A_1062, %dma_wait3A_1063, %dma_wait3A_1064, %dma_wait3A_1072, %dma_wait3A_1073] : memref<50x8x128x8x128xf32, #tpu.memory_space<hbm>> -> memref<1x1x1x8x128xf32, #tpu.memory_space<hbm>>
        %dma_wait3A_1075 = tpu.memref_squeeze %dma_wait3A_1074 : memref<1x1x1x8x128xf32, #tpu.memory_space<hbm>> -> memref<8x128xf32, #tpu.memory_space<hbm>>
        %dma_wait3A_1076 = arith.constant 0 : i32
        %dma_wait3A_1077 = arith.constant 0 : i32
        %dma_wait3A_1078 = tpu.memref_slice %arg10[%dma_wait3A_1076, %dma_wait3A_1077] : memref<64x128xf32, #tpu.memory_space<vmem>> -> memref<8x128xf32, #tpu.memory_space<vmem>>
        tpu.wait_dma2 semaphore(%arg16 : memref<!tpu.dma_semaphore, #tpu.memory_space<semaphore_mem>>) src(%dma_wait3A_1078 : memref<8x128xf32, #tpu.memory_space<vmem>>) dst(%dma_wait3A_1075 : memref<8x128xf32, #tpu.memory_space<hbm>>)
        %dma_wait3A_1079 = arith.constant 0 : i32
        %dma_wait3A_1080 = arith.constant 1 : i32
        %dma_wait3A_1081 = arith.constant 0 : i32
        %dma_wait3A_1082 = arith.constant 8 : i32
        %dma_wait3A_1083 = arith.constant 0 : i32
        %dma_wait3A_1084 = tpu.memref_slice %arg10[%dma_wait3A_1082, %dma_wait3A_1083] : memref<64x128xf32, #tpu.memory_space<vmem>> -> memref<8x128xf32, #tpu.memory_space<vmem>>
        %dma_wait3A_1085 = arith.constant 0 : i32
        %dma_wait3A_1086 = arith.constant 0 : i32
        %dma_wait3A_1087 = tpu.memref_slice %arg4[%dma_wait3A_1079, %dma_wait3A_1080, %dma_wait3A_1081, %dma_wait3A_1085, %dma_wait3A_1086] : memref<50x8x128x8x128xf32, #tpu.memory_space<hbm>> -> memref<1x1x1x8x128xf32, #tpu.memory_space<hbm>>
        %dma_wait3A_1088 = tpu.memref_squeeze %dma_wait3A_1087 : memref<1x1x1x8x128xf32, #tpu.memory_space<hbm>> -> memref<8x128xf32, #tpu.memory_space<hbm>>
        %dma_wait3A_1089 = arith.constant 0 : i32
        %dma_wait3A_1090 = arith.constant 0 : i32
        %dma_wait3A_1091 = tpu.memref_slice %arg4[%dma_wait3A_1079, %dma_wait3A_1080, %dma_wait3A_1081, %dma_wait3A_1089, %dma_wait3A_1090] : memref<50x8x128x8x128xf32, #tpu.memory_space<hbm>> -> memref<1x1x1x8x128xf32, #tpu.memory_space<hbm>>
        %dma_wait3A_1092 = tpu.memref_squeeze %dma_wait3A_1091 : memref<1x1x1x8x128xf32, #tpu.memory_space<hbm>> -> memref<8x128xf32, #tpu.memory_space<hbm>>
        %dma_wait3A_1093 = arith.constant 8 : i32
        %dma_wait3A_1094 = arith.constant 0 : i32
        %dma_wait3A_1095 = tpu.memref_slice %arg10[%dma_wait3A_1093, %dma_wait3A_1094] : memref<64x128xf32, #tpu.memory_space<vmem>> -> memref<8x128xf32, #tpu.memory_space<vmem>>
        tpu.wait_dma2 semaphore(%arg16 : memref<!tpu.dma_semaphore, #tpu.memory_space<semaphore_mem>>) src(%dma_wait3A_1095 : memref<8x128xf32, #tpu.memory_space<vmem>>) dst(%dma_wait3A_1092 : memref<8x128xf32, #tpu.memory_space<hbm>>)
        %dma_wait3A_1096 = arith.constant 0 : i32
        %dma_wait3A_1097 = arith.constant 2 : i32
        %dma_wait3A_1098 = arith.constant 0 : i32
        %dma_wait3A_1099 = arith.constant 16 : i32
        %dma_wait3A_1100 = arith.constant 0 : i32
        %dma_wait3A_1101 = tpu.memref_slice %arg10[%dma_wait3A_1099, %dma_wait3A_1100] : memref<64x128xf32, #tpu.memory_space<vmem>> -> memref<8x128xf32, #tpu.memory_space<vmem>>
        %dma_wait3A_1102 = arith.constant 0 : i32
        %dma_wait3A_1103 = arith.constant 0 : i32
        %dma_wait3A_1104 = tpu.memref_slice %arg4[%dma_wait3A_1096, %dma_wait3A_1097, %dma_wait3A_1098, %dma_wait3A_1102, %dma_wait3A_1103] : memref<50x8x128x8x128xf32, #tpu.memory_space<hbm>> -> memref<1x1x1x8x128xf32, #tpu.memory_space<hbm>>
        %dma_wait3A_1105 = tpu.memref_squeeze %dma_wait3A_1104 : memref<1x1x1x8x128xf32, #tpu.memory_space<hbm>> -> memref<8x128xf32, #tpu.memory_space<hbm>>
        %dma_wait3A_1106 = arith.constant 0 : i32
        %dma_wait3A_1107 = arith.constant 0 : i32
        %dma_wait3A_1108 = tpu.memref_slice %arg4[%dma_wait3A_1096, %dma_wait3A_1097, %dma_wait3A_1098, %dma_wait3A_1106, %dma_wait3A_1107] : memref<50x8x128x8x128xf32, #tpu.memory_space<hbm>> -> memref<1x1x1x8x128xf32, #tpu.memory_space<hbm>>
        %dma_wait3A_1109 = tpu.memref_squeeze %dma_wait3A_1108 : memref<1x1x1x8x128xf32, #tpu.memory_space<hbm>> -> memref<8x128xf32, #tpu.memory_space<hbm>>
        %dma_wait3A_1110 = arith.constant 16 : i32
        %dma_wait3A_1111 = arith.constant 0 : i32
        %dma_wait3A_1112 = tpu.memref_slice %arg10[%dma_wait3A_1110, %dma_wait3A_1111] : memref<64x128xf32, #tpu.memory_space<vmem>> -> memref<8x128xf32, #tpu.memory_space<vmem>>
        tpu.wait_dma2 semaphore(%arg16 : memref<!tpu.dma_semaphore, #tpu.memory_space<semaphore_mem>>) src(%dma_wait3A_1112 : memref<8x128xf32, #tpu.memory_space<vmem>>) dst(%dma_wait3A_1109 : memref<8x128xf32, #tpu.memory_space<hbm>>)
        %dma_wait3A_1113 = arith.constant 0 : i32
        %dma_wait3A_1114 = arith.constant 3 : i32
        %dma_wait3A_1115 = arith.constant 0 : i32
        %dma_wait3A_1116 = arith.constant 24 : i32
        %dma_wait3A_1117 = arith.constant 0 : i32
        %dma_wait3A_1118 = tpu.memref_slice %arg10[%dma_wait3A_1116, %dma_wait3A_1117] : memref<64x128xf32, #tpu.memory_space<vmem>> -> memref<8x128xf32, #tpu.memory_space<vmem>>
        %dma_wait3A_1119 = arith.constant 0 : i32
        %dma_wait3A_1120 = arith.constant 0 : i32
        %dma_wait3A_1121 = tpu.memref_slice %arg4[%dma_wait3A_1113, %dma_wait3A_1114, %dma_wait3A_1115, %dma_wait3A_1119, %dma_wait3A_1120] : memref<50x8x128x8x128xf32, #tpu.memory_space<hbm>> -> memref<1x1x1x8x128xf32, #tpu.memory_space<hbm>>
        %dma_wait3A_1122 = tpu.memref_squeeze %dma_wait3A_1121 : memref<1x1x1x8x128xf32, #tpu.memory_space<hbm>> -> memref<8x128xf32, #tpu.memory_space<hbm>>
        %dma_wait3A_1123 = arith.constant 0 : i32
        %dma_wait3A_1124 = arith.constant 0 : i32
        %dma_wait3A_1125 = tpu.memref_slice %arg4[%dma_wait3A_1113, %dma_wait3A_1114, %dma_wait3A_1115, %dma_wait3A_1123, %dma_wait3A_1124] : memref<50x8x128x8x128xf32, #tpu.memory_space<hbm>> -> memref<1x1x1x8x128xf32, #tpu.memory_space<hbm>>
        %dma_wait3A_1126 = tpu.memref_squeeze %dma_wait3A_1125 : memref<1x1x1x8x128xf32, #tpu.memory_space<hbm>> -> memref<8x128xf32, #tpu.memory_space<hbm>>
        %dma_wait3A_1127 = arith.constant 24 : i32
        %dma_wait3A_1128 = arith.constant 0 : i32
        %dma_wait3A_1129 = tpu.memref_slice %arg10[%dma_wait3A_1127, %dma_wait3A_1128] : memref<64x128xf32, #tpu.memory_space<vmem>> -> memref<8x128xf32, #tpu.memory_space<vmem>>
        tpu.wait_dma2 semaphore(%arg16 : memref<!tpu.dma_semaphore, #tpu.memory_space<semaphore_mem>>) src(%dma_wait3A_1129 : memref<8x128xf32, #tpu.memory_space<vmem>>) dst(%dma_wait3A_1126 : memref<8x128xf32, #tpu.memory_space<hbm>>)
        %dma_wait3A_1130 = arith.constant 0 : i32
        %dma_wait3A_1131 = arith.constant 4 : i32
        %dma_wait3A_1132 = arith.constant 0 : i32
        %dma_wait3A_1133 = arith.constant 32 : i32
        %dma_wait3A_1134 = arith.constant 0 : i32
        %dma_wait3A_1135 = tpu.memref_slice %arg10[%dma_wait3A_1133, %dma_wait3A_1134] : memref<64x128xf32, #tpu.memory_space<vmem>> -> memref<8x128xf32, #tpu.memory_space<vmem>>
        %dma_wait3A_1136 = arith.constant 0 : i32
        %dma_wait3A_1137 = arith.constant 0 : i32
        %dma_wait3A_1138 = tpu.memref_slice %arg4[%dma_wait3A_1130, %dma_wait3A_1131, %dma_wait3A_1132, %dma_wait3A_1136, %dma_wait3A_1137] : memref<50x8x128x8x128xf32, #tpu.memory_space<hbm>> -> memref<1x1x1x8x128xf32, #tpu.memory_space<hbm>>
        %dma_wait3A_1139 = tpu.memref_squeeze %dma_wait3A_1138 : memref<1x1x1x8x128xf32, #tpu.memory_space<hbm>> -> memref<8x128xf32, #tpu.memory_space<hbm>>
        %dma_wait3A_1140 = arith.constant 0 : i32
        %dma_wait3A_1141 = arith.constant 0 : i32
        %dma_wait3A_1142 = tpu.memref_slice %arg4[%dma_wait3A_1130, %dma_wait3A_1131, %dma_wait3A_1132, %dma_wait3A_1140, %dma_wait3A_1141] : memref<50x8x128x8x128xf32, #tpu.memory_space<hbm>> -> memref<1x1x1x8x128xf32, #tpu.memory_space<hbm>>
        %dma_wait3A_1143 = tpu.memref_squeeze %dma_wait3A_1142 : memref<1x1x1x8x128xf32, #tpu.memory_space<hbm>> -> memref<8x128xf32, #tpu.memory_space<hbm>>
        %dma_wait3A_1144 = arith.constant 32 : i32
        %dma_wait3A_1145 = arith.constant 0 : i32
        %dma_wait3A_1146 = tpu.memref_slice %arg10[%dma_wait3A_1144, %dma_wait3A_1145] : memref<64x128xf32, #tpu.memory_space<vmem>> -> memref<8x128xf32, #tpu.memory_space<vmem>>
        tpu.wait_dma2 semaphore(%arg16 : memref<!tpu.dma_semaphore, #tpu.memory_space<semaphore_mem>>) src(%dma_wait3A_1146 : memref<8x128xf32, #tpu.memory_space<vmem>>) dst(%dma_wait3A_1143 : memref<8x128xf32, #tpu.memory_space<hbm>>)
        %dma_wait3A_1147 = arith.constant 0 : i32
        %dma_wait3A_1148 = arith.constant 5 : i32
        %dma_wait3A_1149 = arith.constant 0 : i32
        %dma_wait3A_1150 = arith.constant 40 : i32
        %dma_wait3A_1151 = arith.constant 0 : i32
        %dma_wait3A_1152 = tpu.memref_slice %arg10[%dma_wait3A_1150, %dma_wait3A_1151] : memref<64x128xf32, #tpu.memory_space<vmem>> -> memref<8x128xf32, #tpu.memory_space<vmem>>
        %dma_wait3A_1153 = arith.constant 0 : i32
        %dma_wait3A_1154 = arith.constant 0 : i32
        %dma_wait3A_1155 = tpu.memref_slice %arg4[%dma_wait3A_1147, %dma_wait3A_1148, %dma_wait3A_1149, %dma_wait3A_1153, %dma_wait3A_1154] : memref<50x8x128x8x128xf32, #tpu.memory_space<hbm>> -> memref<1x1x1x8x128xf32, #tpu.memory_space<hbm>>
        %dma_wait3A_1156 = tpu.memref_squeeze %dma_wait3A_1155 : memref<1x1x1x8x128xf32, #tpu.memory_space<hbm>> -> memref<8x128xf32, #tpu.memory_space<hbm>>
        %dma_wait3A_1157 = arith.constant 0 : i32
        %dma_wait3A_1158 = arith.constant 0 : i32
        %dma_wait3A_1159 = tpu.memref_slice %arg4[%dma_wait3A_1147, %dma_wait3A_1148, %dma_wait3A_1149, %dma_wait3A_1157, %dma_wait3A_1158] : memref<50x8x128x8x128xf32, #tpu.memory_space<hbm>> -> memref<1x1x1x8x128xf32, #tpu.memory_space<hbm>>
        %dma_wait3A_1160 = tpu.memref_squeeze %dma_wait3A_1159 : memref<1x1x1x8x128xf32, #tpu.memory_space<hbm>> -> memref<8x128xf32, #tpu.memory_space<hbm>>
        %dma_wait3A_1161 = arith.constant 40 : i32
        %dma_wait3A_1162 = arith.constant 0 : i32
        %dma_wait3A_1163 = tpu.memref_slice %arg10[%dma_wait3A_1161, %dma_wait3A_1162] : memref<64x128xf32, #tpu.memory_space<vmem>> -> memref<8x128xf32, #tpu.memory_space<vmem>>
        tpu.wait_dma2 semaphore(%arg16 : memref<!tpu.dma_semaphore, #tpu.memory_space<semaphore_mem>>) src(%dma_wait3A_1163 : memref<8x128xf32, #tpu.memory_space<vmem>>) dst(%dma_wait3A_1160 : memref<8x128xf32, #tpu.memory_space<hbm>>)
        %dma_wait3A_1164 = arith.constant 0 : i32
        %dma_wait3A_1165 = arith.constant 6 : i32
        %dma_wait3A_1166 = arith.constant 0 : i32
        %dma_wait3A_1167 = arith.constant 48 : i32
        %dma_wait3A_1168 = arith.constant 0 : i32
        %dma_wait3A_1169 = tpu.memref_slice %arg10[%dma_wait3A_1167, %dma_wait3A_1168] : memref<64x128xf32, #tpu.memory_space<vmem>> -> memref<8x128xf32, #tpu.memory_space<vmem>>
        %dma_wait3A_1170 = arith.constant 0 : i32
        %dma_wait3A_1171 = arith.constant 0 : i32
        %dma_wait3A_1172 = tpu.memref_slice %arg4[%dma_wait3A_1164, %dma_wait3A_1165, %dma_wait3A_1166, %dma_wait3A_1170, %dma_wait3A_1171] : memref<50x8x128x8x128xf32, #tpu.memory_space<hbm>> -> memref<1x1x1x8x128xf32, #tpu.memory_space<hbm>>
        %dma_wait3A_1173 = tpu.memref_squeeze %dma_wait3A_1172 : memref<1x1x1x8x128xf32, #tpu.memory_space<hbm>> -> memref<8x128xf32, #tpu.memory_space<hbm>>
        %dma_wait3A_1174 = arith.constant 0 : i32
        %dma_wait3A_1175 = arith.constant 0 : i32
        %dma_wait3A_1176 = tpu.memref_slice %arg4[%dma_wait3A_1164, %dma_wait3A_1165, %dma_wait3A_1166, %dma_wait3A_1174, %dma_wait3A_1175] : memref<50x8x128x8x128xf32, #tpu.memory_space<hbm>> -> memref<1x1x1x8x128xf32, #tpu.memory_space<hbm>>
        %dma_wait3A_1177 = tpu.memref_squeeze %dma_wait3A_1176 : memref<1x1x1x8x128xf32, #tpu.memory_space<hbm>> -> memref<8x128xf32, #tpu.memory_space<hbm>>
        %dma_wait3A_1178 = arith.constant 48 : i32
        %dma_wait3A_1179 = arith.constant 0 : i32
        %dma_wait3A_1180 = tpu.memref_slice %arg10[%dma_wait3A_1178, %dma_wait3A_1179] : memref<64x128xf32, #tpu.memory_space<vmem>> -> memref<8x128xf32, #tpu.memory_space<vmem>>
        tpu.wait_dma2 semaphore(%arg16 : memref<!tpu.dma_semaphore, #tpu.memory_space<semaphore_mem>>) src(%dma_wait3A_1180 : memref<8x128xf32, #tpu.memory_space<vmem>>) dst(%dma_wait3A_1177 : memref<8x128xf32, #tpu.memory_space<hbm>>)
        %dma_wait3A_1181 = arith.constant 0 : i32
        %dma_wait3A_1182 = arith.constant 7 : i32
        %dma_wait3A_1183 = arith.constant 0 : i32
        %dma_wait3A_1184 = arith.constant 56 : i32
        %dma_wait3A_1185 = arith.constant 0 : i32
        %dma_wait3A_1186 = tpu.memref_slice %arg10[%dma_wait3A_1184, %dma_wait3A_1185] : memref<64x128xf32, #tpu.memory_space<vmem>> -> memref<8x128xf32, #tpu.memory_space<vmem>>
        %dma_wait3A_1187 = arith.constant 0 : i32
        %dma_wait3A_1188 = arith.constant 0 : i32
        %dma_wait3A_1189 = tpu.memref_slice %arg4[%dma_wait3A_1181, %dma_wait3A_1182, %dma_wait3A_1183, %dma_wait3A_1187, %dma_wait3A_1188] : memref<50x8x128x8x128xf32, #tpu.memory_space<hbm>> -> memref<1x1x1x8x128xf32, #tpu.memory_space<hbm>>
        %dma_wait3A_1190 = tpu.memref_squeeze %dma_wait3A_1189 : memref<1x1x1x8x128xf32, #tpu.memory_space<hbm>> -> memref<8x128xf32, #tpu.memory_space<hbm>>
        %dma_wait3A_1191 = arith.constant 0 : i32
        %dma_wait3A_1192 = arith.constant 0 : i32
        %dma_wait3A_1193 = tpu.memref_slice %arg4[%dma_wait3A_1181, %dma_wait3A_1182, %dma_wait3A_1183, %dma_wait3A_1191, %dma_wait3A_1192] : memref<50x8x128x8x128xf32, #tpu.memory_space<hbm>> -> memref<1x1x1x8x128xf32, #tpu.memory_space<hbm>>
        %dma_wait3A_1194 = tpu.memref_squeeze %dma_wait3A_1193 : memref<1x1x1x8x128xf32, #tpu.memory_space<hbm>> -> memref<8x128xf32, #tpu.memory_space<hbm>>
        %dma_wait3A_1195 = arith.constant 56 : i32
        %dma_wait3A_1196 = arith.constant 0 : i32
        %dma_wait3A_1197 = tpu.memref_slice %arg10[%dma_wait3A_1195, %dma_wait3A_1196] : memref<64x128xf32, #tpu.memory_space<vmem>> -> memref<8x128xf32, #tpu.memory_space<vmem>>
        tpu.wait_dma2 semaphore(%arg16 : memref<!tpu.dma_semaphore, #tpu.memory_space<semaphore_mem>>) src(%dma_wait3A_1197 : memref<8x128xf32, #tpu.memory_space<vmem>>) dst(%dma_wait3A_1194 : memref<8x128xf32, #tpu.memory_space<hbm>>)
      } else {
      }
      %parallel_loop3A = arith.constant 0 : i32
      %parallel_loop3A_375 = arith.constant 64 : i32
      %parallel_loop3A_376 = arith.constant 1 : i32
      scf.for %parallel_loop3A_1062 = %parallel_loop3A to %parallel_loop3A_375 step %parallel_loop3A_376  : i32 {
        %parallel_loop3A_1063 = vector.broadcast %parallel_loop3A_1062 : i32 to vector<16xi32>
        %parallel_loop3A_1064 = arith.addi %broadcast_in_dim3A_54, %parallel_loop3A_1063 : vector<16xi32>
        %parallel_loop3A_1065 = arith.index_cast %parallel_loop3A_1062 : i32 to index
        %parallel_loop3A_1066 = arith.constant 0 : index
        %parallel_loop3A_1067 = tpu.vector_load %arg6[%parallel_loop3A_1065, %parallel_loop3A_1066] {strides = array<i32>} : memref<128x64xf32, #tpu.memory_space<vmem>>, vector<16xf32>,
        %parallel_loop3A_1068 = arith.index_cast %parallel_loop3A_1062 : i32 to index
        %parallel_loop3A_1069 = arith.constant 0 : index
        %parallel_loop3A_1070 = tpu.vector_load %arg10[%parallel_loop3A_1068, %parallel_loop3A_1069] {strides = array<i32>} : memref<64x128xf32, #tpu.memory_space<vmem>>, vector<16xf32>,
        tpu.vector_store %arg10[%parallel_loop3A_1068, %parallel_loop3A_1069], %parallel_loop3A_1067 {strides = array<i32>} : memref<64x128xf32, #tpu.memory_space<vmem>>, vector<16xf32>,
        %parallel_loop3A_1071 = arith.index_cast %parallel_loop3A_1062 : i32 to index
        %parallel_loop3A_1072 = arith.constant 16 : index
        %parallel_loop3A_1073 = tpu.vector_load %arg6[%parallel_loop3A_1071, %parallel_loop3A_1072] {strides = array<i32>} : memref<128x64xf32, #tpu.memory_space<vmem>>, vector<16xf32>,
        %parallel_loop3A_1074 = arith.index_cast %parallel_loop3A_1062 : i32 to index
        %parallel_loop3A_1075 = arith.constant 16 : index
        %parallel_loop3A_1076 = tpu.vector_load %arg10[%parallel_loop3A_1074, %parallel_loop3A_1075] {strides = array<i32>} : memref<64x128xf32, #tpu.memory_space<vmem>>, vector<16xf32>,
        tpu.vector_store %arg10[%parallel_loop3A_1074, %parallel_loop3A_1075], %parallel_loop3A_1073 {strides = array<i32>} : memref<64x128xf32, #tpu.memory_space<vmem>>, vector<16xf32>,
        %parallel_loop3A_1077 = arith.index_cast %parallel_loop3A_1062 : i32 to index
        %parallel_loop3A_1078 = arith.constant 32 : index
        %parallel_loop3A_1079 = tpu.vector_load %arg6[%parallel_loop3A_1077, %parallel_loop3A_1078] {strides = array<i32>} : memref<128x64xf32, #tpu.memory_space<vmem>>, vector<16xf32>,
        %parallel_loop3A_1080 = arith.index_cast %parallel_loop3A_1062 : i32 to index
        %parallel_loop3A_1081 = arith.constant 32 : index
        %parallel_loop3A_1082 = tpu.vector_load %arg10[%parallel_loop3A_1080, %parallel_loop3A_1081] {strides = array<i32>} : memref<64x128xf32, #tpu.memory_space<vmem>>, vector<16xf32>,
        tpu.vector_store %arg10[%parallel_loop3A_1080, %parallel_loop3A_1081], %parallel_loop3A_1079 {strides = array<i32>} : memref<64x128xf32, #tpu.memory_space<vmem>>, vector<16xf32>,
        %parallel_loop3A_1083 = arith.index_cast %parallel_loop3A_1062 : i32 to index
        %parallel_loop3A_1084 = arith.constant 48 : index
        %parallel_loop3A_1085 = tpu.vector_load %arg6[%parallel_loop3A_1083, %parallel_loop3A_1084] {strides = array<i32>} : memref<128x64xf32, #tpu.memory_space<vmem>>, vector<16xf32>,
        %parallel_loop3A_1086 = arith.index_cast %parallel_loop3A_1062 : i32 to index
        %parallel_loop3A_1087 = arith.constant 48 : index
        %parallel_loop3A_1088 = tpu.vector_load %arg10[%parallel_loop3A_1086, %parallel_loop3A_1087] {strides = array<i32>} : memref<64x128xf32, #tpu.memory_space<vmem>>, vector<16xf32>,
        tpu.vector_store %arg10[%parallel_loop3A_1086, %parallel_loop3A_1087], %parallel_loop3A_1085 {strides = array<i32>} : memref<64x128xf32, #tpu.memory_space<vmem>>, vector<16xf32>,
        %parallel_loop3A_1089 = arith.index_cast %parallel_loop3A_1062 : i32 to index
        %parallel_loop3A_1090 = arith.constant 0 : index
        %parallel_loop3A_1091 = tpu.vector_load %arg6[%parallel_loop3A_1089, %parallel_loop3A_1090] {strides = array<i32>} : memref<128x64xf32, #tpu.memory_space<vmem>>, vector<16xf32>,
        %parallel_loop3A_1092 = arith.index_cast %parallel_loop3A_1062 : i32 to index
        %parallel_loop3A_1093 = arith.constant 64 : index
        %parallel_loop3A_1094 = tpu.vector_load %arg10[%parallel_loop3A_1092, %parallel_loop3A_1093] {strides = array<i32>} : memref<64x128xf32, #tpu.memory_space<vmem>>, vector<16xf32>,
        tpu.vector_store %arg10[%parallel_loop3A_1092, %parallel_loop3A_1093], %parallel_loop3A_1091 {strides = array<i32>} : memref<64x128xf32, #tpu.memory_space<vmem>>, vector<16xf32>,
        %parallel_loop3A_1095 = arith.index_cast %parallel_loop3A_1062 : i32 to index
        %parallel_loop3A_1096 = arith.constant 16 : index
        %parallel_loop3A_1097 = tpu.vector_load %arg6[%parallel_loop3A_1095, %parallel_loop3A_1096] {strides = array<i32>} : memref<128x64xf32, #tpu.memory_space<vmem>>, vector<16xf32>,
        %parallel_loop3A_1098 = arith.index_cast %parallel_loop3A_1062 : i32 to index
        %parallel_loop3A_1099 = arith.constant 80 : index
        %parallel_loop3A_1100 = tpu.vector_load %arg10[%parallel_loop3A_1098, %parallel_loop3A_1099] {strides = array<i32>} : memref<64x128xf32, #tpu.memory_space<vmem>>, vector<16xf32>,
        tpu.vector_store %arg10[%parallel_loop3A_1098, %parallel_loop3A_1099], %parallel_loop3A_1097 {strides = array<i32>} : memref<64x128xf32, #tpu.memory_space<vmem>>, vector<16xf32>,
        %parallel_loop3A_1101 = arith.index_cast %parallel_loop3A_1062 : i32 to index
        %parallel_loop3A_1102 = arith.constant 32 : index
        %parallel_loop3A_1103 = tpu.vector_load %arg6[%parallel_loop3A_1101, %parallel_loop3A_1102] {strides = array<i32>} : memref<128x64xf32, #tpu.memory_space<vmem>>, vector<16xf32>,
        %parallel_loop3A_1104 = arith.index_cast %parallel_loop3A_1062 : i32 to index
        %parallel_loop3A_1105 = arith.constant 96 : index
        %parallel_loop3A_1106 = tpu.vector_load %arg10[%parallel_loop3A_1104, %parallel_loop3A_1105] {strides = array<i32>} : memref<64x128xf32, #tpu.memory_space<vmem>>, vector<16xf32>,
        tpu.vector_store %arg10[%parallel_loop3A_1104, %parallel_loop3A_1105], %parallel_loop3A_1103 {strides = array<i32>} : memref<64x128xf32, #tpu.memory_space<vmem>>, vector<16xf32>,
        %parallel_loop3A_1107 = arith.index_cast %parallel_loop3A_1062 : i32 to index
        %parallel_loop3A_1108 = arith.constant 48 : index
        %parallel_loop3A_1109 = tpu.vector_load %arg6[%parallel_loop3A_1107, %parallel_loop3A_1108] {strides = array<i32>} : memref<128x64xf32, #tpu.memory_space<vmem>>, vector<16xf32>,
        %parallel_loop3A_1110 = arith.index_cast %parallel_loop3A_1062 : i32 to index
        %parallel_loop3A_1111 = arith.constant 112 : index
        %parallel_loop3A_1112 = tpu.vector_load %arg10[%parallel_loop3A_1110, %parallel_loop3A_1111] {strides = array<i32>} : memref<64x128xf32, #tpu.memory_space<vmem>>, vector<16xf32>,
        tpu.vector_store %arg10[%parallel_loop3A_1110, %parallel_loop3A_1111], %parallel_loop3A_1109 {strides = array<i32>} : memref<64x128xf32, #tpu.memory_space<vmem>>, vector<16xf32>,
      } {sc.loop_unroll_factor = 8 : i64, sc.parallel_access}
      %add3A_377 = arith.constant 4 : i32
      %add3A_378 = arith.addi %add3A_335, %add3A_377 : i32
      %lt3A_379 = arith.constant 200 : i32
      %lt3A_380 = arith.cmpi slt, %add3A_378, %lt3A_379 : i32
      %convert_element_type3A_381 = arith.extui %lt3A_380 : i1 to i32
      %cond3A_382 = arith.constant 0 : i32
      %cond3A_383 = arith.cmpi ne, %convert_element_type3A_381, %cond3A_382 : i32
      scf.if %cond3A_383 {
        %dma_start3A_1062 = arith.constant 0 : i32
        %dma_start3A_1063 = tpu.memref_slice %arg5[%add3A_378, %dma_start3A_1062] : memref<200x128xi32, #tpu.memory_space<vmem>> -> memref<1x128xi32, #tpu.memory_space<vmem>>
        %dma_start3A_1064 = tpu.memref_squeeze %dma_start3A_1063 : memref<1x128xi32, #tpu.memory_space<vmem>> -> memref<128xi32, #tpu.memory_space<vmem>>
        %dma_start3A_1065 = arith.constant 0 : i32
        %dma_start3A_1066 = arith.constant 0 : i32
        %dma_start3A_1067 = tpu.memref_slice %arg3[%dma_start3A_1065, %dma_start3A_1066] : memref<1000000x64xf32, #tpu.memory_space<hbm>> -> memref<1000000x64xf32, #tpu.memory_space<hbm>>
        tpu.enqueue_indirect_dma source(%dma_start3A_1067 : memref<1000000x64xf32, #tpu.memory_space<hbm>>) target(%arg6 : memref<128x64xf32, #tpu.memory_space<vmem>>) offsets(%dma_start3A_1064 : memref<128xi32, #tpu.memory_space<vmem>>) semaphore(%arg12 : memref<!tpu.dma_semaphore, #tpu.memory_space<semaphore_mem>>)
      } else {
      }
      %dma_start3A_384 = arith.constant 0 : i32
      %dma_start3A_385 = arith.constant 0 : i32
      %dma_start3A_386 = arith.constant 0 : i32
      %dma_start3A_387 = tpu.memref_slice %arg10[%dma_start3A_385, %dma_start3A_386] : memref<64x128xf32, #tpu.memory_space<vmem>> -> memref<8x128xf32, #tpu.memory_space<vmem>>
      %dma_start3A_388 = arith.constant 0 : i32
      %dma_start3A_389 = arith.constant 0 : i32
      %dma_start3A_390 = tpu.memref_slice %arg4[%select_n3A, %dma_start3A_384, %select_n3A_366, %dma_start3A_388, %dma_start3A_389] : memref<50x8x128x8x128xf32, #tpu.memory_space<hbm>> -> memref<1x1x1x8x128xf32, #tpu.memory_space<hbm>>
      %dma_start3A_391 = tpu.memref_squeeze %dma_start3A_390 : memref<1x1x1x8x128xf32, #tpu.memory_space<hbm>> -> memref<8x128xf32, #tpu.memory_space<hbm>>
      %dma_start3A_392 = arith.constant 0 : i32
      %dma_start3A_393 = arith.constant 0 : i32
      %dma_start3A_394 = tpu.memref_slice %arg4[%select_n3A, %dma_start3A_384, %select_n3A_366, %dma_start3A_392, %dma_start3A_393] : memref<50x8x128x8x128xf32, #tpu.memory_space<hbm>> -> memref<1x1x1x8x128xf32, #tpu.memory_space<hbm>>
      %dma_start3A_395 = tpu.memref_squeeze %dma_start3A_394 : memref<1x1x1x8x128xf32, #tpu.memory_space<hbm>> -> memref<8x128xf32, #tpu.memory_space<hbm>>
      %dma_start3A_396 = arith.constant 0 : i32
      %dma_start3A_397 = arith.constant 0 : i32
      %dma_start3A_398 = tpu.memref_slice %arg10[%dma_start3A_396, %dma_start3A_397] : memref<64x128xf32, #tpu.memory_space<vmem>> -> memref<8x128xf32, #tpu.memory_space<vmem>>
      tpu.enqueue_dma source(%dma_start3A_398 : memref<8x128xf32, #tpu.memory_space<vmem>>) target(%dma_start3A_395 : memref<8x128xf32, #tpu.memory_space<hbm>>) target_semaphore(%arg16 : memref<!tpu.dma_semaphore, #tpu.memory_space<semaphore_mem>>)
      %dma_start3A_399 = arith.constant 1 : i32
      %dma_start3A_400 = arith.constant 8 : i32
      %dma_start3A_401 = arith.constant 0 : i32
      %dma_start3A_402 = tpu.memref_slice %arg10[%dma_start3A_400, %dma_start3A_401] : memref<64x128xf32, #tpu.memory_space<vmem>> -> memref<8x128xf32, #tpu.memory_space<vmem>>
      %dma_start3A_403 = arith.constant 0 : i32
      %dma_start3A_404 = arith.constant 0 : i32
      %dma_start3A_405 = tpu.memref_slice %arg4[%select_n3A, %dma_start3A_399, %select_n3A_366, %dma_start3A_403, %dma_start3A_404] : memref<50x8x128x8x128xf32, #tpu.memory_space<hbm>> -> memref<1x1x1x8x128xf32, #tpu.memory_space<hbm>>
      %dma_start3A_406 = tpu.memref_squeeze %dma_start3A_405 : memref<1x1x1x8x128xf32, #tpu.memory_space<hbm>> -> memref<8x128xf32, #tpu.memory_space<hbm>>
      %dma_start3A_407 = arith.constant 0 : i32
      %dma_start3A_408 = arith.constant 0 : i32
      %dma_start3A_409 = tpu.memref_slice %arg4[%select_n3A, %dma_start3A_399, %select_n3A_366, %dma_start3A_407, %dma_start3A_408] : memref<50x8x128x8x128xf32, #tpu.memory_space<hbm>> -> memref<1x1x1x8x128xf32, #tpu.memory_space<hbm>>
      %dma_start3A_410 = tpu.memref_squeeze %dma_start3A_409 : memref<1x1x1x8x128xf32, #tpu.memory_space<hbm>> -> memref<8x128xf32, #tpu.memory_space<hbm>>
      %dma_start3A_411 = arith.constant 8 : i32
      %dma_start3A_412 = arith.constant 0 : i32
      %dma_start3A_413 = tpu.memref_slice %arg10[%dma_start3A_411, %dma_start3A_412] : memref<64x128xf32, #tpu.memory_space<vmem>> -> memref<8x128xf32, #tpu.memory_space<vmem>>
      tpu.enqueue_dma source(%dma_start3A_413 : memref<8x128xf32, #tpu.memory_space<vmem>>) target(%dma_start3A_410 : memref<8x128xf32, #tpu.memory_space<hbm>>) target_semaphore(%arg16 : memref<!tpu.dma_semaphore, #tpu.memory_space<semaphore_mem>>)
      %dma_start3A_414 = arith.constant 2 : i32
      %dma_start3A_415 = arith.constant 16 : i32
      %dma_start3A_416 = arith.constant 0 : i32
      %dma_start3A_417 = tpu.memref_slice %arg10[%dma_start3A_415, %dma_start3A_416] : memref<64x128xf32, #tpu.memory_space<vmem>> -> memref<8x128xf32, #tpu.memory_space<vmem>>
      %dma_start3A_418 = arith.constant 0 : i32
      %dma_start3A_419 = arith.constant 0 : i32
      %dma_start3A_420 = tpu.memref_slice %arg4[%select_n3A, %dma_start3A_414, %select_n3A_366, %dma_start3A_418, %dma_start3A_419] : memref<50x8x128x8x128xf32, #tpu.memory_space<hbm>> -> memref<1x1x1x8x128xf32, #tpu.memory_space<hbm>>
      %dma_start3A_421 = tpu.memref_squeeze %dma_start3A_420 : memref<1x1x1x8x128xf32, #tpu.memory_space<hbm>> -> memref<8x128xf32, #tpu.memory_space<hbm>>
      %dma_start3A_422 = arith.constant 0 : i32
      %dma_start3A_423 = arith.constant 0 : i32
      %dma_start3A_424 = tpu.memref_slice %arg4[%select_n3A, %dma_start3A_414, %select_n3A_366, %dma_start3A_422, %dma_start3A_423] : memref<50x8x128x8x128xf32, #tpu.memory_space<hbm>> -> memref<1x1x1x8x128xf32, #tpu.memory_space<hbm>>
      %dma_start3A_425 = tpu.memref_squeeze %dma_start3A_424 : memref<1x1x1x8x128xf32, #tpu.memory_space<hbm>> -> memref<8x128xf32, #tpu.memory_space<hbm>>
      %dma_start3A_426 = arith.constant 16 : i32
      %dma_start3A_427 = arith.constant 0 : i32
      %dma_start3A_428 = tpu.memref_slice %arg10[%dma_start3A_426, %dma_start3A_427] : memref<64x128xf32, #tpu.memory_space<vmem>> -> memref<8x128xf32, #tpu.memory_space<vmem>>
      tpu.enqueue_dma source(%dma_start3A_428 : memref<8x128xf32, #tpu.memory_space<vmem>>) target(%dma_start3A_425 : memref<8x128xf32, #tpu.memory_space<hbm>>) target_semaphore(%arg16 : memref<!tpu.dma_semaphore, #tpu.memory_space<semaphore_mem>>)
      %dma_start3A_429 = arith.constant 3 : i32
      %dma_start3A_430 = arith.constant 24 : i32
      %dma_start3A_431 = arith.constant 0 : i32
      %dma_start3A_432 = tpu.memref_slice %arg10[%dma_start3A_430, %dma_start3A_431] : memref<64x128xf32, #tpu.memory_space<vmem>> -> memref<8x128xf32, #tpu.memory_space<vmem>>
      %dma_start3A_433 = arith.constant 0 : i32
      %dma_start3A_434 = arith.constant 0 : i32
      %dma_start3A_435 = tpu.memref_slice %arg4[%select_n3A, %dma_start3A_429, %select_n3A_366, %dma_start3A_433, %dma_start3A_434] : memref<50x8x128x8x128xf32, #tpu.memory_space<hbm>> -> memref<1x1x1x8x128xf32, #tpu.memory_space<hbm>>
      %dma_start3A_436 = tpu.memref_squeeze %dma_start3A_435 : memref<1x1x1x8x128xf32, #tpu.memory_space<hbm>> -> memref<8x128xf32, #tpu.memory_space<hbm>>
      %dma_start3A_437 = arith.constant 0 : i32
      %dma_start3A_438 = arith.constant 0 : i32
      %dma_start3A_439 = tpu.memref_slice %arg4[%select_n3A, %dma_start3A_429, %select_n3A_366, %dma_start3A_437, %dma_start3A_438] : memref<50x8x128x8x128xf32, #tpu.memory_space<hbm>> -> memref<1x1x1x8x128xf32, #tpu.memory_space<hbm>>
      %dma_start3A_440 = tpu.memref_squeeze %dma_start3A_439 : memref<1x1x1x8x128xf32, #tpu.memory_space<hbm>> -> memref<8x128xf32, #tpu.memory_space<hbm>>
      %dma_start3A_441 = arith.constant 24 : i32
      %dma_start3A_442 = arith.constant 0 : i32
      %dma_start3A_443 = tpu.memref_slice %arg10[%dma_start3A_441, %dma_start3A_442] : memref<64x128xf32, #tpu.memory_space<vmem>> -> memref<8x128xf32, #tpu.memory_space<vmem>>
      tpu.enqueue_dma source(%dma_start3A_443 : memref<8x128xf32, #tpu.memory_space<vmem>>) target(%dma_start3A_440 : memref<8x128xf32, #tpu.memory_space<hbm>>) target_semaphore(%arg16 : memref<!tpu.dma_semaphore, #tpu.memory_space<semaphore_mem>>)
      %dma_start3A_444 = arith.constant 4 : i32
      %dma_start3A_445 = arith.constant 32 : i32
      %dma_start3A_446 = arith.constant 0 : i32
      %dma_start3A_447 = tpu.memref_slice %arg10[%dma_start3A_445, %dma_start3A_446] : memref<64x128xf32, #tpu.memory_space<vmem>> -> memref<8x128xf32, #tpu.memory_space<vmem>>
      %dma_start3A_448 = arith.constant 0 : i32
      %dma_start3A_449 = arith.constant 0 : i32
      %dma_start3A_450 = tpu.memref_slice %arg4[%select_n3A, %dma_start3A_444, %select_n3A_366, %dma_start3A_448, %dma_start3A_449] : memref<50x8x128x8x128xf32, #tpu.memory_space<hbm>> -> memref<1x1x1x8x128xf32, #tpu.memory_space<hbm>>
      %dma_start3A_451 = tpu.memref_squeeze %dma_start3A_450 : memref<1x1x1x8x128xf32, #tpu.memory_space<hbm>> -> memref<8x128xf32, #tpu.memory_space<hbm>>
      %dma_start3A_452 = arith.constant 0 : i32
      %dma_start3A_453 = arith.constant 0 : i32
      %dma_start3A_454 = tpu.memref_slice %arg4[%select_n3A, %dma_start3A_444, %select_n3A_366, %dma_start3A_452, %dma_start3A_453] : memref<50x8x128x8x128xf32, #tpu.memory_space<hbm>> -> memref<1x1x1x8x128xf32, #tpu.memory_space<hbm>>
      %dma_start3A_455 = tpu.memref_squeeze %dma_start3A_454 : memref<1x1x1x8x128xf32, #tpu.memory_space<hbm>> -> memref<8x128xf32, #tpu.memory_space<hbm>>
      %dma_start3A_456 = arith.constant 32 : i32
      %dma_start3A_457 = arith.constant 0 : i32
      %dma_start3A_458 = tpu.memref_slice %arg10[%dma_start3A_456, %dma_start3A_457] : memref<64x128xf32, #tpu.memory_space<vmem>> -> memref<8x128xf32, #tpu.memory_space<vmem>>
      tpu.enqueue_dma source(%dma_start3A_458 : memref<8x128xf32, #tpu.memory_space<vmem>>) target(%dma_start3A_455 : memref<8x128xf32, #tpu.memory_space<hbm>>) target_semaphore(%arg16 : memref<!tpu.dma_semaphore, #tpu.memory_space<semaphore_mem>>)
      %dma_start3A_459 = arith.constant 5 : i32
      %dma_start3A_460 = arith.constant 40 : i32
      %dma_start3A_461 = arith.constant 0 : i32
      %dma_start3A_462 = tpu.memref_slice %arg10[%dma_start3A_460, %dma_start3A_461] : memref<64x128xf32, #tpu.memory_space<vmem>> -> memref<8x128xf32, #tpu.memory_space<vmem>>
      %dma_start3A_463 = arith.constant 0 : i32
      %dma_start3A_464 = arith.constant 0 : i32
      %dma_start3A_465 = tpu.memref_slice %arg4[%select_n3A, %dma_start3A_459, %select_n3A_366, %dma_start3A_463, %dma_start3A_464] : memref<50x8x128x8x128xf32, #tpu.memory_space<hbm>> -> memref<1x1x1x8x128xf32, #tpu.memory_space<hbm>>
      %dma_start3A_466 = tpu.memref_squeeze %dma_start3A_465 : memref<1x1x1x8x128xf32, #tpu.memory_space<hbm>> -> memref<8x128xf32, #tpu.memory_space<hbm>>
      %dma_start3A_467 = arith.constant 0 : i32
      %dma_start3A_468 = arith.constant 0 : i32
      %dma_start3A_469 = tpu.memref_slice %arg4[%select_n3A, %dma_start3A_459, %select_n3A_366, %dma_start3A_467, %dma_start3A_468] : memref<50x8x128x8x128xf32, #tpu.memory_space<hbm>> -> memref<1x1x1x8x128xf32, #tpu.memory_space<hbm>>
      %dma_start3A_470 = tpu.memref_squeeze %dma_start3A_469 : memref<1x1x1x8x128xf32, #tpu.memory_space<hbm>> -> memref<8x128xf32, #tpu.memory_space<hbm>>
      %dma_start3A_471 = arith.constant 40 : i32
      %dma_start3A_472 = arith.constant 0 : i32
      %dma_start3A_473 = tpu.memref_slice %arg10[%dma_start3A_471, %dma_start3A_472] : memref<64x128xf32, #tpu.memory_space<vmem>> -> memref<8x128xf32, #tpu.memory_space<vmem>>
      tpu.enqueue_dma source(%dma_start3A_473 : memref<8x128xf32, #tpu.memory_space<vmem>>) target(%dma_start3A_470 : memref<8x128xf32, #tpu.memory_space<hbm>>) target_semaphore(%arg16 : memref<!tpu.dma_semaphore, #tpu.memory_space<semaphore_mem>>)
      %dma_start3A_474 = arith.constant 6 : i32
      %dma_start3A_475 = arith.constant 48 : i32
      %dma_start3A_476 = arith.constant 0 : i32
      %dma_start3A_477 = tpu.memref_slice %arg10[%dma_start3A_475, %dma_start3A_476] : memref<64x128xf32, #tpu.memory_space<vmem>> -> memref<8x128xf32, #tpu.memory_space<vmem>>
      %dma_start3A_478 = arith.constant 0 : i32
      %dma_start3A_479 = arith.constant 0 : i32
      %dma_start3A_480 = tpu.memref_slice %arg4[%select_n3A, %dma_start3A_474, %select_n3A_366, %dma_start3A_478, %dma_start3A_479] : memref<50x8x128x8x128xf32, #tpu.memory_space<hbm>> -> memref<1x1x1x8x128xf32, #tpu.memory_space<hbm>>
      %dma_start3A_481 = tpu.memref_squeeze %dma_start3A_480 : memref<1x1x1x8x128xf32, #tpu.memory_space<hbm>> -> memref<8x128xf32, #tpu.memory_space<hbm>>
      %dma_start3A_482 = arith.constant 0 : i32
      %dma_start3A_483 = arith.constant 0 : i32
      %dma_start3A_484 = tpu.memref_slice %arg4[%select_n3A, %dma_start3A_474, %select_n3A_366, %dma_start3A_482, %dma_start3A_483] : memref<50x8x128x8x128xf32, #tpu.memory_space<hbm>> -> memref<1x1x1x8x128xf32, #tpu.memory_space<hbm>>
      %dma_start3A_485 = tpu.memref_squeeze %dma_start3A_484 : memref<1x1x1x8x128xf32, #tpu.memory_space<hbm>> -> memref<8x128xf32, #tpu.memory_space<hbm>>
      %dma_start3A_486 = arith.constant 48 : i32
      %dma_start3A_487 = arith.constant 0 : i32
      %dma_start3A_488 = tpu.memref_slice %arg10[%dma_start3A_486, %dma_start3A_487] : memref<64x128xf32, #tpu.memory_space<vmem>> -> memref<8x128xf32, #tpu.memory_space<vmem>>
      tpu.enqueue_dma source(%dma_start3A_488 : memref<8x128xf32, #tpu.memory_space<vmem>>) target(%dma_start3A_485 : memref<8x128xf32, #tpu.memory_space<hbm>>) target_semaphore(%arg16 : memref<!tpu.dma_semaphore, #tpu.memory_space<semaphore_mem>>)
      %dma_start3A_489 = arith.constant 7 : i32
      %dma_start3A_490 = arith.constant 56 : i32
      %dma_start3A_491 = arith.constant 0 : i32
      %dma_start3A_492 = tpu.memref_slice %arg10[%dma_start3A_490, %dma_start3A_491] : memref<64x128xf32, #tpu.memory_space<vmem>> -> memref<8x128xf32, #tpu.memory_space<vmem>>
      %dma_start3A_493 = arith.constant 0 : i32
      %dma_start3A_494 = arith.constant 0 : i32
      %dma_start3A_495 = tpu.memref_slice %arg4[%select_n3A, %dma_start3A_489, %select_n3A_366, %dma_start3A_493, %dma_start3A_494] : memref<50x8x128x8x128xf32, #tpu.memory_space<hbm>> -> memref<1x1x1x8x128xf32, #tpu.memory_space<hbm>>
      %dma_start3A_496 = tpu.memref_squeeze %dma_start3A_495 : memref<1x1x1x8x128xf32, #tpu.memory_space<hbm>> -> memref<8x128xf32, #tpu.memory_space<hbm>>
      %dma_start3A_497 = arith.constant 0 : i32
      %dma_start3A_498 = arith.constant 0 : i32
      %dma_start3A_499 = tpu.memref_slice %arg4[%select_n3A, %dma_start3A_489, %select_n3A_366, %dma_start3A_497, %dma_start3A_498] : memref<50x8x128x8x128xf32, #tpu.memory_space<hbm>> -> memref<1x1x1x8x128xf32, #tpu.memory_space<hbm>>
      %dma_start3A_500 = tpu.memref_squeeze %dma_start3A_499 : memref<1x1x1x8x128xf32, #tpu.memory_space<hbm>> -> memref<8x128xf32, #tpu.memory_space<hbm>>
      %dma_start3A_501 = arith.constant 56 : i32
      %dma_start3A_502 = arith.constant 0 : i32
      %dma_start3A_503 = tpu.memref_slice %arg10[%dma_start3A_501, %dma_start3A_502] : memref<64x128xf32, #tpu.memory_space<vmem>> -> memref<8x128xf32, #tpu.memory_space<vmem>>
      tpu.enqueue_dma source(%dma_start3A_503 : memref<8x128xf32, #tpu.memory_space<vmem>>) target(%dma_start3A_500 : memref<8x128xf32, #tpu.memory_space<hbm>>) target_semaphore(%arg16 : memref<!tpu.dma_semaphore, #tpu.memory_space<semaphore_mem>>)
      %mul3A_504 = arith.constant 4 : i32
      %mul3A_505 = arith.muli %scan3A_331, %mul3A_504 : i32
      %add3A_506 = arith.constant 1 : i32
      %add3A_507 = arith.addi %mul3A_505, %add3A_506 : i32
      %add3A_508 = arith.addi %mul3A_2, %add3A_507 : i32
      %jit3A_509 = arith.constant 128 : i32
      %div3A_510 = arith.divsi %add3A_508, %jit3A_509 : i32
      %sign3A_511 = arith.constant 0 : i32
      %sign3A_512 = arith.cmpi sgt, %add3A_508, %sign3A_511 : i32
      %sign3A_513 = arith.extui %sign3A_512 : i1 to i32
      %sign3A_514 = arith.constant 0 : i32
      %sign3A_515 = arith.cmpi slt, %add3A_508, %sign3A_514 : i32
      %sign3A_516 = arith.extui %sign3A_515 : i1 to i32
      %sign3A_517 = arith.subi %sign3A_513, %sign3A_516 : i32
      %sign3A_518 = arith.constant 0 : i32
      %sign3A_519 = arith.cmpi sgt, %jit3A_509, %sign3A_518 : i32
      %sign3A_520 = arith.extui %sign3A_519 : i1 to i32
      %sign3A_521 = arith.constant 0 : i32
      %sign3A_522 = arith.cmpi slt, %jit3A_509, %sign3A_521 : i32
      %sign3A_523 = arith.extui %sign3A_522 : i1 to i32
      %sign3A_524 = arith.subi %sign3A_520, %sign3A_523 : i32
      %ne3A_525 = arith.cmpi ne, %sign3A_517, %sign3A_524 : i32
      %rem3A_526 = arith.remsi %add3A_508, %jit3A_509 : i32
      %ne3A_527 = arith.constant 0 : i32
      %ne3A_528 = arith.cmpi ne, %rem3A_526, %ne3A_527 : i32
      %and3A_529 = arith.andi %ne3A_525, %ne3A_528 : i1
      %sub3A_530 = arith.constant 1 : i32
      %sub3A_531 = arith.subi %div3A_510, %sub3A_530 : i32
      %select_n3A_532 = arith.select %and3A_529, %sub3A_531, %div3A_510 : i32
      %jit3A_533 = arith.constant 128 : i32
      %eq3A_534 = arith.constant 0 : i32
      %eq3A_535 = arith.cmpi eq, %jit3A_533, %eq3A_534 : i32
      %jit3A_536 = arith.constant 1 : i32
      %select_n3A_537 = arith.select %eq3A_535, %jit3A_536, %jit3A_533 : i32
      %rem3A_538 = arith.remsi %add3A_508, %select_n3A_537 : i32
      %ne3A_539 = arith.constant 0 : i32
      %ne3A_540 = arith.cmpi ne, %rem3A_538, %ne3A_539 : i32
      %lt3A_541 = arith.constant 0 : i32
      %lt3A_542 = arith.cmpi slt, %rem3A_538, %lt3A_541 : i32
      %lt3A_543 = arith.constant 0 : i32
      %lt3A_544 = arith.cmpi slt, %select_n3A_537, %lt3A_543 : i32
      %ne3A_545 = arith.xori %lt3A_542, %lt3A_544 : i1
      %and3A_546 = arith.andi %ne3A_545, %ne3A_540 : i1
      %add3A_547 = arith.addi %rem3A_538, %select_n3A_537 : i32
      %select_n3A_548 = arith.select %and3A_546, %add3A_547, %rem3A_538 : i32
      %dma_wait3A_549 = arith.constant 0 : i32
      %dma_wait3A_550 = arith.constant 0 : i32
      %dma_wait3A_551 = tpu.memref_slice %arg3[%dma_wait3A_549, %dma_wait3A_550] : memref<1000000x64xf32, #tpu.memory_space<hbm>> -> memref<128x64xf32, #tpu.memory_space<hbm>>
      %dma_wait3A_552 = arith.constant 0 : i32
      %dma_wait3A_553 = arith.constant 0 : i32
      %dma_wait3A_554 = tpu.memref_slice %arg3[%dma_wait3A_552, %dma_wait3A_553] : memref<1000000x64xf32, #tpu.memory_space<hbm>> -> memref<128x64xf32, #tpu.memory_space<hbm>>
      tpu.wait_dma2 semaphore(%arg13 : memref<!tpu.dma_semaphore, #tpu.memory_space<semaphore_mem>>) src(%dma_wait3A_554 : memref<128x64xf32, #tpu.memory_space<hbm>>) dst(%arg7 : memref<128x64xf32, #tpu.memory_space<vmem>>)
      %ge3A_555 = arith.constant 2 : i32
      %ge3A_556 = arith.cmpi sge, %add3A_507, %ge3A_555 : i32
      %convert_element_type3A_557 = arith.extui %ge3A_556 : i1 to i32
      %cond3A_558 = arith.constant 0 : i32
      %cond3A_559 = arith.cmpi ne, %convert_element_type3A_557, %cond3A_558 : i32
      scf.if %cond3A_559 {
        %dma_wait3A_1062 = arith.constant 0 : i32
        %dma_wait3A_1063 = arith.constant 0 : i32
        %dma_wait3A_1064 = arith.constant 0 : i32
        %dma_wait3A_1065 = arith.constant 0 : i32
        %dma_wait3A_1066 = arith.constant 0 : i32
        %dma_wait3A_1067 = tpu.memref_slice %arg11[%dma_wait3A_1065, %dma_wait3A_1066] : memref<64x128xf32, #tpu.memory_space<vmem>> -> memref<8x128xf32, #tpu.memory_space<vmem>>
        %dma_wait3A_1068 = arith.constant 0 : i32
        %dma_wait3A_1069 = arith.constant 0 : i32
        %dma_wait3A_1070 = tpu.memref_slice %arg4[%dma_wait3A_1062, %dma_wait3A_1063, %dma_wait3A_1064, %dma_wait3A_1068, %dma_wait3A_1069] : memref<50x8x128x8x128xf32, #tpu.memory_space<hbm>> -> memref<1x1x1x8x128xf32, #tpu.memory_space<hbm>>
        %dma_wait3A_1071 = tpu.memref_squeeze %dma_wait3A_1070 : memref<1x1x1x8x128xf32, #tpu.memory_space<hbm>> -> memref<8x128xf32, #tpu.memory_space<hbm>>
        %dma_wait3A_1072 = arith.constant 0 : i32
        %dma_wait3A_1073 = arith.constant 0 : i32
        %dma_wait3A_1074 = tpu.memref_slice %arg4[%dma_wait3A_1062, %dma_wait3A_1063, %dma_wait3A_1064, %dma_wait3A_1072, %dma_wait3A_1073] : memref<50x8x128x8x128xf32, #tpu.memory_space<hbm>> -> memref<1x1x1x8x128xf32, #tpu.memory_space<hbm>>
        %dma_wait3A_1075 = tpu.memref_squeeze %dma_wait3A_1074 : memref<1x1x1x8x128xf32, #tpu.memory_space<hbm>> -> memref<8x128xf32, #tpu.memory_space<hbm>>
        %dma_wait3A_1076 = arith.constant 0 : i32
        %dma_wait3A_1077 = arith.constant 0 : i32
        %dma_wait3A_1078 = tpu.memref_slice %arg11[%dma_wait3A_1076, %dma_wait3A_1077] : memref<64x128xf32, #tpu.memory_space<vmem>> -> memref<8x128xf32, #tpu.memory_space<vmem>>
        tpu.wait_dma2 semaphore(%arg17 : memref<!tpu.dma_semaphore, #tpu.memory_space<semaphore_mem>>) src(%dma_wait3A_1078 : memref<8x128xf32, #tpu.memory_space<vmem>>) dst(%dma_wait3A_1075 : memref<8x128xf32, #tpu.memory_space<hbm>>)
        %dma_wait3A_1079 = arith.constant 0 : i32
        %dma_wait3A_1080 = arith.constant 1 : i32
        %dma_wait3A_1081 = arith.constant 0 : i32
        %dma_wait3A_1082 = arith.constant 8 : i32
        %dma_wait3A_1083 = arith.constant 0 : i32
        %dma_wait3A_1084 = tpu.memref_slice %arg11[%dma_wait3A_1082, %dma_wait3A_1083] : memref<64x128xf32, #tpu.memory_space<vmem>> -> memref<8x128xf32, #tpu.memory_space<vmem>>
        %dma_wait3A_1085 = arith.constant 0 : i32
        %dma_wait3A_1086 = arith.constant 0 : i32
        %dma_wait3A_1087 = tpu.memref_slice %arg4[%dma_wait3A_1079, %dma_wait3A_1080, %dma_wait3A_1081, %dma_wait3A_1085, %dma_wait3A_1086] : memref<50x8x128x8x128xf32, #tpu.memory_space<hbm>> -> memref<1x1x1x8x128xf32, #tpu.memory_space<hbm>>
        %dma_wait3A_1088 = tpu.memref_squeeze %dma_wait3A_1087 : memref<1x1x1x8x128xf32, #tpu.memory_space<hbm>> -> memref<8x128xf32, #tpu.memory_space<hbm>>
        %dma_wait3A_1089 = arith.constant 0 : i32
        %dma_wait3A_1090 = arith.constant 0 : i32
        %dma_wait3A_1091 = tpu.memref_slice %arg4[%dma_wait3A_1079, %dma_wait3A_1080, %dma_wait3A_1081, %dma_wait3A_1089, %dma_wait3A_1090] : memref<50x8x128x8x128xf32, #tpu.memory_space<hbm>> -> memref<1x1x1x8x128xf32, #tpu.memory_space<hbm>>
        %dma_wait3A_1092 = tpu.memref_squeeze %dma_wait3A_1091 : memref<1x1x1x8x128xf32, #tpu.memory_space<hbm>> -> memref<8x128xf32, #tpu.memory_space<hbm>>
        %dma_wait3A_1093 = arith.constant 8 : i32
        %dma_wait3A_1094 = arith.constant 0 : i32
        %dma_wait3A_1095 = tpu.memref_slice %arg11[%dma_wait3A_1093, %dma_wait3A_1094] : memref<64x128xf32, #tpu.memory_space<vmem>> -> memref<8x128xf32, #tpu.memory_space<vmem>>
        tpu.wait_dma2 semaphore(%arg17 : memref<!tpu.dma_semaphore, #tpu.memory_space<semaphore_mem>>) src(%dma_wait3A_1095 : memref<8x128xf32, #tpu.memory_space<vmem>>) dst(%dma_wait3A_1092 : memref<8x128xf32, #tpu.memory_space<hbm>>)
        %dma_wait3A_1096 = arith.constant 0 : i32
        %dma_wait3A_1097 = arith.constant 2 : i32
        %dma_wait3A_1098 = arith.constant 0 : i32
        %dma_wait3A_1099 = arith.constant 16 : i32
        %dma_wait3A_1100 = arith.constant 0 : i32
        %dma_wait3A_1101 = tpu.memref_slice %arg11[%dma_wait3A_1099, %dma_wait3A_1100] : memref<64x128xf32, #tpu.memory_space<vmem>> -> memref<8x128xf32, #tpu.memory_space<vmem>>
        %dma_wait3A_1102 = arith.constant 0 : i32
        %dma_wait3A_1103 = arith.constant 0 : i32
        %dma_wait3A_1104 = tpu.memref_slice %arg4[%dma_wait3A_1096, %dma_wait3A_1097, %dma_wait3A_1098, %dma_wait3A_1102, %dma_wait3A_1103] : memref<50x8x128x8x128xf32, #tpu.memory_space<hbm>> -> memref<1x1x1x8x128xf32, #tpu.memory_space<hbm>>
        %dma_wait3A_1105 = tpu.memref_squeeze %dma_wait3A_1104 : memref<1x1x1x8x128xf32, #tpu.memory_space<hbm>> -> memref<8x128xf32, #tpu.memory_space<hbm>>
        %dma_wait3A_1106 = arith.constant 0 : i32
        %dma_wait3A_1107 = arith.constant 0 : i32
        %dma_wait3A_1108 = tpu.memref_slice %arg4[%dma_wait3A_1096, %dma_wait3A_1097, %dma_wait3A_1098, %dma_wait3A_1106, %dma_wait3A_1107] : memref<50x8x128x8x128xf32, #tpu.memory_space<hbm>> -> memref<1x1x1x8x128xf32, #tpu.memory_space<hbm>>
        %dma_wait3A_1109 = tpu.memref_squeeze %dma_wait3A_1108 : memref<1x1x1x8x128xf32, #tpu.memory_space<hbm>> -> memref<8x128xf32, #tpu.memory_space<hbm>>
        %dma_wait3A_1110 = arith.constant 16 : i32
        %dma_wait3A_1111 = arith.constant 0 : i32
        %dma_wait3A_1112 = tpu.memref_slice %arg11[%dma_wait3A_1110, %dma_wait3A_1111] : memref<64x128xf32, #tpu.memory_space<vmem>> -> memref<8x128xf32, #tpu.memory_space<vmem>>
        tpu.wait_dma2 semaphore(%arg17 : memref<!tpu.dma_semaphore, #tpu.memory_space<semaphore_mem>>) src(%dma_wait3A_1112 : memref<8x128xf32, #tpu.memory_space<vmem>>) dst(%dma_wait3A_1109 : memref<8x128xf32, #tpu.memory_space<hbm>>)
        %dma_wait3A_1113 = arith.constant 0 : i32
        %dma_wait3A_1114 = arith.constant 3 : i32
        %dma_wait3A_1115 = arith.constant 0 : i32
        %dma_wait3A_1116 = arith.constant 24 : i32
        %dma_wait3A_1117 = arith.constant 0 : i32
        %dma_wait3A_1118 = tpu.memref_slice %arg11[%dma_wait3A_1116, %dma_wait3A_1117] : memref<64x128xf32, #tpu.memory_space<vmem>> -> memref<8x128xf32, #tpu.memory_space<vmem>>
        %dma_wait3A_1119 = arith.constant 0 : i32
        %dma_wait3A_1120 = arith.constant 0 : i32
        %dma_wait3A_1121 = tpu.memref_slice %arg4[%dma_wait3A_1113, %dma_wait3A_1114, %dma_wait3A_1115, %dma_wait3A_1119, %dma_wait3A_1120] : memref<50x8x128x8x128xf32, #tpu.memory_space<hbm>> -> memref<1x1x1x8x128xf32, #tpu.memory_space<hbm>>
        %dma_wait3A_1122 = tpu.memref_squeeze %dma_wait3A_1121 : memref<1x1x1x8x128xf32, #tpu.memory_space<hbm>> -> memref<8x128xf32, #tpu.memory_space<hbm>>
        %dma_wait3A_1123 = arith.constant 0 : i32
        %dma_wait3A_1124 = arith.constant 0 : i32
        %dma_wait3A_1125 = tpu.memref_slice %arg4[%dma_wait3A_1113, %dma_wait3A_1114, %dma_wait3A_1115, %dma_wait3A_1123, %dma_wait3A_1124] : memref<50x8x128x8x128xf32, #tpu.memory_space<hbm>> -> memref<1x1x1x8x128xf32, #tpu.memory_space<hbm>>
        %dma_wait3A_1126 = tpu.memref_squeeze %dma_wait3A_1125 : memref<1x1x1x8x128xf32, #tpu.memory_space<hbm>> -> memref<8x128xf32, #tpu.memory_space<hbm>>
        %dma_wait3A_1127 = arith.constant 24 : i32
        %dma_wait3A_1128 = arith.constant 0 : i32
        %dma_wait3A_1129 = tpu.memref_slice %arg11[%dma_wait3A_1127, %dma_wait3A_1128] : memref<64x128xf32, #tpu.memory_space<vmem>> -> memref<8x128xf32, #tpu.memory_space<vmem>>
        tpu.wait_dma2 semaphore(%arg17 : memref<!tpu.dma_semaphore, #tpu.memory_space<semaphore_mem>>) src(%dma_wait3A_1129 : memref<8x128xf32, #tpu.memory_space<vmem>>) dst(%dma_wait3A_1126 : memref<8x128xf32, #tpu.memory_space<hbm>>)
        %dma_wait3A_1130 = arith.constant 0 : i32
        %dma_wait3A_1131 = arith.constant 4 : i32
        %dma_wait3A_1132 = arith.constant 0 : i32
        %dma_wait3A_1133 = arith.constant 32 : i32
        %dma_wait3A_1134 = arith.constant 0 : i32
        %dma_wait3A_1135 = tpu.memref_slice %arg11[%dma_wait3A_1133, %dma_wait3A_1134] : memref<64x128xf32, #tpu.memory_space<vmem>> -> memref<8x128xf32, #tpu.memory_space<vmem>>
        %dma_wait3A_1136 = arith.constant 0 : i32
        %dma_wait3A_1137 = arith.constant 0 : i32
        %dma_wait3A_1138 = tpu.memref_slice %arg4[%dma_wait3A_1130, %dma_wait3A_1131, %dma_wait3A_1132, %dma_wait3A_1136, %dma_wait3A_1137] : memref<50x8x128x8x128xf32, #tpu.memory_space<hbm>> -> memref<1x1x1x8x128xf32, #tpu.memory_space<hbm>>
        %dma_wait3A_1139 = tpu.memref_squeeze %dma_wait3A_1138 : memref<1x1x1x8x128xf32, #tpu.memory_space<hbm>> -> memref<8x128xf32, #tpu.memory_space<hbm>>
        %dma_wait3A_1140 = arith.constant 0 : i32
        %dma_wait3A_1141 = arith.constant 0 : i32
        %dma_wait3A_1142 = tpu.memref_slice %arg4[%dma_wait3A_1130, %dma_wait3A_1131, %dma_wait3A_1132, %dma_wait3A_1140, %dma_wait3A_1141] : memref<50x8x128x8x128xf32, #tpu.memory_space<hbm>> -> memref<1x1x1x8x128xf32, #tpu.memory_space<hbm>>
        %dma_wait3A_1143 = tpu.memref_squeeze %dma_wait3A_1142 : memref<1x1x1x8x128xf32, #tpu.memory_space<hbm>> -> memref<8x128xf32, #tpu.memory_space<hbm>>
        %dma_wait3A_1144 = arith.constant 32 : i32
        %dma_wait3A_1145 = arith.constant 0 : i32
        %dma_wait3A_1146 = tpu.memref_slice %arg11[%dma_wait3A_1144, %dma_wait3A_1145] : memref<64x128xf32, #tpu.memory_space<vmem>> -> memref<8x128xf32, #tpu.memory_space<vmem>>
        tpu.wait_dma2 semaphore(%arg17 : memref<!tpu.dma_semaphore, #tpu.memory_space<semaphore_mem>>) src(%dma_wait3A_1146 : memref<8x128xf32, #tpu.memory_space<vmem>>) dst(%dma_wait3A_1143 : memref<8x128xf32, #tpu.memory_space<hbm>>)
        %dma_wait3A_1147 = arith.constant 0 : i32
        %dma_wait3A_1148 = arith.constant 5 : i32
        %dma_wait3A_1149 = arith.constant 0 : i32
        %dma_wait3A_1150 = arith.constant 40 : i32
        %dma_wait3A_1151 = arith.constant 0 : i32
        %dma_wait3A_1152 = tpu.memref_slice %arg11[%dma_wait3A_1150, %dma_wait3A_1151] : memref<64x128xf32, #tpu.memory_space<vmem>> -> memref<8x128xf32, #tpu.memory_space<vmem>>
        %dma_wait3A_1153 = arith.constant 0 : i32
        %dma_wait3A_1154 = arith.constant 0 : i32
        %dma_wait3A_1155 = tpu.memref_slice %arg4[%dma_wait3A_1147, %dma_wait3A_1148, %dma_wait3A_1149, %dma_wait3A_1153, %dma_wait3A_1154] : memref<50x8x128x8x128xf32, #tpu.memory_space<hbm>> -> memref<1x1x1x8x128xf32, #tpu.memory_space<hbm>>
        %dma_wait3A_1156 = tpu.memref_squeeze %dma_wait3A_1155 : memref<1x1x1x8x128xf32, #tpu.memory_space<hbm>> -> memref<8x128xf32, #tpu.memory_space<hbm>>
        %dma_wait3A_1157 = arith.constant 0 : i32
        %dma_wait3A_1158 = arith.constant 0 : i32
        %dma_wait3A_1159 = tpu.memref_slice %arg4[%dma_wait3A_1147, %dma_wait3A_1148, %dma_wait3A_1149, %dma_wait3A_1157, %dma_wait3A_1158] : memref<50x8x128x8x128xf32, #tpu.memory_space<hbm>> -> memref<1x1x1x8x128xf32, #tpu.memory_space<hbm>>
        %dma_wait3A_1160 = tpu.memref_squeeze %dma_wait3A_1159 : memref<1x1x1x8x128xf32, #tpu.memory_space<hbm>> -> memref<8x128xf32, #tpu.memory_space<hbm>>
        %dma_wait3A_1161 = arith.constant 40 : i32
        %dma_wait3A_1162 = arith.constant 0 : i32
        %dma_wait3A_1163 = tpu.memref_slice %arg11[%dma_wait3A_1161, %dma_wait3A_1162] : memref<64x128xf32, #tpu.memory_space<vmem>> -> memref<8x128xf32, #tpu.memory_space<vmem>>
        tpu.wait_dma2 semaphore(%arg17 : memref<!tpu.dma_semaphore, #tpu.memory_space<semaphore_mem>>) src(%dma_wait3A_1163 : memref<8x128xf32, #tpu.memory_space<vmem>>) dst(%dma_wait3A_1160 : memref<8x128xf32, #tpu.memory_space<hbm>>)
        %dma_wait3A_1164 = arith.constant 0 : i32
        %dma_wait3A_1165 = arith.constant 6 : i32
        %dma_wait3A_1166 = arith.constant 0 : i32
        %dma_wait3A_1167 = arith.constant 48 : i32
        %dma_wait3A_1168 = arith.constant 0 : i32
        %dma_wait3A_1169 = tpu.memref_slice %arg11[%dma_wait3A_1167, %dma_wait3A_1168] : memref<64x128xf32, #tpu.memory_space<vmem>> -> memref<8x128xf32, #tpu.memory_space<vmem>>
        %dma_wait3A_1170 = arith.constant 0 : i32
        %dma_wait3A_1171 = arith.constant 0 : i32
        %dma_wait3A_1172 = tpu.memref_slice %arg4[%dma_wait3A_1164, %dma_wait3A_1165, %dma_wait3A_1166, %dma_wait3A_1170, %dma_wait3A_1171] : memref<50x8x128x8x128xf32, #tpu.memory_space<hbm>> -> memref<1x1x1x8x128xf32, #tpu.memory_space<hbm>>
        %dma_wait3A_1173 = tpu.memref_squeeze %dma_wait3A_1172 : memref<1x1x1x8x128xf32, #tpu.memory_space<hbm>> -> memref<8x128xf32, #tpu.memory_space<hbm>>
        %dma_wait3A_1174 = arith.constant 0 : i32
        %dma_wait3A_1175 = arith.constant 0 : i32
        %dma_wait3A_1176 = tpu.memref_slice %arg4[%dma_wait3A_1164, %dma_wait3A_1165, %dma_wait3A_1166, %dma_wait3A_1174, %dma_wait3A_1175] : memref<50x8x128x8x128xf32, #tpu.memory_space<hbm>> -> memref<1x1x1x8x128xf32, #tpu.memory_space<hbm>>
        %dma_wait3A_1177 = tpu.memref_squeeze %dma_wait3A_1176 : memref<1x1x1x8x128xf32, #tpu.memory_space<hbm>> -> memref<8x128xf32, #tpu.memory_space<hbm>>
        %dma_wait3A_1178 = arith.constant 48 : i32
        %dma_wait3A_1179 = arith.constant 0 : i32
        %dma_wait3A_1180 = tpu.memref_slice %arg11[%dma_wait3A_1178, %dma_wait3A_1179] : memref<64x128xf32, #tpu.memory_space<vmem>> -> memref<8x128xf32, #tpu.memory_space<vmem>>
        tpu.wait_dma2 semaphore(%arg17 : memref<!tpu.dma_semaphore, #tpu.memory_space<semaphore_mem>>) src(%dma_wait3A_1180 : memref<8x128xf32, #tpu.memory_space<vmem>>) dst(%dma_wait3A_1177 : memref<8x128xf32, #tpu.memory_space<hbm>>)
        %dma_wait3A_1181 = arith.constant 0 : i32
        %dma_wait3A_1182 = arith.constant 7 : i32
        %dma_wait3A_1183 = arith.constant 0 : i32
        %dma_wait3A_1184 = arith.constant 56 : i32
        %dma_wait3A_1185 = arith.constant 0 : i32
        %dma_wait3A_1186 = tpu.memref_slice %arg11[%dma_wait3A_1184, %dma_wait3A_1185] : memref<64x128xf32, #tpu.memory_space<vmem>> -> memref<8x128xf32, #tpu.memory_space<vmem>>
        %dma_wait3A_1187 = arith.constant 0 : i32
        %dma_wait3A_1188 = arith.constant 0 : i32
        %dma_wait3A_1189 = tpu.memref_slice %arg4[%dma_wait3A_1181, %dma_wait3A_1182, %dma_wait3A_1183, %dma_wait3A_1187, %dma_wait3A_1188] : memref<50x8x128x8x128xf32, #tpu.memory_space<hbm>> -> memref<1x1x1x8x128xf32, #tpu.memory_space<hbm>>
        %dma_wait3A_1190 = tpu.memref_squeeze %dma_wait3A_1189 : memref<1x1x1x8x128xf32, #tpu.memory_space<hbm>> -> memref<8x128xf32, #tpu.memory_space<hbm>>
        %dma_wait3A_1191 = arith.constant 0 : i32
        %dma_wait3A_1192 = arith.constant 0 : i32
        %dma_wait3A_1193 = tpu.memref_slice %arg4[%dma_wait3A_1181, %dma_wait3A_1182, %dma_wait3A_1183, %dma_wait3A_1191, %dma_wait3A_1192] : memref<50x8x128x8x128xf32, #tpu.memory_space<hbm>> -> memref<1x1x1x8x128xf32, #tpu.memory_space<hbm>>
        %dma_wait3A_1194 = tpu.memref_squeeze %dma_wait3A_1193 : memref<1x1x1x8x128xf32, #tpu.memory_space<hbm>> -> memref<8x128xf32, #tpu.memory_space<hbm>>
        %dma_wait3A_1195 = arith.constant 56 : i32
        %dma_wait3A_1196 = arith.constant 0 : i32
        %dma_wait3A_1197 = tpu.memref_slice %arg11[%dma_wait3A_1195, %dma_wait3A_1196] : memref<64x128xf32, #tpu.memory_space<vmem>> -> memref<8x128xf32, #tpu.memory_space<vmem>>
        tpu.wait_dma2 semaphore(%arg17 : memref<!tpu.dma_semaphore, #tpu.memory_space<semaphore_mem>>) src(%dma_wait3A_1197 : memref<8x128xf32, #tpu.memory_space<vmem>>) dst(%dma_wait3A_1194 : memref<8x128xf32, #tpu.memory_space<hbm>>)
      } else {
      }
      %parallel_loop3A_560 = arith.constant 0 : i32
      %parallel_loop3A_561 = arith.constant 64 : i32
      %parallel_loop3A_562 = arith.constant 1 : i32
      scf.for %parallel_loop3A_1062 = %parallel_loop3A_560 to %parallel_loop3A_561 step %parallel_loop3A_562  : i32 {
        %parallel_loop3A_1063 = vector.broadcast %parallel_loop3A_1062 : i32 to vector<16xi32>
        %parallel_loop3A_1064 = arith.addi %broadcast_in_dim3A_54, %parallel_loop3A_1063 : vector<16xi32>
        %parallel_loop3A_1065 = arith.index_cast %parallel_loop3A_1062 : i32 to index
        %parallel_loop3A_1066 = arith.constant 0 : index
        %parallel_loop3A_1067 = tpu.vector_load %arg7[%parallel_loop3A_1065, %parallel_loop3A_1066] {strides = array<i32>} : memref<128x64xf32, #tpu.memory_space<vmem>>, vector<16xf32>,
        %parallel_loop3A_1068 = arith.index_cast %parallel_loop3A_1062 : i32 to index
        %parallel_loop3A_1069 = arith.constant 0 : index
        %parallel_loop3A_1070 = tpu.vector_load %arg11[%parallel_loop3A_1068, %parallel_loop3A_1069] {strides = array<i32>} : memref<64x128xf32, #tpu.memory_space<vmem>>, vector<16xf32>,
        tpu.vector_store %arg11[%parallel_loop3A_1068, %parallel_loop3A_1069], %parallel_loop3A_1067 {strides = array<i32>} : memref<64x128xf32, #tpu.memory_space<vmem>>, vector<16xf32>,
        %parallel_loop3A_1071 = arith.index_cast %parallel_loop3A_1062 : i32 to index
        %parallel_loop3A_1072 = arith.constant 16 : index
        %parallel_loop3A_1073 = tpu.vector_load %arg7[%parallel_loop3A_1071, %parallel_loop3A_1072] {strides = array<i32>} : memref<128x64xf32, #tpu.memory_space<vmem>>, vector<16xf32>,
        %parallel_loop3A_1074 = arith.index_cast %parallel_loop3A_1062 : i32 to index
        %parallel_loop3A_1075 = arith.constant 16 : index
        %parallel_loop3A_1076 = tpu.vector_load %arg11[%parallel_loop3A_1074, %parallel_loop3A_1075] {strides = array<i32>} : memref<64x128xf32, #tpu.memory_space<vmem>>, vector<16xf32>,
        tpu.vector_store %arg11[%parallel_loop3A_1074, %parallel_loop3A_1075], %parallel_loop3A_1073 {strides = array<i32>} : memref<64x128xf32, #tpu.memory_space<vmem>>, vector<16xf32>,
        %parallel_loop3A_1077 = arith.index_cast %parallel_loop3A_1062 : i32 to index
        %parallel_loop3A_1078 = arith.constant 32 : index
        %parallel_loop3A_1079 = tpu.vector_load %arg7[%parallel_loop3A_1077, %parallel_loop3A_1078] {strides = array<i32>} : memref<128x64xf32, #tpu.memory_space<vmem>>, vector<16xf32>,
        %parallel_loop3A_1080 = arith.index_cast %parallel_loop3A_1062 : i32 to index
        %parallel_loop3A_1081 = arith.constant 32 : index
        %parallel_loop3A_1082 = tpu.vector_load %arg11[%parallel_loop3A_1080, %parallel_loop3A_1081] {strides = array<i32>} : memref<64x128xf32, #tpu.memory_space<vmem>>, vector<16xf32>,
        tpu.vector_store %arg11[%parallel_loop3A_1080, %parallel_loop3A_1081], %parallel_loop3A_1079 {strides = array<i32>} : memref<64x128xf32, #tpu.memory_space<vmem>>, vector<16xf32>,
        %parallel_loop3A_1083 = arith.index_cast %parallel_loop3A_1062 : i32 to index
        %parallel_loop3A_1084 = arith.constant 48 : index
        %parallel_loop3A_1085 = tpu.vector_load %arg7[%parallel_loop3A_1083, %parallel_loop3A_1084] {strides = array<i32>} : memref<128x64xf32, #tpu.memory_space<vmem>>, vector<16xf32>,
        %parallel_loop3A_1086 = arith.index_cast %parallel_loop3A_1062 : i32 to index
        %parallel_loop3A_1087 = arith.constant 48 : index
        %parallel_loop3A_1088 = tpu.vector_load %arg11[%parallel_loop3A_1086, %parallel_loop3A_1087] {strides = array<i32>} : memref<64x128xf32, #tpu.memory_space<vmem>>, vector<16xf32>,
        tpu.vector_store %arg11[%parallel_loop3A_1086, %parallel_loop3A_1087], %parallel_loop3A_1085 {strides = array<i32>} : memref<64x128xf32, #tpu.memory_space<vmem>>, vector<16xf32>,
        %parallel_loop3A_1089 = arith.index_cast %parallel_loop3A_1062 : i32 to index
        %parallel_loop3A_1090 = arith.constant 0 : index
        %parallel_loop3A_1091 = tpu.vector_load %arg7[%parallel_loop3A_1089, %parallel_loop3A_1090] {strides = array<i32>} : memref<128x64xf32, #tpu.memory_space<vmem>>, vector<16xf32>,
        %parallel_loop3A_1092 = arith.index_cast %parallel_loop3A_1062 : i32 to index
        %parallel_loop3A_1093 = arith.constant 64 : index
        %parallel_loop3A_1094 = tpu.vector_load %arg11[%parallel_loop3A_1092, %parallel_loop3A_1093] {strides = array<i32>} : memref<64x128xf32, #tpu.memory_space<vmem>>, vector<16xf32>,
        tpu.vector_store %arg11[%parallel_loop3A_1092, %parallel_loop3A_1093], %parallel_loop3A_1091 {strides = array<i32>} : memref<64x128xf32, #tpu.memory_space<vmem>>, vector<16xf32>,
        %parallel_loop3A_1095 = arith.index_cast %parallel_loop3A_1062 : i32 to index
        %parallel_loop3A_1096 = arith.constant 16 : index
        %parallel_loop3A_1097 = tpu.vector_load %arg7[%parallel_loop3A_1095, %parallel_loop3A_1096] {strides = array<i32>} : memref<128x64xf32, #tpu.memory_space<vmem>>, vector<16xf32>,
        %parallel_loop3A_1098 = arith.index_cast %parallel_loop3A_1062 : i32 to index
        %parallel_loop3A_1099 = arith.constant 80 : index
        %parallel_loop3A_1100 = tpu.vector_load %arg11[%parallel_loop3A_1098, %parallel_loop3A_1099] {strides = array<i32>} : memref<64x128xf32, #tpu.memory_space<vmem>>, vector<16xf32>,
        tpu.vector_store %arg11[%parallel_loop3A_1098, %parallel_loop3A_1099], %parallel_loop3A_1097 {strides = array<i32>} : memref<64x128xf32, #tpu.memory_space<vmem>>, vector<16xf32>,
        %parallel_loop3A_1101 = arith.index_cast %parallel_loop3A_1062 : i32 to index
        %parallel_loop3A_1102 = arith.constant 32 : index
        %parallel_loop3A_1103 = tpu.vector_load %arg7[%parallel_loop3A_1101, %parallel_loop3A_1102] {strides = array<i32>} : memref<128x64xf32, #tpu.memory_space<vmem>>, vector<16xf32>,
        %parallel_loop3A_1104 = arith.index_cast %parallel_loop3A_1062 : i32 to index
        %parallel_loop3A_1105 = arith.constant 96 : index
        %parallel_loop3A_1106 = tpu.vector_load %arg11[%parallel_loop3A_1104, %parallel_loop3A_1105] {strides = array<i32>} : memref<64x128xf32, #tpu.memory_space<vmem>>, vector<16xf32>,
        tpu.vector_store %arg11[%parallel_loop3A_1104, %parallel_loop3A_1105], %parallel_loop3A_1103 {strides = array<i32>} : memref<64x128xf32, #tpu.memory_space<vmem>>, vector<16xf32>,
        %parallel_loop3A_1107 = arith.index_cast %parallel_loop3A_1062 : i32 to index
        %parallel_loop3A_1108 = arith.constant 48 : index
        %parallel_loop3A_1109 = tpu.vector_load %arg7[%parallel_loop3A_1107, %parallel_loop3A_1108] {strides = array<i32>} : memref<128x64xf32, #tpu.memory_space<vmem>>, vector<16xf32>,
        %parallel_loop3A_1110 = arith.index_cast %parallel_loop3A_1062 : i32 to index
        %parallel_loop3A_1111 = arith.constant 112 : index
        %parallel_loop3A_1112 = tpu.vector_load %arg11[%parallel_loop3A_1110, %parallel_loop3A_1111] {strides = array<i32>} : memref<64x128xf32, #tpu.memory_space<vmem>>, vector<16xf32>,
        tpu.vector_store %arg11[%parallel_loop3A_1110, %parallel_loop3A_1111], %parallel_loop3A_1109 {strides = array<i32>} : memref<64x128xf32, #tpu.memory_space<vmem>>, vector<16xf32>,
      } {sc.loop_unroll_factor = 8 : i64, sc.parallel_access}
      %add3A_563 = arith.constant 4 : i32
      %add3A_564 = arith.addi %add3A_507, %add3A_563 : i32
      %lt3A_565 = arith.constant 200 : i32
      %lt3A_566 = arith.cmpi slt, %add3A_564, %lt3A_565 : i32
      %convert_element_type3A_567 = arith.extui %lt3A_566 : i1 to i32
      %cond3A_568 = arith.constant 0 : i32
      %cond3A_569 = arith.cmpi ne, %convert_element_type3A_567, %cond3A_568 : i32
      scf.if %cond3A_569 {
        %dma_start3A_1062 = arith.constant 0 : i32
        %dma_start3A_1063 = tpu.memref_slice %arg5[%add3A_564, %dma_start3A_1062] : memref<200x128xi32, #tpu.memory_space<vmem>> -> memref<1x128xi32, #tpu.memory_space<vmem>>
        %dma_start3A_1064 = tpu.memref_squeeze %dma_start3A_1063 : memref<1x128xi32, #tpu.memory_space<vmem>> -> memref<128xi32, #tpu.memory_space<vmem>>
        %dma_start3A_1065 = arith.constant 0 : i32
        %dma_start3A_1066 = arith.constant 0 : i32
        %dma_start3A_1067 = tpu.memref_slice %arg3[%dma_start3A_1065, %dma_start3A_1066] : memref<1000000x64xf32, #tpu.memory_space<hbm>> -> memref<1000000x64xf32, #tpu.memory_space<hbm>>
        tpu.enqueue_indirect_dma source(%dma_start3A_1067 : memref<1000000x64xf32, #tpu.memory_space<hbm>>) target(%arg7 : memref<128x64xf32, #tpu.memory_space<vmem>>) offsets(%dma_start3A_1064 : memref<128xi32, #tpu.memory_space<vmem>>) semaphore(%arg13 : memref<!tpu.dma_semaphore, #tpu.memory_space<semaphore_mem>>)
      } else {
      }
      %dma_start3A_570 = arith.constant 0 : i32
      %dma_start3A_571 = arith.constant 0 : i32
      %dma_start3A_572 = arith.constant 0 : i32
      %dma_start3A_573 = tpu.memref_slice %arg11[%dma_start3A_571, %dma_start3A_572] : memref<64x128xf32, #tpu.memory_space<vmem>> -> memref<8x128xf32, #tpu.memory_space<vmem>>
      %dma_start3A_574 = arith.constant 0 : i32
      %dma_start3A_575 = arith.constant 0 : i32
      %dma_start3A_576 = tpu.memref_slice %arg4[%select_n3A_532, %dma_start3A_570, %select_n3A_548, %dma_start3A_574, %dma_start3A_575] : memref<50x8x128x8x128xf32, #tpu.memory_space<hbm>> -> memref<1x1x1x8x128xf32, #tpu.memory_space<hbm>>
      %dma_start3A_577 = tpu.memref_squeeze %dma_start3A_576 : memref<1x1x1x8x128xf32, #tpu.memory_space<hbm>> -> memref<8x128xf32, #tpu.memory_space<hbm>>
      %dma_start3A_578 = arith.constant 0 : i32
      %dma_start3A_579 = arith.constant 0 : i32
      %dma_start3A_580 = tpu.memref_slice %arg4[%select_n3A_532, %dma_start3A_570, %select_n3A_548, %dma_start3A_578, %dma_start3A_579] : memref<50x8x128x8x128xf32, #tpu.memory_space<hbm>> -> memref<1x1x1x8x128xf32, #tpu.memory_space<hbm>>
      %dma_start3A_581 = tpu.memref_squeeze %dma_start3A_580 : memref<1x1x1x8x128xf32, #tpu.memory_space<hbm>> -> memref<8x128xf32, #tpu.memory_space<hbm>>
      %dma_start3A_582 = arith.constant 0 : i32
      %dma_start3A_583 = arith.constant 0 : i32
      %dma_start3A_584 = tpu.memref_slice %arg11[%dma_start3A_582, %dma_start3A_583] : memref<64x128xf32, #tpu.memory_space<vmem>> -> memref<8x128xf32, #tpu.memory_space<vmem>>
      tpu.enqueue_dma source(%dma_start3A_584 : memref<8x128xf32, #tpu.memory_space<vmem>>) target(%dma_start3A_581 : memref<8x128xf32, #tpu.memory_space<hbm>>) target_semaphore(%arg17 : memref<!tpu.dma_semaphore, #tpu.memory_space<semaphore_mem>>)
      %dma_start3A_585 = arith.constant 1 : i32
      %dma_start3A_586 = arith.constant 8 : i32
      %dma_start3A_587 = arith.constant 0 : i32
      %dma_start3A_588 = tpu.memref_slice %arg11[%dma_start3A_586, %dma_start3A_587] : memref<64x128xf32, #tpu.memory_space<vmem>> -> memref<8x128xf32, #tpu.memory_space<vmem>>
      %dma_start3A_589 = arith.constant 0 : i32
      %dma_start3A_590 = arith.constant 0 : i32
      %dma_start3A_591 = tpu.memref_slice %arg4[%select_n3A_532, %dma_start3A_585, %select_n3A_548, %dma_start3A_589, %dma_start3A_590] : memref<50x8x128x8x128xf32, #tpu.memory_space<hbm>> -> memref<1x1x1x8x128xf32, #tpu.memory_space<hbm>>
      %dma_start3A_592 = tpu.memref_squeeze %dma_start3A_591 : memref<1x1x1x8x128xf32, #tpu.memory_space<hbm>> -> memref<8x128xf32, #tpu.memory_space<hbm>>
      %dma_start3A_593 = arith.constant 0 : i32
      %dma_start3A_594 = arith.constant 0 : i32
      %dma_start3A_595 = tpu.memref_slice %arg4[%select_n3A_532, %dma_start3A_585, %select_n3A_548, %dma_start3A_593, %dma_start3A_594] : memref<50x8x128x8x128xf32, #tpu.memory_space<hbm>> -> memref<1x1x1x8x128xf32, #tpu.memory_space<hbm>>
      %dma_start3A_596 = tpu.memref_squeeze %dma_start3A_595 : memref<1x1x1x8x128xf32, #tpu.memory_space<hbm>> -> memref<8x128xf32, #tpu.memory_space<hbm>>
      %dma_start3A_597 = arith.constant 8 : i32
      %dma_start3A_598 = arith.constant 0 : i32
      %dma_start3A_599 = tpu.memref_slice %arg11[%dma_start3A_597, %dma_start3A_598] : memref<64x128xf32, #tpu.memory_space<vmem>> -> memref<8x128xf32, #tpu.memory_space<vmem>>
      tpu.enqueue_dma source(%dma_start3A_599 : memref<8x128xf32, #tpu.memory_space<vmem>>) target(%dma_start3A_596 : memref<8x128xf32, #tpu.memory_space<hbm>>) target_semaphore(%arg17 : memref<!tpu.dma_semaphore, #tpu.memory_space<semaphore_mem>>)
      %dma_start3A_600 = arith.constant 2 : i32
      %dma_start3A_601 = arith.constant 16 : i32
      %dma_start3A_602 = arith.constant 0 : i32
      %dma_start3A_603 = tpu.memref_slice %arg11[%dma_start3A_601, %dma_start3A_602] : memref<64x128xf32, #tpu.memory_space<vmem>> -> memref<8x128xf32, #tpu.memory_space<vmem>>
      %dma_start3A_604 = arith.constant 0 : i32
      %dma_start3A_605 = arith.constant 0 : i32
      %dma_start3A_606 = tpu.memref_slice %arg4[%select_n3A_532, %dma_start3A_600, %select_n3A_548, %dma_start3A_604, %dma_start3A_605] : memref<50x8x128x8x128xf32, #tpu.memory_space<hbm>> -> memref<1x1x1x8x128xf32, #tpu.memory_space<hbm>>
      %dma_start3A_607 = tpu.memref_squeeze %dma_start3A_606 : memref<1x1x1x8x128xf32, #tpu.memory_space<hbm>> -> memref<8x128xf32, #tpu.memory_space<hbm>>
      %dma_start3A_608 = arith.constant 0 : i32
      %dma_start3A_609 = arith.constant 0 : i32
      %dma_start3A_610 = tpu.memref_slice %arg4[%select_n3A_532, %dma_start3A_600, %select_n3A_548, %dma_start3A_608, %dma_start3A_609] : memref<50x8x128x8x128xf32, #tpu.memory_space<hbm>> -> memref<1x1x1x8x128xf32, #tpu.memory_space<hbm>>
      %dma_start3A_611 = tpu.memref_squeeze %dma_start3A_610 : memref<1x1x1x8x128xf32, #tpu.memory_space<hbm>> -> memref<8x128xf32, #tpu.memory_space<hbm>>
      %dma_start3A_612 = arith.constant 16 : i32
      %dma_start3A_613 = arith.constant 0 : i32
      %dma_start3A_614 = tpu.memref_slice %arg11[%dma_start3A_612, %dma_start3A_613] : memref<64x128xf32, #tpu.memory_space<vmem>> -> memref<8x128xf32, #tpu.memory_space<vmem>>
      tpu.enqueue_dma source(%dma_start3A_614 : memref<8x128xf32, #tpu.memory_space<vmem>>) target(%dma_start3A_611 : memref<8x128xf32, #tpu.memory_space<hbm>>) target_semaphore(%arg17 : memref<!tpu.dma_semaphore, #tpu.memory_space<semaphore_mem>>)
      %dma_start3A_615 = arith.constant 3 : i32
      %dma_start3A_616 = arith.constant 24 : i32
      %dma_start3A_617 = arith.constant 0 : i32
      %dma_start3A_618 = tpu.memref_slice %arg11[%dma_start3A_616, %dma_start3A_617] : memref<64x128xf32, #tpu.memory_space<vmem>> -> memref<8x128xf32, #tpu.memory_space<vmem>>
      %dma_start3A_619 = arith.constant 0 : i32
      %dma_start3A_620 = arith.constant 0 : i32
      %dma_start3A_621 = tpu.memref_slice %arg4[%select_n3A_532, %dma_start3A_615, %select_n3A_548, %dma_start3A_619, %dma_start3A_620] : memref<50x8x128x8x128xf32, #tpu.memory_space<hbm>> -> memref<1x1x1x8x128xf32, #tpu.memory_space<hbm>>
      %dma_start3A_622 = tpu.memref_squeeze %dma_start3A_621 : memref<1x1x1x8x128xf32, #tpu.memory_space<hbm>> -> memref<8x128xf32, #tpu.memory_space<hbm>>
      %dma_start3A_623 = arith.constant 0 : i32
      %dma_start3A_624 = arith.constant 0 : i32
      %dma_start3A_625 = tpu.memref_slice %arg4[%select_n3A_532, %dma_start3A_615, %select_n3A_548, %dma_start3A_623, %dma_start3A_624] : memref<50x8x128x8x128xf32, #tpu.memory_space<hbm>> -> memref<1x1x1x8x128xf32, #tpu.memory_space<hbm>>
      %dma_start3A_626 = tpu.memref_squeeze %dma_start3A_625 : memref<1x1x1x8x128xf32, #tpu.memory_space<hbm>> -> memref<8x128xf32, #tpu.memory_space<hbm>>
      %dma_start3A_627 = arith.constant 24 : i32
      %dma_start3A_628 = arith.constant 0 : i32
      %dma_start3A_629 = tpu.memref_slice %arg11[%dma_start3A_627, %dma_start3A_628] : memref<64x128xf32, #tpu.memory_space<vmem>> -> memref<8x128xf32, #tpu.memory_space<vmem>>
      tpu.enqueue_dma source(%dma_start3A_629 : memref<8x128xf32, #tpu.memory_space<vmem>>) target(%dma_start3A_626 : memref<8x128xf32, #tpu.memory_space<hbm>>) target_semaphore(%arg17 : memref<!tpu.dma_semaphore, #tpu.memory_space<semaphore_mem>>)
      %dma_start3A_630 = arith.constant 4 : i32
      %dma_start3A_631 = arith.constant 32 : i32
      %dma_start3A_632 = arith.constant 0 : i32
      %dma_start3A_633 = tpu.memref_slice %arg11[%dma_start3A_631, %dma_start3A_632] : memref<64x128xf32, #tpu.memory_space<vmem>> -> memref<8x128xf32, #tpu.memory_space<vmem>>
      %dma_start3A_634 = arith.constant 0 : i32
      %dma_start3A_635 = arith.constant 0 : i32
      %dma_start3A_636 = tpu.memref_slice %arg4[%select_n3A_532, %dma_start3A_630, %select_n3A_548, %dma_start3A_634, %dma_start3A_635] : memref<50x8x128x8x128xf32, #tpu.memory_space<hbm>> -> memref<1x1x1x8x128xf32, #tpu.memory_space<hbm>>
      %dma_start3A_637 = tpu.memref_squeeze %dma_start3A_636 : memref<1x1x1x8x128xf32, #tpu.memory_space<hbm>> -> memref<8x128xf32, #tpu.memory_space<hbm>>
      %dma_start3A_638 = arith.constant 0 : i32
      %dma_start3A_639 = arith.constant 0 : i32
      %dma_start3A_640 = tpu.memref_slice %arg4[%select_n3A_532, %dma_start3A_630, %select_n3A_548, %dma_start3A_638, %dma_start3A_639] : memref<50x8x128x8x128xf32, #tpu.memory_space<hbm>> -> memref<1x1x1x8x128xf32, #tpu.memory_space<hbm>>
      %dma_start3A_641 = tpu.memref_squeeze %dma_start3A_640 : memref<1x1x1x8x128xf32, #tpu.memory_space<hbm>> -> memref<8x128xf32, #tpu.memory_space<hbm>>
      %dma_start3A_642 = arith.constant 32 : i32
      %dma_start3A_643 = arith.constant 0 : i32
      %dma_start3A_644 = tpu.memref_slice %arg11[%dma_start3A_642, %dma_start3A_643] : memref<64x128xf32, #tpu.memory_space<vmem>> -> memref<8x128xf32, #tpu.memory_space<vmem>>
      tpu.enqueue_dma source(%dma_start3A_644 : memref<8x128xf32, #tpu.memory_space<vmem>>) target(%dma_start3A_641 : memref<8x128xf32, #tpu.memory_space<hbm>>) target_semaphore(%arg17 : memref<!tpu.dma_semaphore, #tpu.memory_space<semaphore_mem>>)
      %dma_start3A_645 = arith.constant 5 : i32
      %dma_start3A_646 = arith.constant 40 : i32
      %dma_start3A_647 = arith.constant 0 : i32
      %dma_start3A_648 = tpu.memref_slice %arg11[%dma_start3A_646, %dma_start3A_647] : memref<64x128xf32, #tpu.memory_space<vmem>> -> memref<8x128xf32, #tpu.memory_space<vmem>>
      %dma_start3A_649 = arith.constant 0 : i32
      %dma_start3A_650 = arith.constant 0 : i32
      %dma_start3A_651 = tpu.memref_slice %arg4[%select_n3A_532, %dma_start3A_645, %select_n3A_548, %dma_start3A_649, %dma_start3A_650] : memref<50x8x128x8x128xf32, #tpu.memory_space<hbm>> -> memref<1x1x1x8x128xf32, #tpu.memory_space<hbm>>
      %dma_start3A_652 = tpu.memref_squeeze %dma_start3A_651 : memref<1x1x1x8x128xf32, #tpu.memory_space<hbm>> -> memref<8x128xf32, #tpu.memory_space<hbm>>
      %dma_start3A_653 = arith.constant 0 : i32
      %dma_start3A_654 = arith.constant 0 : i32
      %dma_start3A_655 = tpu.memref_slice %arg4[%select_n3A_532, %dma_start3A_645, %select_n3A_548, %dma_start3A_653, %dma_start3A_654] : memref<50x8x128x8x128xf32, #tpu.memory_space<hbm>> -> memref<1x1x1x8x128xf32, #tpu.memory_space<hbm>>
      %dma_start3A_656 = tpu.memref_squeeze %dma_start3A_655 : memref<1x1x1x8x128xf32, #tpu.memory_space<hbm>> -> memref<8x128xf32, #tpu.memory_space<hbm>>
      %dma_start3A_657 = arith.constant 40 : i32
      %dma_start3A_658 = arith.constant 0 : i32
      %dma_start3A_659 = tpu.memref_slice %arg11[%dma_start3A_657, %dma_start3A_658] : memref<64x128xf32, #tpu.memory_space<vmem>> -> memref<8x128xf32, #tpu.memory_space<vmem>>
      tpu.enqueue_dma source(%dma_start3A_659 : memref<8x128xf32, #tpu.memory_space<vmem>>) target(%dma_start3A_656 : memref<8x128xf32, #tpu.memory_space<hbm>>) target_semaphore(%arg17 : memref<!tpu.dma_semaphore, #tpu.memory_space<semaphore_mem>>)
      %dma_start3A_660 = arith.constant 6 : i32
      %dma_start3A_661 = arith.constant 48 : i32
      %dma_start3A_662 = arith.constant 0 : i32
      %dma_start3A_663 = tpu.memref_slice %arg11[%dma_start3A_661, %dma_start3A_662] : memref<64x128xf32, #tpu.memory_space<vmem>> -> memref<8x128xf32, #tpu.memory_space<vmem>>
      %dma_start3A_664 = arith.constant 0 : i32
      %dma_start3A_665 = arith.constant 0 : i32
      %dma_start3A_666 = tpu.memref_slice %arg4[%select_n3A_532, %dma_start3A_660, %select_n3A_548, %dma_start3A_664, %dma_start3A_665] : memref<50x8x128x8x128xf32, #tpu.memory_space<hbm>> -> memref<1x1x1x8x128xf32, #tpu.memory_space<hbm>>
      %dma_start3A_667 = tpu.memref_squeeze %dma_start3A_666 : memref<1x1x1x8x128xf32, #tpu.memory_space<hbm>> -> memref<8x128xf32, #tpu.memory_space<hbm>>
      %dma_start3A_668 = arith.constant 0 : i32
      %dma_start3A_669 = arith.constant 0 : i32
      %dma_start3A_670 = tpu.memref_slice %arg4[%select_n3A_532, %dma_start3A_660, %select_n3A_548, %dma_start3A_668, %dma_start3A_669] : memref<50x8x128x8x128xf32, #tpu.memory_space<hbm>> -> memref<1x1x1x8x128xf32, #tpu.memory_space<hbm>>
      %dma_start3A_671 = tpu.memref_squeeze %dma_start3A_670 : memref<1x1x1x8x128xf32, #tpu.memory_space<hbm>> -> memref<8x128xf32, #tpu.memory_space<hbm>>
      %dma_start3A_672 = arith.constant 48 : i32
      %dma_start3A_673 = arith.constant 0 : i32
      %dma_start3A_674 = tpu.memref_slice %arg11[%dma_start3A_672, %dma_start3A_673] : memref<64x128xf32, #tpu.memory_space<vmem>> -> memref<8x128xf32, #tpu.memory_space<vmem>>
      tpu.enqueue_dma source(%dma_start3A_674 : memref<8x128xf32, #tpu.memory_space<vmem>>) target(%dma_start3A_671 : memref<8x128xf32, #tpu.memory_space<hbm>>) target_semaphore(%arg17 : memref<!tpu.dma_semaphore, #tpu.memory_space<semaphore_mem>>)
      %dma_start3A_675 = arith.constant 7 : i32
      %dma_start3A_676 = arith.constant 56 : i32
      %dma_start3A_677 = arith.constant 0 : i32
      %dma_start3A_678 = tpu.memref_slice %arg11[%dma_start3A_676, %dma_start3A_677] : memref<64x128xf32, #tpu.memory_space<vmem>> -> memref<8x128xf32, #tpu.memory_space<vmem>>
      %dma_start3A_679 = arith.constant 0 : i32
      %dma_start3A_680 = arith.constant 0 : i32
      %dma_start3A_681 = tpu.memref_slice %arg4[%select_n3A_532, %dma_start3A_675, %select_n3A_548, %dma_start3A_679, %dma_start3A_680] : memref<50x8x128x8x128xf32, #tpu.memory_space<hbm>> -> memref<1x1x1x8x128xf32, #tpu.memory_space<hbm>>
      %dma_start3A_682 = tpu.memref_squeeze %dma_start3A_681 : memref<1x1x1x8x128xf32, #tpu.memory_space<hbm>> -> memref<8x128xf32, #tpu.memory_space<hbm>>
      %dma_start3A_683 = arith.constant 0 : i32
      %dma_start3A_684 = arith.constant 0 : i32
      %dma_start3A_685 = tpu.memref_slice %arg4[%select_n3A_532, %dma_start3A_675, %select_n3A_548, %dma_start3A_683, %dma_start3A_684] : memref<50x8x128x8x128xf32, #tpu.memory_space<hbm>> -> memref<1x1x1x8x128xf32, #tpu.memory_space<hbm>>
      %dma_start3A_686 = tpu.memref_squeeze %dma_start3A_685 : memref<1x1x1x8x128xf32, #tpu.memory_space<hbm>> -> memref<8x128xf32, #tpu.memory_space<hbm>>
      %dma_start3A_687 = arith.constant 56 : i32
      %dma_start3A_688 = arith.constant 0 : i32
      %dma_start3A_689 = tpu.memref_slice %arg11[%dma_start3A_687, %dma_start3A_688] : memref<64x128xf32, #tpu.memory_space<vmem>> -> memref<8x128xf32, #tpu.memory_space<vmem>>
      tpu.enqueue_dma source(%dma_start3A_689 : memref<8x128xf32, #tpu.memory_space<vmem>>) target(%dma_start3A_686 : memref<8x128xf32, #tpu.memory_space<hbm>>) target_semaphore(%arg17 : memref<!tpu.dma_semaphore, #tpu.memory_space<semaphore_mem>>)
      %mul3A_690 = arith.constant 4 : i32
      %mul3A_691 = arith.muli %scan3A_331, %mul3A_690 : i32
      %add3A_692 = arith.constant 2 : i32
      %add3A_693 = arith.addi %mul3A_691, %add3A_692 : i32
      %add3A_694 = arith.addi %mul3A_2, %add3A_693 : i32
      %jit3A_695 = arith.constant 128 : i32
      %div3A_696 = arith.divsi %add3A_694, %jit3A_695 : i32
      %sign3A_697 = arith.constant 0 : i32
      %sign3A_698 = arith.cmpi sgt, %add3A_694, %sign3A_697 : i32
      %sign3A_699 = arith.extui %sign3A_698 : i1 to i32
      %sign3A_700 = arith.constant 0 : i32
      %sign3A_701 = arith.cmpi slt, %add3A_694, %sign3A_700 : i32
      %sign3A_702 = arith.extui %sign3A_701 : i1 to i32
      %sign3A_703 = arith.subi %sign3A_699, %sign3A_702 : i32
      %sign3A_704 = arith.constant 0 : i32
      %sign3A_705 = arith.cmpi sgt, %jit3A_695, %sign3A_704 : i32
      %sign3A_706 = arith.extui %sign3A_705 : i1 to i32
      %sign3A_707 = arith.constant 0 : i32
      %sign3A_708 = arith.cmpi slt, %jit3A_695, %sign3A_707 : i32
      %sign3A_709 = arith.extui %sign3A_708 : i1 to i32
      %sign3A_710 = arith.subi %sign3A_706, %sign3A_709 : i32
      %ne3A_711 = arith.cmpi ne, %sign3A_703, %sign3A_710 : i32
      %rem3A_712 = arith.remsi %add3A_694, %jit3A_695 : i32
      %ne3A_713 = arith.constant 0 : i32
      %ne3A_714 = arith.cmpi ne, %rem3A_712, %ne3A_713 : i32
      %and3A_715 = arith.andi %ne3A_711, %ne3A_714 : i1
      %sub3A_716 = arith.constant 1 : i32
      %sub3A_717 = arith.subi %div3A_696, %sub3A_716 : i32
      %select_n3A_718 = arith.select %and3A_715, %sub3A_717, %div3A_696 : i32
      %jit3A_719 = arith.constant 128 : i32
      %eq3A_720 = arith.constant 0 : i32
      %eq3A_721 = arith.cmpi eq, %jit3A_719, %eq3A_720 : i32
      %jit3A_722 = arith.constant 1 : i32
      %select_n3A_723 = arith.select %eq3A_721, %jit3A_722, %jit3A_719 : i32
      %rem3A_724 = arith.remsi %add3A_694, %select_n3A_723 : i32
      %ne3A_725 = arith.constant 0 : i32
      %ne3A_726 = arith.cmpi ne, %rem3A_724, %ne3A_725 : i32
      %lt3A_727 = arith.constant 0 : i32
      %lt3A_728 = arith.cmpi slt, %rem3A_724, %lt3A_727 : i32
      %lt3A_729 = arith.constant 0 : i32
      %lt3A_730 = arith.cmpi slt, %select_n3A_723, %lt3A_729 : i32
      %ne3A_731 = arith.xori %lt3A_728, %lt3A_730 : i1
      %and3A_732 = arith.andi %ne3A_731, %ne3A_726 : i1
      %add3A_733 = arith.addi %rem3A_724, %select_n3A_723 : i32
      %select_n3A_734 = arith.select %and3A_732, %add3A_733, %rem3A_724 : i32
      %dma_wait3A_735 = arith.constant 0 : i32
      %dma_wait3A_736 = arith.constant 0 : i32
      %dma_wait3A_737 = tpu.memref_slice %arg3[%dma_wait3A_735, %dma_wait3A_736] : memref<1000000x64xf32, #tpu.memory_space<hbm>> -> memref<128x64xf32, #tpu.memory_space<hbm>>
      %dma_wait3A_738 = arith.constant 0 : i32
      %dma_wait3A_739 = arith.constant 0 : i32
      %dma_wait3A_740 = tpu.memref_slice %arg3[%dma_wait3A_738, %dma_wait3A_739] : memref<1000000x64xf32, #tpu.memory_space<hbm>> -> memref<128x64xf32, #tpu.memory_space<hbm>>
      tpu.wait_dma2 semaphore(%arg14 : memref<!tpu.dma_semaphore, #tpu.memory_space<semaphore_mem>>) src(%dma_wait3A_740 : memref<128x64xf32, #tpu.memory_space<hbm>>) dst(%arg8 : memref<128x64xf32, #tpu.memory_space<vmem>>)
      %ge3A_741 = arith.constant 2 : i32
      %ge3A_742 = arith.cmpi sge, %add3A_693, %ge3A_741 : i32
      %convert_element_type3A_743 = arith.extui %ge3A_742 : i1 to i32
      %cond3A_744 = arith.constant 0 : i32
      %cond3A_745 = arith.cmpi ne, %convert_element_type3A_743, %cond3A_744 : i32
      scf.if %cond3A_745 {
        %dma_wait3A_1062 = arith.constant 0 : i32
        %dma_wait3A_1063 = arith.constant 0 : i32
        %dma_wait3A_1064 = arith.constant 0 : i32
        %dma_wait3A_1065 = arith.constant 0 : i32
        %dma_wait3A_1066 = arith.constant 0 : i32
        %dma_wait3A_1067 = tpu.memref_slice %arg10[%dma_wait3A_1065, %dma_wait3A_1066] : memref<64x128xf32, #tpu.memory_space<vmem>> -> memref<8x128xf32, #tpu.memory_space<vmem>>
        %dma_wait3A_1068 = arith.constant 0 : i32
        %dma_wait3A_1069 = arith.constant 0 : i32
        %dma_wait3A_1070 = tpu.memref_slice %arg4[%dma_wait3A_1062, %dma_wait3A_1063, %dma_wait3A_1064, %dma_wait3A_1068, %dma_wait3A_1069] : memref<50x8x128x8x128xf32, #tpu.memory_space<hbm>> -> memref<1x1x1x8x128xf32, #tpu.memory_space<hbm>>
        %dma_wait3A_1071 = tpu.memref_squeeze %dma_wait3A_1070 : memref<1x1x1x8x128xf32, #tpu.memory_space<hbm>> -> memref<8x128xf32, #tpu.memory_space<hbm>>
        %dma_wait3A_1072 = arith.constant 0 : i32
        %dma_wait3A_1073 = arith.constant 0 : i32
        %dma_wait3A_1074 = tpu.memref_slice %arg4[%dma_wait3A_1062, %dma_wait3A_1063, %dma_wait3A_1064, %dma_wait3A_1072, %dma_wait3A_1073] : memref<50x8x128x8x128xf32, #tpu.memory_space<hbm>> -> memref<1x1x1x8x128xf32, #tpu.memory_space<hbm>>
        %dma_wait3A_1075 = tpu.memref_squeeze %dma_wait3A_1074 : memref<1x1x1x8x128xf32, #tpu.memory_space<hbm>> -> memref<8x128xf32, #tpu.memory_space<hbm>>
        %dma_wait3A_1076 = arith.constant 0 : i32
        %dma_wait3A_1077 = arith.constant 0 : i32
        %dma_wait3A_1078 = tpu.memref_slice %arg10[%dma_wait3A_1076, %dma_wait3A_1077] : memref<64x128xf32, #tpu.memory_space<vmem>> -> memref<8x128xf32, #tpu.memory_space<vmem>>
        tpu.wait_dma2 semaphore(%arg16 : memref<!tpu.dma_semaphore, #tpu.memory_space<semaphore_mem>>) src(%dma_wait3A_1078 : memref<8x128xf32, #tpu.memory_space<vmem>>) dst(%dma_wait3A_1075 : memref<8x128xf32, #tpu.memory_space<hbm>>)
        %dma_wait3A_1079 = arith.constant 0 : i32
        %dma_wait3A_1080 = arith.constant 1 : i32
        %dma_wait3A_1081 = arith.constant 0 : i32
        %dma_wait3A_1082 = arith.constant 8 : i32
        %dma_wait3A_1083 = arith.constant 0 : i32
        %dma_wait3A_1084 = tpu.memref_slice %arg10[%dma_wait3A_1082, %dma_wait3A_1083] : memref<64x128xf32, #tpu.memory_space<vmem>> -> memref<8x128xf32, #tpu.memory_space<vmem>>
        %dma_wait3A_1085 = arith.constant 0 : i32
        %dma_wait3A_1086 = arith.constant 0 : i32
        %dma_wait3A_1087 = tpu.memref_slice %arg4[%dma_wait3A_1079, %dma_wait3A_1080, %dma_wait3A_1081, %dma_wait3A_1085, %dma_wait3A_1086] : memref<50x8x128x8x128xf32, #tpu.memory_space<hbm>> -> memref<1x1x1x8x128xf32, #tpu.memory_space<hbm>>
        %dma_wait3A_1088 = tpu.memref_squeeze %dma_wait3A_1087 : memref<1x1x1x8x128xf32, #tpu.memory_space<hbm>> -> memref<8x128xf32, #tpu.memory_space<hbm>>
        %dma_wait3A_1089 = arith.constant 0 : i32
        %dma_wait3A_1090 = arith.constant 0 : i32
        %dma_wait3A_1091 = tpu.memref_slice %arg4[%dma_wait3A_1079, %dma_wait3A_1080, %dma_wait3A_1081, %dma_wait3A_1089, %dma_wait3A_1090] : memref<50x8x128x8x128xf32, #tpu.memory_space<hbm>> -> memref<1x1x1x8x128xf32, #tpu.memory_space<hbm>>
        %dma_wait3A_1092 = tpu.memref_squeeze %dma_wait3A_1091 : memref<1x1x1x8x128xf32, #tpu.memory_space<hbm>> -> memref<8x128xf32, #tpu.memory_space<hbm>>
        %dma_wait3A_1093 = arith.constant 8 : i32
        %dma_wait3A_1094 = arith.constant 0 : i32
        %dma_wait3A_1095 = tpu.memref_slice %arg10[%dma_wait3A_1093, %dma_wait3A_1094] : memref<64x128xf32, #tpu.memory_space<vmem>> -> memref<8x128xf32, #tpu.memory_space<vmem>>
        tpu.wait_dma2 semaphore(%arg16 : memref<!tpu.dma_semaphore, #tpu.memory_space<semaphore_mem>>) src(%dma_wait3A_1095 : memref<8x128xf32, #tpu.memory_space<vmem>>) dst(%dma_wait3A_1092 : memref<8x128xf32, #tpu.memory_space<hbm>>)
        %dma_wait3A_1096 = arith.constant 0 : i32
        %dma_wait3A_1097 = arith.constant 2 : i32
        %dma_wait3A_1098 = arith.constant 0 : i32
        %dma_wait3A_1099 = arith.constant 16 : i32
        %dma_wait3A_1100 = arith.constant 0 : i32
        %dma_wait3A_1101 = tpu.memref_slice %arg10[%dma_wait3A_1099, %dma_wait3A_1100] : memref<64x128xf32, #tpu.memory_space<vmem>> -> memref<8x128xf32, #tpu.memory_space<vmem>>
        %dma_wait3A_1102 = arith.constant 0 : i32
        %dma_wait3A_1103 = arith.constant 0 : i32
        %dma_wait3A_1104 = tpu.memref_slice %arg4[%dma_wait3A_1096, %dma_wait3A_1097, %dma_wait3A_1098, %dma_wait3A_1102, %dma_wait3A_1103] : memref<50x8x128x8x128xf32, #tpu.memory_space<hbm>> -> memref<1x1x1x8x128xf32, #tpu.memory_space<hbm>>
        %dma_wait3A_1105 = tpu.memref_squeeze %dma_wait3A_1104 : memref<1x1x1x8x128xf32, #tpu.memory_space<hbm>> -> memref<8x128xf32, #tpu.memory_space<hbm>>
        %dma_wait3A_1106 = arith.constant 0 : i32
        %dma_wait3A_1107 = arith.constant 0 : i32
        %dma_wait3A_1108 = tpu.memref_slice %arg4[%dma_wait3A_1096, %dma_wait3A_1097, %dma_wait3A_1098, %dma_wait3A_1106, %dma_wait3A_1107] : memref<50x8x128x8x128xf32, #tpu.memory_space<hbm>> -> memref<1x1x1x8x128xf32, #tpu.memory_space<hbm>>
        %dma_wait3A_1109 = tpu.memref_squeeze %dma_wait3A_1108 : memref<1x1x1x8x128xf32, #tpu.memory_space<hbm>> -> memref<8x128xf32, #tpu.memory_space<hbm>>
        %dma_wait3A_1110 = arith.constant 16 : i32
        %dma_wait3A_1111 = arith.constant 0 : i32
        %dma_wait3A_1112 = tpu.memref_slice %arg10[%dma_wait3A_1110, %dma_wait3A_1111] : memref<64x128xf32, #tpu.memory_space<vmem>> -> memref<8x128xf32, #tpu.memory_space<vmem>>
        tpu.wait_dma2 semaphore(%arg16 : memref<!tpu.dma_semaphore, #tpu.memory_space<semaphore_mem>>) src(%dma_wait3A_1112 : memref<8x128xf32, #tpu.memory_space<vmem>>) dst(%dma_wait3A_1109 : memref<8x128xf32, #tpu.memory_space<hbm>>)
        %dma_wait3A_1113 = arith.constant 0 : i32
        %dma_wait3A_1114 = arith.constant 3 : i32
        %dma_wait3A_1115 = arith.constant 0 : i32
        %dma_wait3A_1116 = arith.constant 24 : i32
        %dma_wait3A_1117 = arith.constant 0 : i32
        %dma_wait3A_1118 = tpu.memref_slice %arg10[%dma_wait3A_1116, %dma_wait3A_1117] : memref<64x128xf32, #tpu.memory_space<vmem>> -> memref<8x128xf32, #tpu.memory_space<vmem>>
        %dma_wait3A_1119 = arith.constant 0 : i32
        %dma_wait3A_1120 = arith.constant 0 : i32
        %dma_wait3A_1121 = tpu.memref_slice %arg4[%dma_wait3A_1113, %dma_wait3A_1114, %dma_wait3A_1115, %dma_wait3A_1119, %dma_wait3A_1120] : memref<50x8x128x8x128xf32, #tpu.memory_space<hbm>> -> memref<1x1x1x8x128xf32, #tpu.memory_space<hbm>>
        %dma_wait3A_1122 = tpu.memref_squeeze %dma_wait3A_1121 : memref<1x1x1x8x128xf32, #tpu.memory_space<hbm>> -> memref<8x128xf32, #tpu.memory_space<hbm>>
        %dma_wait3A_1123 = arith.constant 0 : i32
        %dma_wait3A_1124 = arith.constant 0 : i32
        %dma_wait3A_1125 = tpu.memref_slice %arg4[%dma_wait3A_1113, %dma_wait3A_1114, %dma_wait3A_1115, %dma_wait3A_1123, %dma_wait3A_1124] : memref<50x8x128x8x128xf32, #tpu.memory_space<hbm>> -> memref<1x1x1x8x128xf32, #tpu.memory_space<hbm>>
        %dma_wait3A_1126 = tpu.memref_squeeze %dma_wait3A_1125 : memref<1x1x1x8x128xf32, #tpu.memory_space<hbm>> -> memref<8x128xf32, #tpu.memory_space<hbm>>
        %dma_wait3A_1127 = arith.constant 24 : i32
        %dma_wait3A_1128 = arith.constant 0 : i32
        %dma_wait3A_1129 = tpu.memref_slice %arg10[%dma_wait3A_1127, %dma_wait3A_1128] : memref<64x128xf32, #tpu.memory_space<vmem>> -> memref<8x128xf32, #tpu.memory_space<vmem>>
        tpu.wait_dma2 semaphore(%arg16 : memref<!tpu.dma_semaphore, #tpu.memory_space<semaphore_mem>>) src(%dma_wait3A_1129 : memref<8x128xf32, #tpu.memory_space<vmem>>) dst(%dma_wait3A_1126 : memref<8x128xf32, #tpu.memory_space<hbm>>)
        %dma_wait3A_1130 = arith.constant 0 : i32
        %dma_wait3A_1131 = arith.constant 4 : i32
        %dma_wait3A_1132 = arith.constant 0 : i32
        %dma_wait3A_1133 = arith.constant 32 : i32
        %dma_wait3A_1134 = arith.constant 0 : i32
        %dma_wait3A_1135 = tpu.memref_slice %arg10[%dma_wait3A_1133, %dma_wait3A_1134] : memref<64x128xf32, #tpu.memory_space<vmem>> -> memref<8x128xf32, #tpu.memory_space<vmem>>
        %dma_wait3A_1136 = arith.constant 0 : i32
        %dma_wait3A_1137 = arith.constant 0 : i32
        %dma_wait3A_1138 = tpu.memref_slice %arg4[%dma_wait3A_1130, %dma_wait3A_1131, %dma_wait3A_1132, %dma_wait3A_1136, %dma_wait3A_1137] : memref<50x8x128x8x128xf32, #tpu.memory_space<hbm>> -> memref<1x1x1x8x128xf32, #tpu.memory_space<hbm>>
        %dma_wait3A_1139 = tpu.memref_squeeze %dma_wait3A_1138 : memref<1x1x1x8x128xf32, #tpu.memory_space<hbm>> -> memref<8x128xf32, #tpu.memory_space<hbm>>
        %dma_wait3A_1140 = arith.constant 0 : i32
        %dma_wait3A_1141 = arith.constant 0 : i32
        %dma_wait3A_1142 = tpu.memref_slice %arg4[%dma_wait3A_1130, %dma_wait3A_1131, %dma_wait3A_1132, %dma_wait3A_1140, %dma_wait3A_1141] : memref<50x8x128x8x128xf32, #tpu.memory_space<hbm>> -> memref<1x1x1x8x128xf32, #tpu.memory_space<hbm>>
        %dma_wait3A_1143 = tpu.memref_squeeze %dma_wait3A_1142 : memref<1x1x1x8x128xf32, #tpu.memory_space<hbm>> -> memref<8x128xf32, #tpu.memory_space<hbm>>
        %dma_wait3A_1144 = arith.constant 32 : i32
        %dma_wait3A_1145 = arith.constant 0 : i32
        %dma_wait3A_1146 = tpu.memref_slice %arg10[%dma_wait3A_1144, %dma_wait3A_1145] : memref<64x128xf32, #tpu.memory_space<vmem>> -> memref<8x128xf32, #tpu.memory_space<vmem>>
        tpu.wait_dma2 semaphore(%arg16 : memref<!tpu.dma_semaphore, #tpu.memory_space<semaphore_mem>>) src(%dma_wait3A_1146 : memref<8x128xf32, #tpu.memory_space<vmem>>) dst(%dma_wait3A_1143 : memref<8x128xf32, #tpu.memory_space<hbm>>)
        %dma_wait3A_1147 = arith.constant 0 : i32
        %dma_wait3A_1148 = arith.constant 5 : i32
        %dma_wait3A_1149 = arith.constant 0 : i32
        %dma_wait3A_1150 = arith.constant 40 : i32
        %dma_wait3A_1151 = arith.constant 0 : i32
        %dma_wait3A_1152 = tpu.memref_slice %arg10[%dma_wait3A_1150, %dma_wait3A_1151] : memref<64x128xf32, #tpu.memory_space<vmem>> -> memref<8x128xf32, #tpu.memory_space<vmem>>
        %dma_wait3A_1153 = arith.constant 0 : i32
        %dma_wait3A_1154 = arith.constant 0 : i32
        %dma_wait3A_1155 = tpu.memref_slice %arg4[%dma_wait3A_1147, %dma_wait3A_1148, %dma_wait3A_1149, %dma_wait3A_1153, %dma_wait3A_1154] : memref<50x8x128x8x128xf32, #tpu.memory_space<hbm>> -> memref<1x1x1x8x128xf32, #tpu.memory_space<hbm>>
        %dma_wait3A_1156 = tpu.memref_squeeze %dma_wait3A_1155 : memref<1x1x1x8x128xf32, #tpu.memory_space<hbm>> -> memref<8x128xf32, #tpu.memory_space<hbm>>
        %dma_wait3A_1157 = arith.constant 0 : i32
        %dma_wait3A_1158 = arith.constant 0 : i32
        %dma_wait3A_1159 = tpu.memref_slice %arg4[%dma_wait3A_1147, %dma_wait3A_1148, %dma_wait3A_1149, %dma_wait3A_1157, %dma_wait3A_1158] : memref<50x8x128x8x128xf32, #tpu.memory_space<hbm>> -> memref<1x1x1x8x128xf32, #tpu.memory_space<hbm>>
        %dma_wait3A_1160 = tpu.memref_squeeze %dma_wait3A_1159 : memref<1x1x1x8x128xf32, #tpu.memory_space<hbm>> -> memref<8x128xf32, #tpu.memory_space<hbm>>
        %dma_wait3A_1161 = arith.constant 40 : i32
        %dma_wait3A_1162 = arith.constant 0 : i32
        %dma_wait3A_1163 = tpu.memref_slice %arg10[%dma_wait3A_1161, %dma_wait3A_1162] : memref<64x128xf32, #tpu.memory_space<vmem>> -> memref<8x128xf32, #tpu.memory_space<vmem>>
        tpu.wait_dma2 semaphore(%arg16 : memref<!tpu.dma_semaphore, #tpu.memory_space<semaphore_mem>>) src(%dma_wait3A_1163 : memref<8x128xf32, #tpu.memory_space<vmem>>) dst(%dma_wait3A_1160 : memref<8x128xf32, #tpu.memory_space<hbm>>)
        %dma_wait3A_1164 = arith.constant 0 : i32
        %dma_wait3A_1165 = arith.constant 6 : i32
        %dma_wait3A_1166 = arith.constant 0 : i32
        %dma_wait3A_1167 = arith.constant 48 : i32
        %dma_wait3A_1168 = arith.constant 0 : i32
        %dma_wait3A_1169 = tpu.memref_slice %arg10[%dma_wait3A_1167, %dma_wait3A_1168] : memref<64x128xf32, #tpu.memory_space<vmem>> -> memref<8x128xf32, #tpu.memory_space<vmem>>
        %dma_wait3A_1170 = arith.constant 0 : i32
        %dma_wait3A_1171 = arith.constant 0 : i32
        %dma_wait3A_1172 = tpu.memref_slice %arg4[%dma_wait3A_1164, %dma_wait3A_1165, %dma_wait3A_1166, %dma_wait3A_1170, %dma_wait3A_1171] : memref<50x8x128x8x128xf32, #tpu.memory_space<hbm>> -> memref<1x1x1x8x128xf32, #tpu.memory_space<hbm>>
        %dma_wait3A_1173 = tpu.memref_squeeze %dma_wait3A_1172 : memref<1x1x1x8x128xf32, #tpu.memory_space<hbm>> -> memref<8x128xf32, #tpu.memory_space<hbm>>
        %dma_wait3A_1174 = arith.constant 0 : i32
        %dma_wait3A_1175 = arith.constant 0 : i32
        %dma_wait3A_1176 = tpu.memref_slice %arg4[%dma_wait3A_1164, %dma_wait3A_1165, %dma_wait3A_1166, %dma_wait3A_1174, %dma_wait3A_1175] : memref<50x8x128x8x128xf32, #tpu.memory_space<hbm>> -> memref<1x1x1x8x128xf32, #tpu.memory_space<hbm>>
        %dma_wait3A_1177 = tpu.memref_squeeze %dma_wait3A_1176 : memref<1x1x1x8x128xf32, #tpu.memory_space<hbm>> -> memref<8x128xf32, #tpu.memory_space<hbm>>
        %dma_wait3A_1178 = arith.constant 48 : i32
        %dma_wait3A_1179 = arith.constant 0 : i32
        %dma_wait3A_1180 = tpu.memref_slice %arg10[%dma_wait3A_1178, %dma_wait3A_1179] : memref<64x128xf32, #tpu.memory_space<vmem>> -> memref<8x128xf32, #tpu.memory_space<vmem>>
        tpu.wait_dma2 semaphore(%arg16 : memref<!tpu.dma_semaphore, #tpu.memory_space<semaphore_mem>>) src(%dma_wait3A_1180 : memref<8x128xf32, #tpu.memory_space<vmem>>) dst(%dma_wait3A_1177 : memref<8x128xf32, #tpu.memory_space<hbm>>)
        %dma_wait3A_1181 = arith.constant 0 : i32
        %dma_wait3A_1182 = arith.constant 7 : i32
        %dma_wait3A_1183 = arith.constant 0 : i32
        %dma_wait3A_1184 = arith.constant 56 : i32
        %dma_wait3A_1185 = arith.constant 0 : i32
        %dma_wait3A_1186 = tpu.memref_slice %arg10[%dma_wait3A_1184, %dma_wait3A_1185] : memref<64x128xf32, #tpu.memory_space<vmem>> -> memref<8x128xf32, #tpu.memory_space<vmem>>
        %dma_wait3A_1187 = arith.constant 0 : i32
        %dma_wait3A_1188 = arith.constant 0 : i32
        %dma_wait3A_1189 = tpu.memref_slice %arg4[%dma_wait3A_1181, %dma_wait3A_1182, %dma_wait3A_1183, %dma_wait3A_1187, %dma_wait3A_1188] : memref<50x8x128x8x128xf32, #tpu.memory_space<hbm>> -> memref<1x1x1x8x128xf32, #tpu.memory_space<hbm>>
        %dma_wait3A_1190 = tpu.memref_squeeze %dma_wait3A_1189 : memref<1x1x1x8x128xf32, #tpu.memory_space<hbm>> -> memref<8x128xf32, #tpu.memory_space<hbm>>
        %dma_wait3A_1191 = arith.constant 0 : i32
        %dma_wait3A_1192 = arith.constant 0 : i32
        %dma_wait3A_1193 = tpu.memref_slice %arg4[%dma_wait3A_1181, %dma_wait3A_1182, %dma_wait3A_1183, %dma_wait3A_1191, %dma_wait3A_1192] : memref<50x8x128x8x128xf32, #tpu.memory_space<hbm>> -> memref<1x1x1x8x128xf32, #tpu.memory_space<hbm>>
        %dma_wait3A_1194 = tpu.memref_squeeze %dma_wait3A_1193 : memref<1x1x1x8x128xf32, #tpu.memory_space<hbm>> -> memref<8x128xf32, #tpu.memory_space<hbm>>
        %dma_wait3A_1195 = arith.constant 56 : i32
        %dma_wait3A_1196 = arith.constant 0 : i32
        %dma_wait3A_1197 = tpu.memref_slice %arg10[%dma_wait3A_1195, %dma_wait3A_1196] : memref<64x128xf32, #tpu.memory_space<vmem>> -> memref<8x128xf32, #tpu.memory_space<vmem>>
        tpu.wait_dma2 semaphore(%arg16 : memref<!tpu.dma_semaphore, #tpu.memory_space<semaphore_mem>>) src(%dma_wait3A_1197 : memref<8x128xf32, #tpu.memory_space<vmem>>) dst(%dma_wait3A_1194 : memref<8x128xf32, #tpu.memory_space<hbm>>)
      } else {
      }
      %parallel_loop3A_746 = arith.constant 0 : i32
      %parallel_loop3A_747 = arith.constant 64 : i32
      %parallel_loop3A_748 = arith.constant 1 : i32
      scf.for %parallel_loop3A_1062 = %parallel_loop3A_746 to %parallel_loop3A_747 step %parallel_loop3A_748  : i32 {
        %parallel_loop3A_1063 = vector.broadcast %parallel_loop3A_1062 : i32 to vector<16xi32>
        %parallel_loop3A_1064 = arith.addi %broadcast_in_dim3A_54, %parallel_loop3A_1063 : vector<16xi32>
        %parallel_loop3A_1065 = arith.index_cast %parallel_loop3A_1062 : i32 to index
        %parallel_loop3A_1066 = arith.constant 0 : index
        %parallel_loop3A_1067 = tpu.vector_load %arg8[%parallel_loop3A_1065, %parallel_loop3A_1066] {strides = array<i32>} : memref<128x64xf32, #tpu.memory_space<vmem>>, vector<16xf32>,
        %parallel_loop3A_1068 = arith.index_cast %parallel_loop3A_1062 : i32 to index
        %parallel_loop3A_1069 = arith.constant 0 : index
        %parallel_loop3A_1070 = tpu.vector_load %arg10[%parallel_loop3A_1068, %parallel_loop3A_1069] {strides = array<i32>} : memref<64x128xf32, #tpu.memory_space<vmem>>, vector<16xf32>,
        tpu.vector_store %arg10[%parallel_loop3A_1068, %parallel_loop3A_1069], %parallel_loop3A_1067 {strides = array<i32>} : memref<64x128xf32, #tpu.memory_space<vmem>>, vector<16xf32>,
        %parallel_loop3A_1071 = arith.index_cast %parallel_loop3A_1062 : i32 to index
        %parallel_loop3A_1072 = arith.constant 16 : index
        %parallel_loop3A_1073 = tpu.vector_load %arg8[%parallel_loop3A_1071, %parallel_loop3A_1072] {strides = array<i32>} : memref<128x64xf32, #tpu.memory_space<vmem>>, vector<16xf32>,
        %parallel_loop3A_1074 = arith.index_cast %parallel_loop3A_1062 : i32 to index
        %parallel_loop3A_1075 = arith.constant 16 : index
        %parallel_loop3A_1076 = tpu.vector_load %arg10[%parallel_loop3A_1074, %parallel_loop3A_1075] {strides = array<i32>} : memref<64x128xf32, #tpu.memory_space<vmem>>, vector<16xf32>,
        tpu.vector_store %arg10[%parallel_loop3A_1074, %parallel_loop3A_1075], %parallel_loop3A_1073 {strides = array<i32>} : memref<64x128xf32, #tpu.memory_space<vmem>>, vector<16xf32>,
        %parallel_loop3A_1077 = arith.index_cast %parallel_loop3A_1062 : i32 to index
        %parallel_loop3A_1078 = arith.constant 32 : index
        %parallel_loop3A_1079 = tpu.vector_load %arg8[%parallel_loop3A_1077, %parallel_loop3A_1078] {strides = array<i32>} : memref<128x64xf32, #tpu.memory_space<vmem>>, vector<16xf32>,
        %parallel_loop3A_1080 = arith.index_cast %parallel_loop3A_1062 : i32 to index
        %parallel_loop3A_1081 = arith.constant 32 : index
        %parallel_loop3A_1082 = tpu.vector_load %arg10[%parallel_loop3A_1080, %parallel_loop3A_1081] {strides = array<i32>} : memref<64x128xf32, #tpu.memory_space<vmem>>, vector<16xf32>,
        tpu.vector_store %arg10[%parallel_loop3A_1080, %parallel_loop3A_1081], %parallel_loop3A_1079 {strides = array<i32>} : memref<64x128xf32, #tpu.memory_space<vmem>>, vector<16xf32>,
        %parallel_loop3A_1083 = arith.index_cast %parallel_loop3A_1062 : i32 to index
        %parallel_loop3A_1084 = arith.constant 48 : index
        %parallel_loop3A_1085 = tpu.vector_load %arg8[%parallel_loop3A_1083, %parallel_loop3A_1084] {strides = array<i32>} : memref<128x64xf32, #tpu.memory_space<vmem>>, vector<16xf32>,
        %parallel_loop3A_1086 = arith.index_cast %parallel_loop3A_1062 : i32 to index
        %parallel_loop3A_1087 = arith.constant 48 : index
        %parallel_loop3A_1088 = tpu.vector_load %arg10[%parallel_loop3A_1086, %parallel_loop3A_1087] {strides = array<i32>} : memref<64x128xf32, #tpu.memory_space<vmem>>, vector<16xf32>,
        tpu.vector_store %arg10[%parallel_loop3A_1086, %parallel_loop3A_1087], %parallel_loop3A_1085 {strides = array<i32>} : memref<64x128xf32, #tpu.memory_space<vmem>>, vector<16xf32>,
        %parallel_loop3A_1089 = arith.index_cast %parallel_loop3A_1062 : i32 to index
        %parallel_loop3A_1090 = arith.constant 0 : index
        %parallel_loop3A_1091 = tpu.vector_load %arg8[%parallel_loop3A_1089, %parallel_loop3A_1090] {strides = array<i32>} : memref<128x64xf32, #tpu.memory_space<vmem>>, vector<16xf32>,
        %parallel_loop3A_1092 = arith.index_cast %parallel_loop3A_1062 : i32 to index
        %parallel_loop3A_1093 = arith.constant 64 : index
        %parallel_loop3A_1094 = tpu.vector_load %arg10[%parallel_loop3A_1092, %parallel_loop3A_1093] {strides = array<i32>} : memref<64x128xf32, #tpu.memory_space<vmem>>, vector<16xf32>,
        tpu.vector_store %arg10[%parallel_loop3A_1092, %parallel_loop3A_1093], %parallel_loop3A_1091 {strides = array<i32>} : memref<64x128xf32, #tpu.memory_space<vmem>>, vector<16xf32>,
        %parallel_loop3A_1095 = arith.index_cast %parallel_loop3A_1062 : i32 to index
        %parallel_loop3A_1096 = arith.constant 16 : index
        %parallel_loop3A_1097 = tpu.vector_load %arg8[%parallel_loop3A_1095, %parallel_loop3A_1096] {strides = array<i32>} : memref<128x64xf32, #tpu.memory_space<vmem>>, vector<16xf32>,
        %parallel_loop3A_1098 = arith.index_cast %parallel_loop3A_1062 : i32 to index
        %parallel_loop3A_1099 = arith.constant 80 : index
        %parallel_loop3A_1100 = tpu.vector_load %arg10[%parallel_loop3A_1098, %parallel_loop3A_1099] {strides = array<i32>} : memref<64x128xf32, #tpu.memory_space<vmem>>, vector<16xf32>,
        tpu.vector_store %arg10[%parallel_loop3A_1098, %parallel_loop3A_1099], %parallel_loop3A_1097 {strides = array<i32>} : memref<64x128xf32, #tpu.memory_space<vmem>>, vector<16xf32>,
        %parallel_loop3A_1101 = arith.index_cast %parallel_loop3A_1062 : i32 to index
        %parallel_loop3A_1102 = arith.constant 32 : index
        %parallel_loop3A_1103 = tpu.vector_load %arg8[%parallel_loop3A_1101, %parallel_loop3A_1102] {strides = array<i32>} : memref<128x64xf32, #tpu.memory_space<vmem>>, vector<16xf32>,
        %parallel_loop3A_1104 = arith.index_cast %parallel_loop3A_1062 : i32 to index
        %parallel_loop3A_1105 = arith.constant 96 : index
        %parallel_loop3A_1106 = tpu.vector_load %arg10[%parallel_loop3A_1104, %parallel_loop3A_1105] {strides = array<i32>} : memref<64x128xf32, #tpu.memory_space<vmem>>, vector<16xf32>,
        tpu.vector_store %arg10[%parallel_loop3A_1104, %parallel_loop3A_1105], %parallel_loop3A_1103 {strides = array<i32>} : memref<64x128xf32, #tpu.memory_space<vmem>>, vector<16xf32>,
        %parallel_loop3A_1107 = arith.index_cast %parallel_loop3A_1062 : i32 to index
        %parallel_loop3A_1108 = arith.constant 48 : index
        %parallel_loop3A_1109 = tpu.vector_load %arg8[%parallel_loop3A_1107, %parallel_loop3A_1108] {strides = array<i32>} : memref<128x64xf32, #tpu.memory_space<vmem>>, vector<16xf32>,
        %parallel_loop3A_1110 = arith.index_cast %parallel_loop3A_1062 : i32 to index
        %parallel_loop3A_1111 = arith.constant 112 : index
        %parallel_loop3A_1112 = tpu.vector_load %arg10[%parallel_loop3A_1110, %parallel_loop3A_1111] {strides = array<i32>} : memref<64x128xf32, #tpu.memory_space<vmem>>, vector<16xf32>,
        tpu.vector_store %arg10[%parallel_loop3A_1110, %parallel_loop3A_1111], %parallel_loop3A_1109 {strides = array<i32>} : memref<64x128xf32, #tpu.memory_space<vmem>>, vector<16xf32>,
      } {sc.loop_unroll_factor = 8 : i64, sc.parallel_access}
      %add3A_749 = arith.constant 4 : i32
      %add3A_750 = arith.addi %add3A_693, %add3A_749 : i32
      %lt3A_751 = arith.constant 200 : i32
      %lt3A_752 = arith.cmpi slt, %add3A_750, %lt3A_751 : i32
      %convert_element_type3A_753 = arith.extui %lt3A_752 : i1 to i32
      %cond3A_754 = arith.constant 0 : i32
      %cond3A_755 = arith.cmpi ne, %convert_element_type3A_753, %cond3A_754 : i32
      scf.if %cond3A_755 {
        %dma_start3A_1062 = arith.constant 0 : i32
        %dma_start3A_1063 = tpu.memref_slice %arg5[%add3A_750, %dma_start3A_1062] : memref<200x128xi32, #tpu.memory_space<vmem>> -> memref<1x128xi32, #tpu.memory_space<vmem>>
        %dma_start3A_1064 = tpu.memref_squeeze %dma_start3A_1063 : memref<1x128xi32, #tpu.memory_space<vmem>> -> memref<128xi32, #tpu.memory_space<vmem>>
        %dma_start3A_1065 = arith.constant 0 : i32
        %dma_start3A_1066 = arith.constant 0 : i32
        %dma_start3A_1067 = tpu.memref_slice %arg3[%dma_start3A_1065, %dma_start3A_1066] : memref<1000000x64xf32, #tpu.memory_space<hbm>> -> memref<1000000x64xf32, #tpu.memory_space<hbm>>
        tpu.enqueue_indirect_dma source(%dma_start3A_1067 : memref<1000000x64xf32, #tpu.memory_space<hbm>>) target(%arg8 : memref<128x64xf32, #tpu.memory_space<vmem>>) offsets(%dma_start3A_1064 : memref<128xi32, #tpu.memory_space<vmem>>) semaphore(%arg14 : memref<!tpu.dma_semaphore, #tpu.memory_space<semaphore_mem>>)
      } else {
      }
      %dma_start3A_756 = arith.constant 0 : i32
      %dma_start3A_757 = arith.constant 0 : i32
      %dma_start3A_758 = arith.constant 0 : i32
      %dma_start3A_759 = tpu.memref_slice %arg10[%dma_start3A_757, %dma_start3A_758] : memref<64x128xf32, #tpu.memory_space<vmem>> -> memref<8x128xf32, #tpu.memory_space<vmem>>
      %dma_start3A_760 = arith.constant 0 : i32
      %dma_start3A_761 = arith.constant 0 : i32
      %dma_start3A_762 = tpu.memref_slice %arg4[%select_n3A_718, %dma_start3A_756, %select_n3A_734, %dma_start3A_760, %dma_start3A_761] : memref<50x8x128x8x128xf32, #tpu.memory_space<hbm>> -> memref<1x1x1x8x128xf32, #tpu.memory_space<hbm>>
      %dma_start3A_763 = tpu.memref_squeeze %dma_start3A_762 : memref<1x1x1x8x128xf32, #tpu.memory_space<hbm>> -> memref<8x128xf32, #tpu.memory_space<hbm>>
      %dma_start3A_764 = arith.constant 0 : i32
      %dma_start3A_765 = arith.constant 0 : i32
      %dma_start3A_766 = tpu.memref_slice %arg4[%select_n3A_718, %dma_start3A_756, %select_n3A_734, %dma_start3A_764, %dma_start3A_765] : memref<50x8x128x8x128xf32, #tpu.memory_space<hbm>> -> memref<1x1x1x8x128xf32, #tpu.memory_space<hbm>>
      %dma_start3A_767 = tpu.memref_squeeze %dma_start3A_766 : memref<1x1x1x8x128xf32, #tpu.memory_space<hbm>> -> memref<8x128xf32, #tpu.memory_space<hbm>>
      %dma_start3A_768 = arith.constant 0 : i32
      %dma_start3A_769 = arith.constant 0 : i32
      %dma_start3A_770 = tpu.memref_slice %arg10[%dma_start3A_768, %dma_start3A_769] : memref<64x128xf32, #tpu.memory_space<vmem>> -> memref<8x128xf32, #tpu.memory_space<vmem>>
      tpu.enqueue_dma source(%dma_start3A_770 : memref<8x128xf32, #tpu.memory_space<vmem>>) target(%dma_start3A_767 : memref<8x128xf32, #tpu.memory_space<hbm>>) target_semaphore(%arg16 : memref<!tpu.dma_semaphore, #tpu.memory_space<semaphore_mem>>)
      %dma_start3A_771 = arith.constant 1 : i32
      %dma_start3A_772 = arith.constant 8 : i32
      %dma_start3A_773 = arith.constant 0 : i32
      %dma_start3A_774 = tpu.memref_slice %arg10[%dma_start3A_772, %dma_start3A_773] : memref<64x128xf32, #tpu.memory_space<vmem>> -> memref<8x128xf32, #tpu.memory_space<vmem>>
      %dma_start3A_775 = arith.constant 0 : i32
      %dma_start3A_776 = arith.constant 0 : i32
      %dma_start3A_777 = tpu.memref_slice %arg4[%select_n3A_718, %dma_start3A_771, %select_n3A_734, %dma_start3A_775, %dma_start3A_776] : memref<50x8x128x8x128xf32, #tpu.memory_space<hbm>> -> memref<1x1x1x8x128xf32, #tpu.memory_space<hbm>>
      %dma_start3A_778 = tpu.memref_squeeze %dma_start3A_777 : memref<1x1x1x8x128xf32, #tpu.memory_space<hbm>> -> memref<8x128xf32, #tpu.memory_space<hbm>>
      %dma_start3A_779 = arith.constant 0 : i32
      %dma_start3A_780 = arith.constant 0 : i32
      %dma_start3A_781 = tpu.memref_slice %arg4[%select_n3A_718, %dma_start3A_771, %select_n3A_734, %dma_start3A_779, %dma_start3A_780] : memref<50x8x128x8x128xf32, #tpu.memory_space<hbm>> -> memref<1x1x1x8x128xf32, #tpu.memory_space<hbm>>
      %dma_start3A_782 = tpu.memref_squeeze %dma_start3A_781 : memref<1x1x1x8x128xf32, #tpu.memory_space<hbm>> -> memref<8x128xf32, #tpu.memory_space<hbm>>
      %dma_start3A_783 = arith.constant 8 : i32
      %dma_start3A_784 = arith.constant 0 : i32
      %dma_start3A_785 = tpu.memref_slice %arg10[%dma_start3A_783, %dma_start3A_784] : memref<64x128xf32, #tpu.memory_space<vmem>> -> memref<8x128xf32, #tpu.memory_space<vmem>>
      tpu.enqueue_dma source(%dma_start3A_785 : memref<8x128xf32, #tpu.memory_space<vmem>>) target(%dma_start3A_782 : memref<8x128xf32, #tpu.memory_space<hbm>>) target_semaphore(%arg16 : memref<!tpu.dma_semaphore, #tpu.memory_space<semaphore_mem>>)
      %dma_start3A_786 = arith.constant 2 : i32
      %dma_start3A_787 = arith.constant 16 : i32
      %dma_start3A_788 = arith.constant 0 : i32
      %dma_start3A_789 = tpu.memref_slice %arg10[%dma_start3A_787, %dma_start3A_788] : memref<64x128xf32, #tpu.memory_space<vmem>> -> memref<8x128xf32, #tpu.memory_space<vmem>>
      %dma_start3A_790 = arith.constant 0 : i32
      %dma_start3A_791 = arith.constant 0 : i32
      %dma_start3A_792 = tpu.memref_slice %arg4[%select_n3A_718, %dma_start3A_786, %select_n3A_734, %dma_start3A_790, %dma_start3A_791] : memref<50x8x128x8x128xf32, #tpu.memory_space<hbm>> -> memref<1x1x1x8x128xf32, #tpu.memory_space<hbm>>
      %dma_start3A_793 = tpu.memref_squeeze %dma_start3A_792 : memref<1x1x1x8x128xf32, #tpu.memory_space<hbm>> -> memref<8x128xf32, #tpu.memory_space<hbm>>
      %dma_start3A_794 = arith.constant 0 : i32
      %dma_start3A_795 = arith.constant 0 : i32
      %dma_start3A_796 = tpu.memref_slice %arg4[%select_n3A_718, %dma_start3A_786, %select_n3A_734, %dma_start3A_794, %dma_start3A_795] : memref<50x8x128x8x128xf32, #tpu.memory_space<hbm>> -> memref<1x1x1x8x128xf32, #tpu.memory_space<hbm>>
      %dma_start3A_797 = tpu.memref_squeeze %dma_start3A_796 : memref<1x1x1x8x128xf32, #tpu.memory_space<hbm>> -> memref<8x128xf32, #tpu.memory_space<hbm>>
      %dma_start3A_798 = arith.constant 16 : i32
      %dma_start3A_799 = arith.constant 0 : i32
      %dma_start3A_800 = tpu.memref_slice %arg10[%dma_start3A_798, %dma_start3A_799] : memref<64x128xf32, #tpu.memory_space<vmem>> -> memref<8x128xf32, #tpu.memory_space<vmem>>
      tpu.enqueue_dma source(%dma_start3A_800 : memref<8x128xf32, #tpu.memory_space<vmem>>) target(%dma_start3A_797 : memref<8x128xf32, #tpu.memory_space<hbm>>) target_semaphore(%arg16 : memref<!tpu.dma_semaphore, #tpu.memory_space<semaphore_mem>>)
      %dma_start3A_801 = arith.constant 3 : i32
      %dma_start3A_802 = arith.constant 24 : i32
      %dma_start3A_803 = arith.constant 0 : i32
      %dma_start3A_804 = tpu.memref_slice %arg10[%dma_start3A_802, %dma_start3A_803] : memref<64x128xf32, #tpu.memory_space<vmem>> -> memref<8x128xf32, #tpu.memory_space<vmem>>
      %dma_start3A_805 = arith.constant 0 : i32
      %dma_start3A_806 = arith.constant 0 : i32
      %dma_start3A_807 = tpu.memref_slice %arg4[%select_n3A_718, %dma_start3A_801, %select_n3A_734, %dma_start3A_805, %dma_start3A_806] : memref<50x8x128x8x128xf32, #tpu.memory_space<hbm>> -> memref<1x1x1x8x128xf32, #tpu.memory_space<hbm>>
      %dma_start3A_808 = tpu.memref_squeeze %dma_start3A_807 : memref<1x1x1x8x128xf32, #tpu.memory_space<hbm>> -> memref<8x128xf32, #tpu.memory_space<hbm>>
      %dma_start3A_809 = arith.constant 0 : i32
      %dma_start3A_810 = arith.constant 0 : i32
      %dma_start3A_811 = tpu.memref_slice %arg4[%select_n3A_718, %dma_start3A_801, %select_n3A_734, %dma_start3A_809, %dma_start3A_810] : memref<50x8x128x8x128xf32, #tpu.memory_space<hbm>> -> memref<1x1x1x8x128xf32, #tpu.memory_space<hbm>>
      %dma_start3A_812 = tpu.memref_squeeze %dma_start3A_811 : memref<1x1x1x8x128xf32, #tpu.memory_space<hbm>> -> memref<8x128xf32, #tpu.memory_space<hbm>>
      %dma_start3A_813 = arith.constant 24 : i32
      %dma_start3A_814 = arith.constant 0 : i32
      %dma_start3A_815 = tpu.memref_slice %arg10[%dma_start3A_813, %dma_start3A_814] : memref<64x128xf32, #tpu.memory_space<vmem>> -> memref<8x128xf32, #tpu.memory_space<vmem>>
      tpu.enqueue_dma source(%dma_start3A_815 : memref<8x128xf32, #tpu.memory_space<vmem>>) target(%dma_start3A_812 : memref<8x128xf32, #tpu.memory_space<hbm>>) target_semaphore(%arg16 : memref<!tpu.dma_semaphore, #tpu.memory_space<semaphore_mem>>)
      %dma_start3A_816 = arith.constant 4 : i32
      %dma_start3A_817 = arith.constant 32 : i32
      %dma_start3A_818 = arith.constant 0 : i32
      %dma_start3A_819 = tpu.memref_slice %arg10[%dma_start3A_817, %dma_start3A_818] : memref<64x128xf32, #tpu.memory_space<vmem>> -> memref<8x128xf32, #tpu.memory_space<vmem>>
      %dma_start3A_820 = arith.constant 0 : i32
      %dma_start3A_821 = arith.constant 0 : i32
      %dma_start3A_822 = tpu.memref_slice %arg4[%select_n3A_718, %dma_start3A_816, %select_n3A_734, %dma_start3A_820, %dma_start3A_821] : memref<50x8x128x8x128xf32, #tpu.memory_space<hbm>> -> memref<1x1x1x8x128xf32, #tpu.memory_space<hbm>>
      %dma_start3A_823 = tpu.memref_squeeze %dma_start3A_822 : memref<1x1x1x8x128xf32, #tpu.memory_space<hbm>> -> memref<8x128xf32, #tpu.memory_space<hbm>>
      %dma_start3A_824 = arith.constant 0 : i32
      %dma_start3A_825 = arith.constant 0 : i32
      %dma_start3A_826 = tpu.memref_slice %arg4[%select_n3A_718, %dma_start3A_816, %select_n3A_734, %dma_start3A_824, %dma_start3A_825] : memref<50x8x128x8x128xf32, #tpu.memory_space<hbm>> -> memref<1x1x1x8x128xf32, #tpu.memory_space<hbm>>
      %dma_start3A_827 = tpu.memref_squeeze %dma_start3A_826 : memref<1x1x1x8x128xf32, #tpu.memory_space<hbm>> -> memref<8x128xf32, #tpu.memory_space<hbm>>
      %dma_start3A_828 = arith.constant 32 : i32
      %dma_start3A_829 = arith.constant 0 : i32
      %dma_start3A_830 = tpu.memref_slice %arg10[%dma_start3A_828, %dma_start3A_829] : memref<64x128xf32, #tpu.memory_space<vmem>> -> memref<8x128xf32, #tpu.memory_space<vmem>>
      tpu.enqueue_dma source(%dma_start3A_830 : memref<8x128xf32, #tpu.memory_space<vmem>>) target(%dma_start3A_827 : memref<8x128xf32, #tpu.memory_space<hbm>>) target_semaphore(%arg16 : memref<!tpu.dma_semaphore, #tpu.memory_space<semaphore_mem>>)
      %dma_start3A_831 = arith.constant 5 : i32
      %dma_start3A_832 = arith.constant 40 : i32
      %dma_start3A_833 = arith.constant 0 : i32
      %dma_start3A_834 = tpu.memref_slice %arg10[%dma_start3A_832, %dma_start3A_833] : memref<64x128xf32, #tpu.memory_space<vmem>> -> memref<8x128xf32, #tpu.memory_space<vmem>>
      %dma_start3A_835 = arith.constant 0 : i32
      %dma_start3A_836 = arith.constant 0 : i32
      %dma_start3A_837 = tpu.memref_slice %arg4[%select_n3A_718, %dma_start3A_831, %select_n3A_734, %dma_start3A_835, %dma_start3A_836] : memref<50x8x128x8x128xf32, #tpu.memory_space<hbm>> -> memref<1x1x1x8x128xf32, #tpu.memory_space<hbm>>
      %dma_start3A_838 = tpu.memref_squeeze %dma_start3A_837 : memref<1x1x1x8x128xf32, #tpu.memory_space<hbm>> -> memref<8x128xf32, #tpu.memory_space<hbm>>
      %dma_start3A_839 = arith.constant 0 : i32
      %dma_start3A_840 = arith.constant 0 : i32
      %dma_start3A_841 = tpu.memref_slice %arg4[%select_n3A_718, %dma_start3A_831, %select_n3A_734, %dma_start3A_839, %dma_start3A_840] : memref<50x8x128x8x128xf32, #tpu.memory_space<hbm>> -> memref<1x1x1x8x128xf32, #tpu.memory_space<hbm>>
      %dma_start3A_842 = tpu.memref_squeeze %dma_start3A_841 : memref<1x1x1x8x128xf32, #tpu.memory_space<hbm>> -> memref<8x128xf32, #tpu.memory_space<hbm>>
      %dma_start3A_843 = arith.constant 40 : i32
      %dma_start3A_844 = arith.constant 0 : i32
      %dma_start3A_845 = tpu.memref_slice %arg10[%dma_start3A_843, %dma_start3A_844] : memref<64x128xf32, #tpu.memory_space<vmem>> -> memref<8x128xf32, #tpu.memory_space<vmem>>
      tpu.enqueue_dma source(%dma_start3A_845 : memref<8x128xf32, #tpu.memory_space<vmem>>) target(%dma_start3A_842 : memref<8x128xf32, #tpu.memory_space<hbm>>) target_semaphore(%arg16 : memref<!tpu.dma_semaphore, #tpu.memory_space<semaphore_mem>>)
      %dma_start3A_846 = arith.constant 6 : i32
      %dma_start3A_847 = arith.constant 48 : i32
      %dma_start3A_848 = arith.constant 0 : i32
      %dma_start3A_849 = tpu.memref_slice %arg10[%dma_start3A_847, %dma_start3A_848] : memref<64x128xf32, #tpu.memory_space<vmem>> -> memref<8x128xf32, #tpu.memory_space<vmem>>
      %dma_start3A_850 = arith.constant 0 : i32
      %dma_start3A_851 = arith.constant 0 : i32
      %dma_start3A_852 = tpu.memref_slice %arg4[%select_n3A_718, %dma_start3A_846, %select_n3A_734, %dma_start3A_850, %dma_start3A_851] : memref<50x8x128x8x128xf32, #tpu.memory_space<hbm>> -> memref<1x1x1x8x128xf32, #tpu.memory_space<hbm>>
      %dma_start3A_853 = tpu.memref_squeeze %dma_start3A_852 : memref<1x1x1x8x128xf32, #tpu.memory_space<hbm>> -> memref<8x128xf32, #tpu.memory_space<hbm>>
      %dma_start3A_854 = arith.constant 0 : i32
      %dma_start3A_855 = arith.constant 0 : i32
      %dma_start3A_856 = tpu.memref_slice %arg4[%select_n3A_718, %dma_start3A_846, %select_n3A_734, %dma_start3A_854, %dma_start3A_855] : memref<50x8x128x8x128xf32, #tpu.memory_space<hbm>> -> memref<1x1x1x8x128xf32, #tpu.memory_space<hbm>>
      %dma_start3A_857 = tpu.memref_squeeze %dma_start3A_856 : memref<1x1x1x8x128xf32, #tpu.memory_space<hbm>> -> memref<8x128xf32, #tpu.memory_space<hbm>>
      %dma_start3A_858 = arith.constant 48 : i32
      %dma_start3A_859 = arith.constant 0 : i32
      %dma_start3A_860 = tpu.memref_slice %arg10[%dma_start3A_858, %dma_start3A_859] : memref<64x128xf32, #tpu.memory_space<vmem>> -> memref<8x128xf32, #tpu.memory_space<vmem>>
      tpu.enqueue_dma source(%dma_start3A_860 : memref<8x128xf32, #tpu.memory_space<vmem>>) target(%dma_start3A_857 : memref<8x128xf32, #tpu.memory_space<hbm>>) target_semaphore(%arg16 : memref<!tpu.dma_semaphore, #tpu.memory_space<semaphore_mem>>)
      %dma_start3A_861 = arith.constant 7 : i32
      %dma_start3A_862 = arith.constant 56 : i32
      %dma_start3A_863 = arith.constant 0 : i32
      %dma_start3A_864 = tpu.memref_slice %arg10[%dma_start3A_862, %dma_start3A_863] : memref<64x128xf32, #tpu.memory_space<vmem>> -> memref<8x128xf32, #tpu.memory_space<vmem>>
      %dma_start3A_865 = arith.constant 0 : i32
      %dma_start3A_866 = arith.constant 0 : i32
      %dma_start3A_867 = tpu.memref_slice %arg4[%select_n3A_718, %dma_start3A_861, %select_n3A_734, %dma_start3A_865, %dma_start3A_866] : memref<50x8x128x8x128xf32, #tpu.memory_space<hbm>> -> memref<1x1x1x8x128xf32, #tpu.memory_space<hbm>>
      %dma_start3A_868 = tpu.memref_squeeze %dma_start3A_867 : memref<1x1x1x8x128xf32, #tpu.memory_space<hbm>> -> memref<8x128xf32, #tpu.memory_space<hbm>>
      %dma_start3A_869 = arith.constant 0 : i32
      %dma_start3A_870 = arith.constant 0 : i32
      %dma_start3A_871 = tpu.memref_slice %arg4[%select_n3A_718, %dma_start3A_861, %select_n3A_734, %dma_start3A_869, %dma_start3A_870] : memref<50x8x128x8x128xf32, #tpu.memory_space<hbm>> -> memref<1x1x1x8x128xf32, #tpu.memory_space<hbm>>
      %dma_start3A_872 = tpu.memref_squeeze %dma_start3A_871 : memref<1x1x1x8x128xf32, #tpu.memory_space<hbm>> -> memref<8x128xf32, #tpu.memory_space<hbm>>
      %dma_start3A_873 = arith.constant 56 : i32
      %dma_start3A_874 = arith.constant 0 : i32
      %dma_start3A_875 = tpu.memref_slice %arg10[%dma_start3A_873, %dma_start3A_874] : memref<64x128xf32, #tpu.memory_space<vmem>> -> memref<8x128xf32, #tpu.memory_space<vmem>>
      tpu.enqueue_dma source(%dma_start3A_875 : memref<8x128xf32, #tpu.memory_space<vmem>>) target(%dma_start3A_872 : memref<8x128xf32, #tpu.memory_space<hbm>>) target_semaphore(%arg16 : memref<!tpu.dma_semaphore, #tpu.memory_space<semaphore_mem>>)
      %mul3A_876 = arith.constant 4 : i32
      %mul3A_877 = arith.muli %scan3A_331, %mul3A_876 : i32
      %add3A_878 = arith.constant 3 : i32
      %add3A_879 = arith.addi %mul3A_877, %add3A_878 : i32
      %add3A_880 = arith.addi %mul3A_2, %add3A_879 : i32
      %jit3A_881 = arith.constant 128 : i32
      %div3A_882 = arith.divsi %add3A_880, %jit3A_881 : i32
      %sign3A_883 = arith.constant 0 : i32
      %sign3A_884 = arith.cmpi sgt, %add3A_880, %sign3A_883 : i32
      %sign3A_885 = arith.extui %sign3A_884 : i1 to i32
      %sign3A_886 = arith.constant 0 : i32
      %sign3A_887 = arith.cmpi slt, %add3A_880, %sign3A_886 : i32
      %sign3A_888 = arith.extui %sign3A_887 : i1 to i32
      %sign3A_889 = arith.subi %sign3A_885, %sign3A_888 : i32
      %sign3A_890 = arith.constant 0 : i32
      %sign3A_891 = arith.cmpi sgt, %jit3A_881, %sign3A_890 : i32
      %sign3A_892 = arith.extui %sign3A_891 : i1 to i32
      %sign3A_893 = arith.constant 0 : i32
      %sign3A_894 = arith.cmpi slt, %jit3A_881, %sign3A_893 : i32
      %sign3A_895 = arith.extui %sign3A_894 : i1 to i32
      %sign3A_896 = arith.subi %sign3A_892, %sign3A_895 : i32
      %ne3A_897 = arith.cmpi ne, %sign3A_889, %sign3A_896 : i32
      %rem3A_898 = arith.remsi %add3A_880, %jit3A_881 : i32
      %ne3A_899 = arith.constant 0 : i32
      %ne3A_900 = arith.cmpi ne, %rem3A_898, %ne3A_899 : i32
      %and3A_901 = arith.andi %ne3A_897, %ne3A_900 : i1
      %sub3A_902 = arith.constant 1 : i32
      %sub3A_903 = arith.subi %div3A_882, %sub3A_902 : i32
      %select_n3A_904 = arith.select %and3A_901, %sub3A_903, %div3A_882 : i32
      %jit3A_905 = arith.constant 128 : i32
      %eq3A_906 = arith.constant 0 : i32
      %eq3A_907 = arith.cmpi eq, %jit3A_905, %eq3A_906 : i32
      %jit3A_908 = arith.constant 1 : i32
      %select_n3A_909 = arith.select %eq3A_907, %jit3A_908, %jit3A_905 : i32
      %rem3A_910 = arith.remsi %add3A_880, %select_n3A_909 : i32
      %ne3A_911 = arith.constant 0 : i32
      %ne3A_912 = arith.cmpi ne, %rem3A_910, %ne3A_911 : i32
      %lt3A_913 = arith.constant 0 : i32
      %lt3A_914 = arith.cmpi slt, %rem3A_910, %lt3A_913 : i32
      %lt3A_915 = arith.constant 0 : i32
      %lt3A_916 = arith.cmpi slt, %select_n3A_909, %lt3A_915 : i32
      %ne3A_917 = arith.xori %lt3A_914, %lt3A_916 : i1
      %and3A_918 = arith.andi %ne3A_917, %ne3A_912 : i1
      %add3A_919 = arith.addi %rem3A_910, %select_n3A_909 : i32
      %select_n3A_920 = arith.select %and3A_918, %add3A_919, %rem3A_910 : i32
      %dma_wait3A_921 = arith.constant 0 : i32
      %dma_wait3A_922 = arith.constant 0 : i32
      %dma_wait3A_923 = tpu.memref_slice %arg3[%dma_wait3A_921, %dma_wait3A_922] : memref<1000000x64xf32, #tpu.memory_space<hbm>> -> memref<128x64xf32, #tpu.memory_space<hbm>>
      %dma_wait3A_924 = arith.constant 0 : i32
      %dma_wait3A_925 = arith.constant 0 : i32
      %dma_wait3A_926 = tpu.memref_slice %arg3[%dma_wait3A_924, %dma_wait3A_925] : memref<1000000x64xf32, #tpu.memory_space<hbm>> -> memref<128x64xf32, #tpu.memory_space<hbm>>
      tpu.wait_dma2 semaphore(%arg15 : memref<!tpu.dma_semaphore, #tpu.memory_space<semaphore_mem>>) src(%dma_wait3A_926 : memref<128x64xf32, #tpu.memory_space<hbm>>) dst(%arg9 : memref<128x64xf32, #tpu.memory_space<vmem>>)
      %ge3A_927 = arith.constant 2 : i32
      %ge3A_928 = arith.cmpi sge, %add3A_879, %ge3A_927 : i32
      %convert_element_type3A_929 = arith.extui %ge3A_928 : i1 to i32
      %cond3A_930 = arith.constant 0 : i32
      %cond3A_931 = arith.cmpi ne, %convert_element_type3A_929, %cond3A_930 : i32
      scf.if %cond3A_931 {
        %dma_wait3A_1062 = arith.constant 0 : i32
        %dma_wait3A_1063 = arith.constant 0 : i32
        %dma_wait3A_1064 = arith.constant 0 : i32
        %dma_wait3A_1065 = arith.constant 0 : i32
        %dma_wait3A_1066 = arith.constant 0 : i32
        %dma_wait3A_1067 = tpu.memref_slice %arg11[%dma_wait3A_1065, %dma_wait3A_1066] : memref<64x128xf32, #tpu.memory_space<vmem>> -> memref<8x128xf32, #tpu.memory_space<vmem>>
        %dma_wait3A_1068 = arith.constant 0 : i32
        %dma_wait3A_1069 = arith.constant 0 : i32
        %dma_wait3A_1070 = tpu.memref_slice %arg4[%dma_wait3A_1062, %dma_wait3A_1063, %dma_wait3A_1064, %dma_wait3A_1068, %dma_wait3A_1069] : memref<50x8x128x8x128xf32, #tpu.memory_space<hbm>> -> memref<1x1x1x8x128xf32, #tpu.memory_space<hbm>>
        %dma_wait3A_1071 = tpu.memref_squeeze %dma_wait3A_1070 : memref<1x1x1x8x128xf32, #tpu.memory_space<hbm>> -> memref<8x128xf32, #tpu.memory_space<hbm>>
        %dma_wait3A_1072 = arith.constant 0 : i32
        %dma_wait3A_1073 = arith.constant 0 : i32
        %dma_wait3A_1074 = tpu.memref_slice %arg4[%dma_wait3A_1062, %dma_wait3A_1063, %dma_wait3A_1064, %dma_wait3A_1072, %dma_wait3A_1073] : memref<50x8x128x8x128xf32, #tpu.memory_space<hbm>> -> memref<1x1x1x8x128xf32, #tpu.memory_space<hbm>>
        %dma_wait3A_1075 = tpu.memref_squeeze %dma_wait3A_1074 : memref<1x1x1x8x128xf32, #tpu.memory_space<hbm>> -> memref<8x128xf32, #tpu.memory_space<hbm>>
        %dma_wait3A_1076 = arith.constant 0 : i32
        %dma_wait3A_1077 = arith.constant 0 : i32
        %dma_wait3A_1078 = tpu.memref_slice %arg11[%dma_wait3A_1076, %dma_wait3A_1077] : memref<64x128xf32, #tpu.memory_space<vmem>> -> memref<8x128xf32, #tpu.memory_space<vmem>>
        tpu.wait_dma2 semaphore(%arg17 : memref<!tpu.dma_semaphore, #tpu.memory_space<semaphore_mem>>) src(%dma_wait3A_1078 : memref<8x128xf32, #tpu.memory_space<vmem>>) dst(%dma_wait3A_1075 : memref<8x128xf32, #tpu.memory_space<hbm>>)
        %dma_wait3A_1079 = arith.constant 0 : i32
        %dma_wait3A_1080 = arith.constant 1 : i32
        %dma_wait3A_1081 = arith.constant 0 : i32
        %dma_wait3A_1082 = arith.constant 8 : i32
        %dma_wait3A_1083 = arith.constant 0 : i32
        %dma_wait3A_1084 = tpu.memref_slice %arg11[%dma_wait3A_1082, %dma_wait3A_1083] : memref<64x128xf32, #tpu.memory_space<vmem>> -> memref<8x128xf32, #tpu.memory_space<vmem>>
        %dma_wait3A_1085 = arith.constant 0 : i32
        %dma_wait3A_1086 = arith.constant 0 : i32
        %dma_wait3A_1087 = tpu.memref_slice %arg4[%dma_wait3A_1079, %dma_wait3A_1080, %dma_wait3A_1081, %dma_wait3A_1085, %dma_wait3A_1086] : memref<50x8x128x8x128xf32, #tpu.memory_space<hbm>> -> memref<1x1x1x8x128xf32, #tpu.memory_space<hbm>>
        %dma_wait3A_1088 = tpu.memref_squeeze %dma_wait3A_1087 : memref<1x1x1x8x128xf32, #tpu.memory_space<hbm>> -> memref<8x128xf32, #tpu.memory_space<hbm>>
        %dma_wait3A_1089 = arith.constant 0 : i32
        %dma_wait3A_1090 = arith.constant 0 : i32
        %dma_wait3A_1091 = tpu.memref_slice %arg4[%dma_wait3A_1079, %dma_wait3A_1080, %dma_wait3A_1081, %dma_wait3A_1089, %dma_wait3A_1090] : memref<50x8x128x8x128xf32, #tpu.memory_space<hbm>> -> memref<1x1x1x8x128xf32, #tpu.memory_space<hbm>>
        %dma_wait3A_1092 = tpu.memref_squeeze %dma_wait3A_1091 : memref<1x1x1x8x128xf32, #tpu.memory_space<hbm>> -> memref<8x128xf32, #tpu.memory_space<hbm>>
        %dma_wait3A_1093 = arith.constant 8 : i32
        %dma_wait3A_1094 = arith.constant 0 : i32
        %dma_wait3A_1095 = tpu.memref_slice %arg11[%dma_wait3A_1093, %dma_wait3A_1094] : memref<64x128xf32, #tpu.memory_space<vmem>> -> memref<8x128xf32, #tpu.memory_space<vmem>>
        tpu.wait_dma2 semaphore(%arg17 : memref<!tpu.dma_semaphore, #tpu.memory_space<semaphore_mem>>) src(%dma_wait3A_1095 : memref<8x128xf32, #tpu.memory_space<vmem>>) dst(%dma_wait3A_1092 : memref<8x128xf32, #tpu.memory_space<hbm>>)
        %dma_wait3A_1096 = arith.constant 0 : i32
        %dma_wait3A_1097 = arith.constant 2 : i32
        %dma_wait3A_1098 = arith.constant 0 : i32
        %dma_wait3A_1099 = arith.constant 16 : i32
        %dma_wait3A_1100 = arith.constant 0 : i32
        %dma_wait3A_1101 = tpu.memref_slice %arg11[%dma_wait3A_1099, %dma_wait3A_1100] : memref<64x128xf32, #tpu.memory_space<vmem>> -> memref<8x128xf32, #tpu.memory_space<vmem>>
        %dma_wait3A_1102 = arith.constant 0 : i32
        %dma_wait3A_1103 = arith.constant 0 : i32
        %dma_wait3A_1104 = tpu.memref_slice %arg4[%dma_wait3A_1096, %dma_wait3A_1097, %dma_wait3A_1098, %dma_wait3A_1102, %dma_wait3A_1103] : memref<50x8x128x8x128xf32, #tpu.memory_space<hbm>> -> memref<1x1x1x8x128xf32, #tpu.memory_space<hbm>>
        %dma_wait3A_1105 = tpu.memref_squeeze %dma_wait3A_1104 : memref<1x1x1x8x128xf32, #tpu.memory_space<hbm>> -> memref<8x128xf32, #tpu.memory_space<hbm>>
        %dma_wait3A_1106 = arith.constant 0 : i32
        %dma_wait3A_1107 = arith.constant 0 : i32
        %dma_wait3A_1108 = tpu.memref_slice %arg4[%dma_wait3A_1096, %dma_wait3A_1097, %dma_wait3A_1098, %dma_wait3A_1106, %dma_wait3A_1107] : memref<50x8x128x8x128xf32, #tpu.memory_space<hbm>> -> memref<1x1x1x8x128xf32, #tpu.memory_space<hbm>>
        %dma_wait3A_1109 = tpu.memref_squeeze %dma_wait3A_1108 : memref<1x1x1x8x128xf32, #tpu.memory_space<hbm>> -> memref<8x128xf32, #tpu.memory_space<hbm>>
        %dma_wait3A_1110 = arith.constant 16 : i32
        %dma_wait3A_1111 = arith.constant 0 : i32
        %dma_wait3A_1112 = tpu.memref_slice %arg11[%dma_wait3A_1110, %dma_wait3A_1111] : memref<64x128xf32, #tpu.memory_space<vmem>> -> memref<8x128xf32, #tpu.memory_space<vmem>>
        tpu.wait_dma2 semaphore(%arg17 : memref<!tpu.dma_semaphore, #tpu.memory_space<semaphore_mem>>) src(%dma_wait3A_1112 : memref<8x128xf32, #tpu.memory_space<vmem>>) dst(%dma_wait3A_1109 : memref<8x128xf32, #tpu.memory_space<hbm>>)
        %dma_wait3A_1113 = arith.constant 0 : i32
        %dma_wait3A_1114 = arith.constant 3 : i32
        %dma_wait3A_1115 = arith.constant 0 : i32
        %dma_wait3A_1116 = arith.constant 24 : i32
        %dma_wait3A_1117 = arith.constant 0 : i32
        %dma_wait3A_1118 = tpu.memref_slice %arg11[%dma_wait3A_1116, %dma_wait3A_1117] : memref<64x128xf32, #tpu.memory_space<vmem>> -> memref<8x128xf32, #tpu.memory_space<vmem>>
        %dma_wait3A_1119 = arith.constant 0 : i32
        %dma_wait3A_1120 = arith.constant 0 : i32
        %dma_wait3A_1121 = tpu.memref_slice %arg4[%dma_wait3A_1113, %dma_wait3A_1114, %dma_wait3A_1115, %dma_wait3A_1119, %dma_wait3A_1120] : memref<50x8x128x8x128xf32, #tpu.memory_space<hbm>> -> memref<1x1x1x8x128xf32, #tpu.memory_space<hbm>>
        %dma_wait3A_1122 = tpu.memref_squeeze %dma_wait3A_1121 : memref<1x1x1x8x128xf32, #tpu.memory_space<hbm>> -> memref<8x128xf32, #tpu.memory_space<hbm>>
        %dma_wait3A_1123 = arith.constant 0 : i32
        %dma_wait3A_1124 = arith.constant 0 : i32
        %dma_wait3A_1125 = tpu.memref_slice %arg4[%dma_wait3A_1113, %dma_wait3A_1114, %dma_wait3A_1115, %dma_wait3A_1123, %dma_wait3A_1124] : memref<50x8x128x8x128xf32, #tpu.memory_space<hbm>> -> memref<1x1x1x8x128xf32, #tpu.memory_space<hbm>>
        %dma_wait3A_1126 = tpu.memref_squeeze %dma_wait3A_1125 : memref<1x1x1x8x128xf32, #tpu.memory_space<hbm>> -> memref<8x128xf32, #tpu.memory_space<hbm>>
        %dma_wait3A_1127 = arith.constant 24 : i32
        %dma_wait3A_1128 = arith.constant 0 : i32
        %dma_wait3A_1129 = tpu.memref_slice %arg11[%dma_wait3A_1127, %dma_wait3A_1128] : memref<64x128xf32, #tpu.memory_space<vmem>> -> memref<8x128xf32, #tpu.memory_space<vmem>>
        tpu.wait_dma2 semaphore(%arg17 : memref<!tpu.dma_semaphore, #tpu.memory_space<semaphore_mem>>) src(%dma_wait3A_1129 : memref<8x128xf32, #tpu.memory_space<vmem>>) dst(%dma_wait3A_1126 : memref<8x128xf32, #tpu.memory_space<hbm>>)
        %dma_wait3A_1130 = arith.constant 0 : i32
        %dma_wait3A_1131 = arith.constant 4 : i32
        %dma_wait3A_1132 = arith.constant 0 : i32
        %dma_wait3A_1133 = arith.constant 32 : i32
        %dma_wait3A_1134 = arith.constant 0 : i32
        %dma_wait3A_1135 = tpu.memref_slice %arg11[%dma_wait3A_1133, %dma_wait3A_1134] : memref<64x128xf32, #tpu.memory_space<vmem>> -> memref<8x128xf32, #tpu.memory_space<vmem>>
        %dma_wait3A_1136 = arith.constant 0 : i32
        %dma_wait3A_1137 = arith.constant 0 : i32
        %dma_wait3A_1138 = tpu.memref_slice %arg4[%dma_wait3A_1130, %dma_wait3A_1131, %dma_wait3A_1132, %dma_wait3A_1136, %dma_wait3A_1137] : memref<50x8x128x8x128xf32, #tpu.memory_space<hbm>> -> memref<1x1x1x8x128xf32, #tpu.memory_space<hbm>>
        %dma_wait3A_1139 = tpu.memref_squeeze %dma_wait3A_1138 : memref<1x1x1x8x128xf32, #tpu.memory_space<hbm>> -> memref<8x128xf32, #tpu.memory_space<hbm>>
        %dma_wait3A_1140 = arith.constant 0 : i32
        %dma_wait3A_1141 = arith.constant 0 : i32
        %dma_wait3A_1142 = tpu.memref_slice %arg4[%dma_wait3A_1130, %dma_wait3A_1131, %dma_wait3A_1132, %dma_wait3A_1140, %dma_wait3A_1141] : memref<50x8x128x8x128xf32, #tpu.memory_space<hbm>> -> memref<1x1x1x8x128xf32, #tpu.memory_space<hbm>>
        %dma_wait3A_1143 = tpu.memref_squeeze %dma_wait3A_1142 : memref<1x1x1x8x128xf32, #tpu.memory_space<hbm>> -> memref<8x128xf32, #tpu.memory_space<hbm>>
        %dma_wait3A_1144 = arith.constant 32 : i32
        %dma_wait3A_1145 = arith.constant 0 : i32
        %dma_wait3A_1146 = tpu.memref_slice %arg11[%dma_wait3A_1144, %dma_wait3A_1145] : memref<64x128xf32, #tpu.memory_space<vmem>> -> memref<8x128xf32, #tpu.memory_space<vmem>>
        tpu.wait_dma2 semaphore(%arg17 : memref<!tpu.dma_semaphore, #tpu.memory_space<semaphore_mem>>) src(%dma_wait3A_1146 : memref<8x128xf32, #tpu.memory_space<vmem>>) dst(%dma_wait3A_1143 : memref<8x128xf32, #tpu.memory_space<hbm>>)
        %dma_wait3A_1147 = arith.constant 0 : i32
        %dma_wait3A_1148 = arith.constant 5 : i32
        %dma_wait3A_1149 = arith.constant 0 : i32
        %dma_wait3A_1150 = arith.constant 40 : i32
        %dma_wait3A_1151 = arith.constant 0 : i32
        %dma_wait3A_1152 = tpu.memref_slice %arg11[%dma_wait3A_1150, %dma_wait3A_1151] : memref<64x128xf32, #tpu.memory_space<vmem>> -> memref<8x128xf32, #tpu.memory_space<vmem>>
        %dma_wait3A_1153 = arith.constant 0 : i32
        %dma_wait3A_1154 = arith.constant 0 : i32
        %dma_wait3A_1155 = tpu.memref_slice %arg4[%dma_wait3A_1147, %dma_wait3A_1148, %dma_wait3A_1149, %dma_wait3A_1153, %dma_wait3A_1154] : memref<50x8x128x8x128xf32, #tpu.memory_space<hbm>> -> memref<1x1x1x8x128xf32, #tpu.memory_space<hbm>>
        %dma_wait3A_1156 = tpu.memref_squeeze %dma_wait3A_1155 : memref<1x1x1x8x128xf32, #tpu.memory_space<hbm>> -> memref<8x128xf32, #tpu.memory_space<hbm>>
        %dma_wait3A_1157 = arith.constant 0 : i32
        %dma_wait3A_1158 = arith.constant 0 : i32
        %dma_wait3A_1159 = tpu.memref_slice %arg4[%dma_wait3A_1147, %dma_wait3A_1148, %dma_wait3A_1149, %dma_wait3A_1157, %dma_wait3A_1158] : memref<50x8x128x8x128xf32, #tpu.memory_space<hbm>> -> memref<1x1x1x8x128xf32, #tpu.memory_space<hbm>>
        %dma_wait3A_1160 = tpu.memref_squeeze %dma_wait3A_1159 : memref<1x1x1x8x128xf32, #tpu.memory_space<hbm>> -> memref<8x128xf32, #tpu.memory_space<hbm>>
        %dma_wait3A_1161 = arith.constant 40 : i32
        %dma_wait3A_1162 = arith.constant 0 : i32
        %dma_wait3A_1163 = tpu.memref_slice %arg11[%dma_wait3A_1161, %dma_wait3A_1162] : memref<64x128xf32, #tpu.memory_space<vmem>> -> memref<8x128xf32, #tpu.memory_space<vmem>>
        tpu.wait_dma2 semaphore(%arg17 : memref<!tpu.dma_semaphore, #tpu.memory_space<semaphore_mem>>) src(%dma_wait3A_1163 : memref<8x128xf32, #tpu.memory_space<vmem>>) dst(%dma_wait3A_1160 : memref<8x128xf32, #tpu.memory_space<hbm>>)
        %dma_wait3A_1164 = arith.constant 0 : i32
        %dma_wait3A_1165 = arith.constant 6 : i32
        %dma_wait3A_1166 = arith.constant 0 : i32
        %dma_wait3A_1167 = arith.constant 48 : i32
        %dma_wait3A_1168 = arith.constant 0 : i32
        %dma_wait3A_1169 = tpu.memref_slice %arg11[%dma_wait3A_1167, %dma_wait3A_1168] : memref<64x128xf32, #tpu.memory_space<vmem>> -> memref<8x128xf32, #tpu.memory_space<vmem>>
        %dma_wait3A_1170 = arith.constant 0 : i32
        %dma_wait3A_1171 = arith.constant 0 : i32
        %dma_wait3A_1172 = tpu.memref_slice %arg4[%dma_wait3A_1164, %dma_wait3A_1165, %dma_wait3A_1166, %dma_wait3A_1170, %dma_wait3A_1171] : memref<50x8x128x8x128xf32, #tpu.memory_space<hbm>> -> memref<1x1x1x8x128xf32, #tpu.memory_space<hbm>>
        %dma_wait3A_1173 = tpu.memref_squeeze %dma_wait3A_1172 : memref<1x1x1x8x128xf32, #tpu.memory_space<hbm>> -> memref<8x128xf32, #tpu.memory_space<hbm>>
        %dma_wait3A_1174 = arith.constant 0 : i32
        %dma_wait3A_1175 = arith.constant 0 : i32
        %dma_wait3A_1176 = tpu.memref_slice %arg4[%dma_wait3A_1164, %dma_wait3A_1165, %dma_wait3A_1166, %dma_wait3A_1174, %dma_wait3A_1175] : memref<50x8x128x8x128xf32, #tpu.memory_space<hbm>> -> memref<1x1x1x8x128xf32, #tpu.memory_space<hbm>>
        %dma_wait3A_1177 = tpu.memref_squeeze %dma_wait3A_1176 : memref<1x1x1x8x128xf32, #tpu.memory_space<hbm>> -> memref<8x128xf32, #tpu.memory_space<hbm>>
        %dma_wait3A_1178 = arith.constant 48 : i32
        %dma_wait3A_1179 = arith.constant 0 : i32
        %dma_wait3A_1180 = tpu.memref_slice %arg11[%dma_wait3A_1178, %dma_wait3A_1179] : memref<64x128xf32, #tpu.memory_space<vmem>> -> memref<8x128xf32, #tpu.memory_space<vmem>>
        tpu.wait_dma2 semaphore(%arg17 : memref<!tpu.dma_semaphore, #tpu.memory_space<semaphore_mem>>) src(%dma_wait3A_1180 : memref<8x128xf32, #tpu.memory_space<vmem>>) dst(%dma_wait3A_1177 : memref<8x128xf32, #tpu.memory_space<hbm>>)
        %dma_wait3A_1181 = arith.constant 0 : i32
        %dma_wait3A_1182 = arith.constant 7 : i32
        %dma_wait3A_1183 = arith.constant 0 : i32
        %dma_wait3A_1184 = arith.constant 56 : i32
        %dma_wait3A_1185 = arith.constant 0 : i32
        %dma_wait3A_1186 = tpu.memref_slice %arg11[%dma_wait3A_1184, %dma_wait3A_1185] : memref<64x128xf32, #tpu.memory_space<vmem>> -> memref<8x128xf32, #tpu.memory_space<vmem>>
        %dma_wait3A_1187 = arith.constant 0 : i32
        %dma_wait3A_1188 = arith.constant 0 : i32
        %dma_wait3A_1189 = tpu.memref_slice %arg4[%dma_wait3A_1181, %dma_wait3A_1182, %dma_wait3A_1183, %dma_wait3A_1187, %dma_wait3A_1188] : memref<50x8x128x8x128xf32, #tpu.memory_space<hbm>> -> memref<1x1x1x8x128xf32, #tpu.memory_space<hbm>>
        %dma_wait3A_1190 = tpu.memref_squeeze %dma_wait3A_1189 : memref<1x1x1x8x128xf32, #tpu.memory_space<hbm>> -> memref<8x128xf32, #tpu.memory_space<hbm>>
        %dma_wait3A_1191 = arith.constant 0 : i32
        %dma_wait3A_1192 = arith.constant 0 : i32
        %dma_wait3A_1193 = tpu.memref_slice %arg4[%dma_wait3A_1181, %dma_wait3A_1182, %dma_wait3A_1183, %dma_wait3A_1191, %dma_wait3A_1192] : memref<50x8x128x8x128xf32, #tpu.memory_space<hbm>> -> memref<1x1x1x8x128xf32, #tpu.memory_space<hbm>>
        %dma_wait3A_1194 = tpu.memref_squeeze %dma_wait3A_1193 : memref<1x1x1x8x128xf32, #tpu.memory_space<hbm>> -> memref<8x128xf32, #tpu.memory_space<hbm>>
        %dma_wait3A_1195 = arith.constant 56 : i32
        %dma_wait3A_1196 = arith.constant 0 : i32
        %dma_wait3A_1197 = tpu.memref_slice %arg11[%dma_wait3A_1195, %dma_wait3A_1196] : memref<64x128xf32, #tpu.memory_space<vmem>> -> memref<8x128xf32, #tpu.memory_space<vmem>>
        tpu.wait_dma2 semaphore(%arg17 : memref<!tpu.dma_semaphore, #tpu.memory_space<semaphore_mem>>) src(%dma_wait3A_1197 : memref<8x128xf32, #tpu.memory_space<vmem>>) dst(%dma_wait3A_1194 : memref<8x128xf32, #tpu.memory_space<hbm>>)
      } else {
      }
      %parallel_loop3A_932 = arith.constant 0 : i32
      %parallel_loop3A_933 = arith.constant 64 : i32
      %parallel_loop3A_934 = arith.constant 1 : i32
      scf.for %parallel_loop3A_1062 = %parallel_loop3A_932 to %parallel_loop3A_933 step %parallel_loop3A_934  : i32 {
        %parallel_loop3A_1063 = vector.broadcast %parallel_loop3A_1062 : i32 to vector<16xi32>
        %parallel_loop3A_1064 = arith.addi %broadcast_in_dim3A_54, %parallel_loop3A_1063 : vector<16xi32>
        %parallel_loop3A_1065 = arith.index_cast %parallel_loop3A_1062 : i32 to index
        %parallel_loop3A_1066 = arith.constant 0 : index
        %parallel_loop3A_1067 = tpu.vector_load %arg9[%parallel_loop3A_1065, %parallel_loop3A_1066] {strides = array<i32>} : memref<128x64xf32, #tpu.memory_space<vmem>>, vector<16xf32>,
        %parallel_loop3A_1068 = arith.index_cast %parallel_loop3A_1062 : i32 to index
        %parallel_loop3A_1069 = arith.constant 0 : index
        %parallel_loop3A_1070 = tpu.vector_load %arg11[%parallel_loop3A_1068, %parallel_loop3A_1069] {strides = array<i32>} : memref<64x128xf32, #tpu.memory_space<vmem>>, vector<16xf32>,
        tpu.vector_store %arg11[%parallel_loop3A_1068, %parallel_loop3A_1069], %parallel_loop3A_1067 {strides = array<i32>} : memref<64x128xf32, #tpu.memory_space<vmem>>, vector<16xf32>,
        %parallel_loop3A_1071 = arith.index_cast %parallel_loop3A_1062 : i32 to index
        %parallel_loop3A_1072 = arith.constant 16 : index
        %parallel_loop3A_1073 = tpu.vector_load %arg9[%parallel_loop3A_1071, %parallel_loop3A_1072] {strides = array<i32>} : memref<128x64xf32, #tpu.memory_space<vmem>>, vector<16xf32>,
        %parallel_loop3A_1074 = arith.index_cast %parallel_loop3A_1062 : i32 to index
        %parallel_loop3A_1075 = arith.constant 16 : index
        %parallel_loop3A_1076 = tpu.vector_load %arg11[%parallel_loop3A_1074, %parallel_loop3A_1075] {strides = array<i32>} : memref<64x128xf32, #tpu.memory_space<vmem>>, vector<16xf32>,
        tpu.vector_store %arg11[%parallel_loop3A_1074, %parallel_loop3A_1075], %parallel_loop3A_1073 {strides = array<i32>} : memref<64x128xf32, #tpu.memory_space<vmem>>, vector<16xf32>,
        %parallel_loop3A_1077 = arith.index_cast %parallel_loop3A_1062 : i32 to index
        %parallel_loop3A_1078 = arith.constant 32 : index
        %parallel_loop3A_1079 = tpu.vector_load %arg9[%parallel_loop3A_1077, %parallel_loop3A_1078] {strides = array<i32>} : memref<128x64xf32, #tpu.memory_space<vmem>>, vector<16xf32>,
        %parallel_loop3A_1080 = arith.index_cast %parallel_loop3A_1062 : i32 to index
        %parallel_loop3A_1081 = arith.constant 32 : index
        %parallel_loop3A_1082 = tpu.vector_load %arg11[%parallel_loop3A_1080, %parallel_loop3A_1081] {strides = array<i32>} : memref<64x128xf32, #tpu.memory_space<vmem>>, vector<16xf32>,
        tpu.vector_store %arg11[%parallel_loop3A_1080, %parallel_loop3A_1081], %parallel_loop3A_1079 {strides = array<i32>} : memref<64x128xf32, #tpu.memory_space<vmem>>, vector<16xf32>,
        %parallel_loop3A_1083 = arith.index_cast %parallel_loop3A_1062 : i32 to index
        %parallel_loop3A_1084 = arith.constant 48 : index
        %parallel_loop3A_1085 = tpu.vector_load %arg9[%parallel_loop3A_1083, %parallel_loop3A_1084] {strides = array<i32>} : memref<128x64xf32, #tpu.memory_space<vmem>>, vector<16xf32>,
        %parallel_loop3A_1086 = arith.index_cast %parallel_loop3A_1062 : i32 to index
        %parallel_loop3A_1087 = arith.constant 48 : index
        %parallel_loop3A_1088 = tpu.vector_load %arg11[%parallel_loop3A_1086, %parallel_loop3A_1087] {strides = array<i32>} : memref<64x128xf32, #tpu.memory_space<vmem>>, vector<16xf32>,
        tpu.vector_store %arg11[%parallel_loop3A_1086, %parallel_loop3A_1087], %parallel_loop3A_1085 {strides = array<i32>} : memref<64x128xf32, #tpu.memory_space<vmem>>, vector<16xf32>,
        %parallel_loop3A_1089 = arith.index_cast %parallel_loop3A_1062 : i32 to index
        %parallel_loop3A_1090 = arith.constant 0 : index
        %parallel_loop3A_1091 = tpu.vector_load %arg9[%parallel_loop3A_1089, %parallel_loop3A_1090] {strides = array<i32>} : memref<128x64xf32, #tpu.memory_space<vmem>>, vector<16xf32>,
        %parallel_loop3A_1092 = arith.index_cast %parallel_loop3A_1062 : i32 to index
        %parallel_loop3A_1093 = arith.constant 64 : index
        %parallel_loop3A_1094 = tpu.vector_load %arg11[%parallel_loop3A_1092, %parallel_loop3A_1093] {strides = array<i32>} : memref<64x128xf32, #tpu.memory_space<vmem>>, vector<16xf32>,
        tpu.vector_store %arg11[%parallel_loop3A_1092, %parallel_loop3A_1093], %parallel_loop3A_1091 {strides = array<i32>} : memref<64x128xf32, #tpu.memory_space<vmem>>, vector<16xf32>,
        %parallel_loop3A_1095 = arith.index_cast %parallel_loop3A_1062 : i32 to index
        %parallel_loop3A_1096 = arith.constant 16 : index
        %parallel_loop3A_1097 = tpu.vector_load %arg9[%parallel_loop3A_1095, %parallel_loop3A_1096] {strides = array<i32>} : memref<128x64xf32, #tpu.memory_space<vmem>>, vector<16xf32>,
        %parallel_loop3A_1098 = arith.index_cast %parallel_loop3A_1062 : i32 to index
        %parallel_loop3A_1099 = arith.constant 80 : index
        %parallel_loop3A_1100 = tpu.vector_load %arg11[%parallel_loop3A_1098, %parallel_loop3A_1099] {strides = array<i32>} : memref<64x128xf32, #tpu.memory_space<vmem>>, vector<16xf32>,
        tpu.vector_store %arg11[%parallel_loop3A_1098, %parallel_loop3A_1099], %parallel_loop3A_1097 {strides = array<i32>} : memref<64x128xf32, #tpu.memory_space<vmem>>, vector<16xf32>,
        %parallel_loop3A_1101 = arith.index_cast %parallel_loop3A_1062 : i32 to index
        %parallel_loop3A_1102 = arith.constant 32 : index
        %parallel_loop3A_1103 = tpu.vector_load %arg9[%parallel_loop3A_1101, %parallel_loop3A_1102] {strides = array<i32>} : memref<128x64xf32, #tpu.memory_space<vmem>>, vector<16xf32>,
        %parallel_loop3A_1104 = arith.index_cast %parallel_loop3A_1062 : i32 to index
        %parallel_loop3A_1105 = arith.constant 96 : index
        %parallel_loop3A_1106 = tpu.vector_load %arg11[%parallel_loop3A_1104, %parallel_loop3A_1105] {strides = array<i32>} : memref<64x128xf32, #tpu.memory_space<vmem>>, vector<16xf32>,
        tpu.vector_store %arg11[%parallel_loop3A_1104, %parallel_loop3A_1105], %parallel_loop3A_1103 {strides = array<i32>} : memref<64x128xf32, #tpu.memory_space<vmem>>, vector<16xf32>,
        %parallel_loop3A_1107 = arith.index_cast %parallel_loop3A_1062 : i32 to index
        %parallel_loop3A_1108 = arith.constant 48 : index
        %parallel_loop3A_1109 = tpu.vector_load %arg9[%parallel_loop3A_1107, %parallel_loop3A_1108] {strides = array<i32>} : memref<128x64xf32, #tpu.memory_space<vmem>>, vector<16xf32>,
        %parallel_loop3A_1110 = arith.index_cast %parallel_loop3A_1062 : i32 to index
        %parallel_loop3A_1111 = arith.constant 112 : index
        %parallel_loop3A_1112 = tpu.vector_load %arg11[%parallel_loop3A_1110, %parallel_loop3A_1111] {strides = array<i32>} : memref<64x128xf32, #tpu.memory_space<vmem>>, vector<16xf32>,
        tpu.vector_store %arg11[%parallel_loop3A_1110, %parallel_loop3A_1111], %parallel_loop3A_1109 {strides = array<i32>} : memref<64x128xf32, #tpu.memory_space<vmem>>, vector<16xf32>,
      } {sc.loop_unroll_factor = 8 : i64, sc.parallel_access}
      %add3A_935 = arith.constant 4 : i32
      %add3A_936 = arith.addi %add3A_879, %add3A_935 : i32
      %lt3A_937 = arith.constant 200 : i32
      %lt3A_938 = arith.cmpi slt, %add3A_936, %lt3A_937 : i32
      %convert_element_type3A_939 = arith.extui %lt3A_938 : i1 to i32
      %cond3A_940 = arith.constant 0 : i32
      %cond3A_941 = arith.cmpi ne, %convert_element_type3A_939, %cond3A_940 : i32
      scf.if %cond3A_941 {
        %dma_start3A_1062 = arith.constant 0 : i32
        %dma_start3A_1063 = tpu.memref_slice %arg5[%add3A_936, %dma_start3A_1062] : memref<200x128xi32, #tpu.memory_space<vmem>> -> memref<1x128xi32, #tpu.memory_space<vmem>>
        %dma_start3A_1064 = tpu.memref_squeeze %dma_start3A_1063 : memref<1x128xi32, #tpu.memory_space<vmem>> -> memref<128xi32, #tpu.memory_space<vmem>>
        %dma_start3A_1065 = arith.constant 0 : i32
        %dma_start3A_1066 = arith.constant 0 : i32
        %dma_start3A_1067 = tpu.memref_slice %arg3[%dma_start3A_1065, %dma_start3A_1066] : memref<1000000x64xf32, #tpu.memory_space<hbm>> -> memref<1000000x64xf32, #tpu.memory_space<hbm>>
        tpu.enqueue_indirect_dma source(%dma_start3A_1067 : memref<1000000x64xf32, #tpu.memory_space<hbm>>) target(%arg9 : memref<128x64xf32, #tpu.memory_space<vmem>>) offsets(%dma_start3A_1064 : memref<128xi32, #tpu.memory_space<vmem>>) semaphore(%arg15 : memref<!tpu.dma_semaphore, #tpu.memory_space<semaphore_mem>>)
      } else {
      }
      %dma_start3A_942 = arith.constant 0 : i32
      %dma_start3A_943 = arith.constant 0 : i32
      %dma_start3A_944 = arith.constant 0 : i32
      %dma_start3A_945 = tpu.memref_slice %arg11[%dma_start3A_943, %dma_start3A_944] : memref<64x128xf32, #tpu.memory_space<vmem>> -> memref<8x128xf32, #tpu.memory_space<vmem>>
      %dma_start3A_946 = arith.constant 0 : i32
      %dma_start3A_947 = arith.constant 0 : i32
      %dma_start3A_948 = tpu.memref_slice %arg4[%select_n3A_904, %dma_start3A_942, %select_n3A_920, %dma_start3A_946, %dma_start3A_947] : memref<50x8x128x8x128xf32, #tpu.memory_space<hbm>> -> memref<1x1x1x8x128xf32, #tpu.memory_space<hbm>>
      %dma_start3A_949 = tpu.memref_squeeze %dma_start3A_948 : memref<1x1x1x8x128xf32, #tpu.memory_space<hbm>> -> memref<8x128xf32, #tpu.memory_space<hbm>>
      %dma_start3A_950 = arith.constant 0 : i32
      %dma_start3A_951 = arith.constant 0 : i32
      %dma_start3A_952 = tpu.memref_slice %arg4[%select_n3A_904, %dma_start3A_942, %select_n3A_920, %dma_start3A_950, %dma_start3A_951] : memref<50x8x128x8x128xf32, #tpu.memory_space<hbm>> -> memref<1x1x1x8x128xf32, #tpu.memory_space<hbm>>
      %dma_start3A_953 = tpu.memref_squeeze %dma_start3A_952 : memref<1x1x1x8x128xf32, #tpu.memory_space<hbm>> -> memref<8x128xf32, #tpu.memory_space<hbm>>
      %dma_start3A_954 = arith.constant 0 : i32
      %dma_start3A_955 = arith.constant 0 : i32
      %dma_start3A_956 = tpu.memref_slice %arg11[%dma_start3A_954, %dma_start3A_955] : memref<64x128xf32, #tpu.memory_space<vmem>> -> memref<8x128xf32, #tpu.memory_space<vmem>>
      tpu.enqueue_dma source(%dma_start3A_956 : memref<8x128xf32, #tpu.memory_space<vmem>>) target(%dma_start3A_953 : memref<8x128xf32, #tpu.memory_space<hbm>>) target_semaphore(%arg17 : memref<!tpu.dma_semaphore, #tpu.memory_space<semaphore_mem>>)
      %dma_start3A_957 = arith.constant 1 : i32
      %dma_start3A_958 = arith.constant 8 : i32
      %dma_start3A_959 = arith.constant 0 : i32
      %dma_start3A_960 = tpu.memref_slice %arg11[%dma_start3A_958, %dma_start3A_959] : memref<64x128xf32, #tpu.memory_space<vmem>> -> memref<8x128xf32, #tpu.memory_space<vmem>>
      %dma_start3A_961 = arith.constant 0 : i32
      %dma_start3A_962 = arith.constant 0 : i32
      %dma_start3A_963 = tpu.memref_slice %arg4[%select_n3A_904, %dma_start3A_957, %select_n3A_920, %dma_start3A_961, %dma_start3A_962] : memref<50x8x128x8x128xf32, #tpu.memory_space<hbm>> -> memref<1x1x1x8x128xf32, #tpu.memory_space<hbm>>
      %dma_start3A_964 = tpu.memref_squeeze %dma_start3A_963 : memref<1x1x1x8x128xf32, #tpu.memory_space<hbm>> -> memref<8x128xf32, #tpu.memory_space<hbm>>
      %dma_start3A_965 = arith.constant 0 : i32
      %dma_start3A_966 = arith.constant 0 : i32
      %dma_start3A_967 = tpu.memref_slice %arg4[%select_n3A_904, %dma_start3A_957, %select_n3A_920, %dma_start3A_965, %dma_start3A_966] : memref<50x8x128x8x128xf32, #tpu.memory_space<hbm>> -> memref<1x1x1x8x128xf32, #tpu.memory_space<hbm>>
      %dma_start3A_968 = tpu.memref_squeeze %dma_start3A_967 : memref<1x1x1x8x128xf32, #tpu.memory_space<hbm>> -> memref<8x128xf32, #tpu.memory_space<hbm>>
      %dma_start3A_969 = arith.constant 8 : i32
      %dma_start3A_970 = arith.constant 0 : i32
      %dma_start3A_971 = tpu.memref_slice %arg11[%dma_start3A_969, %dma_start3A_970] : memref<64x128xf32, #tpu.memory_space<vmem>> -> memref<8x128xf32, #tpu.memory_space<vmem>>
      tpu.enqueue_dma source(%dma_start3A_971 : memref<8x128xf32, #tpu.memory_space<vmem>>) target(%dma_start3A_968 : memref<8x128xf32, #tpu.memory_space<hbm>>) target_semaphore(%arg17 : memref<!tpu.dma_semaphore, #tpu.memory_space<semaphore_mem>>)
      %dma_start3A_972 = arith.constant 2 : i32
      %dma_start3A_973 = arith.constant 16 : i32
      %dma_start3A_974 = arith.constant 0 : i32
      %dma_start3A_975 = tpu.memref_slice %arg11[%dma_start3A_973, %dma_start3A_974] : memref<64x128xf32, #tpu.memory_space<vmem>> -> memref<8x128xf32, #tpu.memory_space<vmem>>
      %dma_start3A_976 = arith.constant 0 : i32
      %dma_start3A_977 = arith.constant 0 : i32
      %dma_start3A_978 = tpu.memref_slice %arg4[%select_n3A_904, %dma_start3A_972, %select_n3A_920, %dma_start3A_976, %dma_start3A_977] : memref<50x8x128x8x128xf32, #tpu.memory_space<hbm>> -> memref<1x1x1x8x128xf32, #tpu.memory_space<hbm>>
      %dma_start3A_979 = tpu.memref_squeeze %dma_start3A_978 : memref<1x1x1x8x128xf32, #tpu.memory_space<hbm>> -> memref<8x128xf32, #tpu.memory_space<hbm>>
      %dma_start3A_980 = arith.constant 0 : i32
      %dma_start3A_981 = arith.constant 0 : i32
      %dma_start3A_982 = tpu.memref_slice %arg4[%select_n3A_904, %dma_start3A_972, %select_n3A_920, %dma_start3A_980, %dma_start3A_981] : memref<50x8x128x8x128xf32, #tpu.memory_space<hbm>> -> memref<1x1x1x8x128xf32, #tpu.memory_space<hbm>>
      %dma_start3A_983 = tpu.memref_squeeze %dma_start3A_982 : memref<1x1x1x8x128xf32, #tpu.memory_space<hbm>> -> memref<8x128xf32, #tpu.memory_space<hbm>>
      %dma_start3A_984 = arith.constant 16 : i32
      %dma_start3A_985 = arith.constant 0 : i32
      %dma_start3A_986 = tpu.memref_slice %arg11[%dma_start3A_984, %dma_start3A_985] : memref<64x128xf32, #tpu.memory_space<vmem>> -> memref<8x128xf32, #tpu.memory_space<vmem>>
      tpu.enqueue_dma source(%dma_start3A_986 : memref<8x128xf32, #tpu.memory_space<vmem>>) target(%dma_start3A_983 : memref<8x128xf32, #tpu.memory_space<hbm>>) target_semaphore(%arg17 : memref<!tpu.dma_semaphore, #tpu.memory_space<semaphore_mem>>)
      %dma_start3A_987 = arith.constant 3 : i32
      %dma_start3A_988 = arith.constant 24 : i32
      %dma_start3A_989 = arith.constant 0 : i32
      %dma_start3A_990 = tpu.memref_slice %arg11[%dma_start3A_988, %dma_start3A_989] : memref<64x128xf32, #tpu.memory_space<vmem>> -> memref<8x128xf32, #tpu.memory_space<vmem>>
      %dma_start3A_991 = arith.constant 0 : i32
      %dma_start3A_992 = arith.constant 0 : i32
      %dma_start3A_993 = tpu.memref_slice %arg4[%select_n3A_904, %dma_start3A_987, %select_n3A_920, %dma_start3A_991, %dma_start3A_992] : memref<50x8x128x8x128xf32, #tpu.memory_space<hbm>> -> memref<1x1x1x8x128xf32, #tpu.memory_space<hbm>>
      %dma_start3A_994 = tpu.memref_squeeze %dma_start3A_993 : memref<1x1x1x8x128xf32, #tpu.memory_space<hbm>> -> memref<8x128xf32, #tpu.memory_space<hbm>>
      %dma_start3A_995 = arith.constant 0 : i32
      %dma_start3A_996 = arith.constant 0 : i32
      %dma_start3A_997 = tpu.memref_slice %arg4[%select_n3A_904, %dma_start3A_987, %select_n3A_920, %dma_start3A_995, %dma_start3A_996] : memref<50x8x128x8x128xf32, #tpu.memory_space<hbm>> -> memref<1x1x1x8x128xf32, #tpu.memory_space<hbm>>
      %dma_start3A_998 = tpu.memref_squeeze %dma_start3A_997 : memref<1x1x1x8x128xf32, #tpu.memory_space<hbm>> -> memref<8x128xf32, #tpu.memory_space<hbm>>
      %dma_start3A_999 = arith.constant 24 : i32
      %dma_start3A_1000 = arith.constant 0 : i32
      %dma_start3A_1001 = tpu.memref_slice %arg11[%dma_start3A_999, %dma_start3A_1000] : memref<64x128xf32, #tpu.memory_space<vmem>> -> memref<8x128xf32, #tpu.memory_space<vmem>>
      tpu.enqueue_dma source(%dma_start3A_1001 : memref<8x128xf32, #tpu.memory_space<vmem>>) target(%dma_start3A_998 : memref<8x128xf32, #tpu.memory_space<hbm>>) target_semaphore(%arg17 : memref<!tpu.dma_semaphore, #tpu.memory_space<semaphore_mem>>)
      %dma_start3A_1002 = arith.constant 4 : i32
      %dma_start3A_1003 = arith.constant 32 : i32
      %dma_start3A_1004 = arith.constant 0 : i32
      %dma_start3A_1005 = tpu.memref_slice %arg11[%dma_start3A_1003, %dma_start3A_1004] : memref<64x128xf32, #tpu.memory_space<vmem>> -> memref<8x128xf32, #tpu.memory_space<vmem>>
      %dma_start3A_1006 = arith.constant 0 : i32
      %dma_start3A_1007 = arith.constant 0 : i32
      %dma_start3A_1008 = tpu.memref_slice %arg4[%select_n3A_904, %dma_start3A_1002, %select_n3A_920, %dma_start3A_1006, %dma_start3A_1007] : memref<50x8x128x8x128xf32, #tpu.memory_space<hbm>> -> memref<1x1x1x8x128xf32, #tpu.memory_space<hbm>>
      %dma_start3A_1009 = tpu.memref_squeeze %dma_start3A_1008 : memref<1x1x1x8x128xf32, #tpu.memory_space<hbm>> -> memref<8x128xf32, #tpu.memory_space<hbm>>
      %dma_start3A_1010 = arith.constant 0 : i32
      %dma_start3A_1011 = arith.constant 0 : i32
      %dma_start3A_1012 = tpu.memref_slice %arg4[%select_n3A_904, %dma_start3A_1002, %select_n3A_920, %dma_start3A_1010, %dma_start3A_1011] : memref<50x8x128x8x128xf32, #tpu.memory_space<hbm>> -> memref<1x1x1x8x128xf32, #tpu.memory_space<hbm>>
      %dma_start3A_1013 = tpu.memref_squeeze %dma_start3A_1012 : memref<1x1x1x8x128xf32, #tpu.memory_space<hbm>> -> memref<8x128xf32, #tpu.memory_space<hbm>>
      %dma_start3A_1014 = arith.constant 32 : i32
      %dma_start3A_1015 = arith.constant 0 : i32
      %dma_start3A_1016 = tpu.memref_slice %arg11[%dma_start3A_1014, %dma_start3A_1015] : memref<64x128xf32, #tpu.memory_space<vmem>> -> memref<8x128xf32, #tpu.memory_space<vmem>>
      tpu.enqueue_dma source(%dma_start3A_1016 : memref<8x128xf32, #tpu.memory_space<vmem>>) target(%dma_start3A_1013 : memref<8x128xf32, #tpu.memory_space<hbm>>) target_semaphore(%arg17 : memref<!tpu.dma_semaphore, #tpu.memory_space<semaphore_mem>>)
      %dma_start3A_1017 = arith.constant 5 : i32
      %dma_start3A_1018 = arith.constant 40 : i32
      %dma_start3A_1019 = arith.constant 0 : i32
      %dma_start3A_1020 = tpu.memref_slice %arg11[%dma_start3A_1018, %dma_start3A_1019] : memref<64x128xf32, #tpu.memory_space<vmem>> -> memref<8x128xf32, #tpu.memory_space<vmem>>
      %dma_start3A_1021 = arith.constant 0 : i32
      %dma_start3A_1022 = arith.constant 0 : i32
      %dma_start3A_1023 = tpu.memref_slice %arg4[%select_n3A_904, %dma_start3A_1017, %select_n3A_920, %dma_start3A_1021, %dma_start3A_1022] : memref<50x8x128x8x128xf32, #tpu.memory_space<hbm>> -> memref<1x1x1x8x128xf32, #tpu.memory_space<hbm>>
      %dma_start3A_1024 = tpu.memref_squeeze %dma_start3A_1023 : memref<1x1x1x8x128xf32, #tpu.memory_space<hbm>> -> memref<8x128xf32, #tpu.memory_space<hbm>>
      %dma_start3A_1025 = arith.constant 0 : i32
      %dma_start3A_1026 = arith.constant 0 : i32
      %dma_start3A_1027 = tpu.memref_slice %arg4[%select_n3A_904, %dma_start3A_1017, %select_n3A_920, %dma_start3A_1025, %dma_start3A_1026] : memref<50x8x128x8x128xf32, #tpu.memory_space<hbm>> -> memref<1x1x1x8x128xf32, #tpu.memory_space<hbm>>
      %dma_start3A_1028 = tpu.memref_squeeze %dma_start3A_1027 : memref<1x1x1x8x128xf32, #tpu.memory_space<hbm>> -> memref<8x128xf32, #tpu.memory_space<hbm>>
      %dma_start3A_1029 = arith.constant 40 : i32
      %dma_start3A_1030 = arith.constant 0 : i32
      %dma_start3A_1031 = tpu.memref_slice %arg11[%dma_start3A_1029, %dma_start3A_1030] : memref<64x128xf32, #tpu.memory_space<vmem>> -> memref<8x128xf32, #tpu.memory_space<vmem>>
      tpu.enqueue_dma source(%dma_start3A_1031 : memref<8x128xf32, #tpu.memory_space<vmem>>) target(%dma_start3A_1028 : memref<8x128xf32, #tpu.memory_space<hbm>>) target_semaphore(%arg17 : memref<!tpu.dma_semaphore, #tpu.memory_space<semaphore_mem>>)
      %dma_start3A_1032 = arith.constant 6 : i32
      %dma_start3A_1033 = arith.constant 48 : i32
      %dma_start3A_1034 = arith.constant 0 : i32
      %dma_start3A_1035 = tpu.memref_slice %arg11[%dma_start3A_1033, %dma_start3A_1034] : memref<64x128xf32, #tpu.memory_space<vmem>> -> memref<8x128xf32, #tpu.memory_space<vmem>>
      %dma_start3A_1036 = arith.constant 0 : i32
      %dma_start3A_1037 = arith.constant 0 : i32
      %dma_start3A_1038 = tpu.memref_slice %arg4[%select_n3A_904, %dma_start3A_1032, %select_n3A_920, %dma_start3A_1036, %dma_start3A_1037] : memref<50x8x128x8x128xf32, #tpu.memory_space<hbm>> -> memref<1x1x1x8x128xf32, #tpu.memory_space<hbm>>
      %dma_start3A_1039 = tpu.memref_squeeze %dma_start3A_1038 : memref<1x1x1x8x128xf32, #tpu.memory_space<hbm>> -> memref<8x128xf32, #tpu.memory_space<hbm>>
      %dma_start3A_1040 = arith.constant 0 : i32
      %dma_start3A_1041 = arith.constant 0 : i32
      %dma_start3A_1042 = tpu.memref_slice %arg4[%select_n3A_904, %dma_start3A_1032, %select_n3A_920, %dma_start3A_1040, %dma_start3A_1041] : memref<50x8x128x8x128xf32, #tpu.memory_space<hbm>> -> memref<1x1x1x8x128xf32, #tpu.memory_space<hbm>>
      %dma_start3A_1043 = tpu.memref_squeeze %dma_start3A_1042 : memref<1x1x1x8x128xf32, #tpu.memory_space<hbm>> -> memref<8x128xf32, #tpu.memory_space<hbm>>
      %dma_start3A_1044 = arith.constant 48 : i32
      %dma_start3A_1045 = arith.constant 0 : i32
      %dma_start3A_1046 = tpu.memref_slice %arg11[%dma_start3A_1044, %dma_start3A_1045] : memref<64x128xf32, #tpu.memory_space<vmem>> -> memref<8x128xf32, #tpu.memory_space<vmem>>
      tpu.enqueue_dma source(%dma_start3A_1046 : memref<8x128xf32, #tpu.memory_space<vmem>>) target(%dma_start3A_1043 : memref<8x128xf32, #tpu.memory_space<hbm>>) target_semaphore(%arg17 : memref<!tpu.dma_semaphore, #tpu.memory_space<semaphore_mem>>)
      %dma_start3A_1047 = arith.constant 7 : i32
      %dma_start3A_1048 = arith.constant 56 : i32
      %dma_start3A_1049 = arith.constant 0 : i32
      %dma_start3A_1050 = tpu.memref_slice %arg11[%dma_start3A_1048, %dma_start3A_1049] : memref<64x128xf32, #tpu.memory_space<vmem>> -> memref<8x128xf32, #tpu.memory_space<vmem>>
      %dma_start3A_1051 = arith.constant 0 : i32
      %dma_start3A_1052 = arith.constant 0 : i32
      %dma_start3A_1053 = tpu.memref_slice %arg4[%select_n3A_904, %dma_start3A_1047, %select_n3A_920, %dma_start3A_1051, %dma_start3A_1052] : memref<50x8x128x8x128xf32, #tpu.memory_space<hbm>> -> memref<1x1x1x8x128xf32, #tpu.memory_space<hbm>>
      %dma_start3A_1054 = tpu.memref_squeeze %dma_start3A_1053 : memref<1x1x1x8x128xf32, #tpu.memory_space<hbm>> -> memref<8x128xf32, #tpu.memory_space<hbm>>
      %dma_start3A_1055 = arith.constant 0 : i32
      %dma_start3A_1056 = arith.constant 0 : i32
      %dma_start3A_1057 = tpu.memref_slice %arg4[%select_n3A_904, %dma_start3A_1047, %select_n3A_920, %dma_start3A_1055, %dma_start3A_1056] : memref<50x8x128x8x128xf32, #tpu.memory_space<hbm>> -> memref<1x1x1x8x128xf32, #tpu.memory_space<hbm>>
      %dma_start3A_1058 = tpu.memref_squeeze %dma_start3A_1057 : memref<1x1x1x8x128xf32, #tpu.memory_space<hbm>> -> memref<8x128xf32, #tpu.memory_space<hbm>>
      %dma_start3A_1059 = arith.constant 56 : i32
      %dma_start3A_1060 = arith.constant 0 : i32
      %dma_start3A_1061 = tpu.memref_slice %arg11[%dma_start3A_1059, %dma_start3A_1060] : memref<64x128xf32, #tpu.memory_space<vmem>> -> memref<8x128xf32, #tpu.memory_space<vmem>>
      tpu.enqueue_dma source(%dma_start3A_1061 : memref<8x128xf32, #tpu.memory_space<vmem>>) target(%dma_start3A_1058 : memref<8x128xf32, #tpu.memory_space<hbm>>) target_semaphore(%arg17 : memref<!tpu.dma_semaphore, #tpu.memory_space<semaphore_mem>>)
    }
    %scan3A_59 = arith.constant 50 : i32
    %dma_wait3A = arith.constant 0 : i32
    %dma_wait3A_60 = arith.constant 0 : i32
    %dma_wait3A_61 = arith.constant 0 : i32
    %dma_wait3A_62 = arith.constant 0 : i32
    %dma_wait3A_63 = arith.constant 0 : i32
    %dma_wait3A_64 = tpu.memref_slice %arg10[%dma_wait3A_62, %dma_wait3A_63] : memref<64x128xf32, #tpu.memory_space<vmem>> -> memref<8x128xf32, #tpu.memory_space<vmem>>
    %dma_wait3A_65 = arith.constant 0 : i32
    %dma_wait3A_66 = arith.constant 0 : i32
    %dma_wait3A_67 = tpu.memref_slice %arg4[%dma_wait3A, %dma_wait3A_60, %dma_wait3A_61, %dma_wait3A_65, %dma_wait3A_66] : memref<50x8x128x8x128xf32, #tpu.memory_space<hbm>> -> memref<1x1x1x8x128xf32, #tpu.memory_space<hbm>>
    %dma_wait3A_68 = tpu.memref_squeeze %dma_wait3A_67 : memref<1x1x1x8x128xf32, #tpu.memory_space<hbm>> -> memref<8x128xf32, #tpu.memory_space<hbm>>
    %dma_wait3A_69 = arith.constant 0 : i32
    %dma_wait3A_70 = arith.constant 0 : i32
    %dma_wait3A_71 = tpu.memref_slice %arg4[%dma_wait3A, %dma_wait3A_60, %dma_wait3A_61, %dma_wait3A_69, %dma_wait3A_70] : memref<50x8x128x8x128xf32, #tpu.memory_space<hbm>> -> memref<1x1x1x8x128xf32, #tpu.memory_space<hbm>>
    %dma_wait3A_72 = tpu.memref_squeeze %dma_wait3A_71 : memref<1x1x1x8x128xf32, #tpu.memory_space<hbm>> -> memref<8x128xf32, #tpu.memory_space<hbm>>
    %dma_wait3A_73 = arith.constant 0 : i32
    %dma_wait3A_74 = arith.constant 0 : i32
    %dma_wait3A_75 = tpu.memref_slice %arg10[%dma_wait3A_73, %dma_wait3A_74] : memref<64x128xf32, #tpu.memory_space<vmem>> -> memref<8x128xf32, #tpu.memory_space<vmem>>
    tpu.wait_dma2 semaphore(%arg16 : memref<!tpu.dma_semaphore, #tpu.memory_space<semaphore_mem>>) src(%dma_wait3A_75 : memref<8x128xf32, #tpu.memory_space<vmem>>) dst(%dma_wait3A_72 : memref<8x128xf32, #tpu.memory_space<hbm>>)
    %dma_wait3A_76 = arith.constant 0 : i32
    %dma_wait3A_77 = arith.constant 1 : i32
    %dma_wait3A_78 = arith.constant 0 : i32
    %dma_wait3A_79 = arith.constant 8 : i32
    %dma_wait3A_80 = arith.constant 0 : i32
    %dma_wait3A_81 = tpu.memref_slice %arg10[%dma_wait3A_79, %dma_wait3A_80] : memref<64x128xf32, #tpu.memory_space<vmem>> -> memref<8x128xf32, #tpu.memory_space<vmem>>
    %dma_wait3A_82 = arith.constant 0 : i32
    %dma_wait3A_83 = arith.constant 0 : i32
    %dma_wait3A_84 = tpu.memref_slice %arg4[%dma_wait3A_76, %dma_wait3A_77, %dma_wait3A_78, %dma_wait3A_82, %dma_wait3A_83] : memref<50x8x128x8x128xf32, #tpu.memory_space<hbm>> -> memref<1x1x1x8x128xf32, #tpu.memory_space<hbm>>
    %dma_wait3A_85 = tpu.memref_squeeze %dma_wait3A_84 : memref<1x1x1x8x128xf32, #tpu.memory_space<hbm>> -> memref<8x128xf32, #tpu.memory_space<hbm>>
    %dma_wait3A_86 = arith.constant 0 : i32
    %dma_wait3A_87 = arith.constant 0 : i32
    %dma_wait3A_88 = tpu.memref_slice %arg4[%dma_wait3A_76, %dma_wait3A_77, %dma_wait3A_78, %dma_wait3A_86, %dma_wait3A_87] : memref<50x8x128x8x128xf32, #tpu.memory_space<hbm>> -> memref<1x1x1x8x128xf32, #tpu.memory_space<hbm>>
    %dma_wait3A_89 = tpu.memref_squeeze %dma_wait3A_88 : memref<1x1x1x8x128xf32, #tpu.memory_space<hbm>> -> memref<8x128xf32, #tpu.memory_space<hbm>>
    %dma_wait3A_90 = arith.constant 8 : i32
    %dma_wait3A_91 = arith.constant 0 : i32
    %dma_wait3A_92 = tpu.memref_slice %arg10[%dma_wait3A_90, %dma_wait3A_91] : memref<64x128xf32, #tpu.memory_space<vmem>> -> memref<8x128xf32, #tpu.memory_space<vmem>>
    tpu.wait_dma2 semaphore(%arg16 : memref<!tpu.dma_semaphore, #tpu.memory_space<semaphore_mem>>) src(%dma_wait3A_92 : memref<8x128xf32, #tpu.memory_space<vmem>>) dst(%dma_wait3A_89 : memref<8x128xf32, #tpu.memory_space<hbm>>)
    %dma_wait3A_93 = arith.constant 0 : i32
    %dma_wait3A_94 = arith.constant 2 : i32
    %dma_wait3A_95 = arith.constant 0 : i32
    %dma_wait3A_96 = arith.constant 16 : i32
    %dma_wait3A_97 = arith.constant 0 : i32
    %dma_wait3A_98 = tpu.memref_slice %arg10[%dma_wait3A_96, %dma_wait3A_97] : memref<64x128xf32, #tpu.memory_space<vmem>> -> memref<8x128xf32, #tpu.memory_space<vmem>>
    %dma_wait3A_99 = arith.constant 0 : i32
    %dma_wait3A_100 = arith.constant 0 : i32
    %dma_wait3A_101 = tpu.memref_slice %arg4[%dma_wait3A_93, %dma_wait3A_94, %dma_wait3A_95, %dma_wait3A_99, %dma_wait3A_100] : memref<50x8x128x8x128xf32, #tpu.memory_space<hbm>> -> memref<1x1x1x8x128xf32, #tpu.memory_space<hbm>>
    %dma_wait3A_102 = tpu.memref_squeeze %dma_wait3A_101 : memref<1x1x1x8x128xf32, #tpu.memory_space<hbm>> -> memref<8x128xf32, #tpu.memory_space<hbm>>
    %dma_wait3A_103 = arith.constant 0 : i32
    %dma_wait3A_104 = arith.constant 0 : i32
    %dma_wait3A_105 = tpu.memref_slice %arg4[%dma_wait3A_93, %dma_wait3A_94, %dma_wait3A_95, %dma_wait3A_103, %dma_wait3A_104] : memref<50x8x128x8x128xf32, #tpu.memory_space<hbm>> -> memref<1x1x1x8x128xf32, #tpu.memory_space<hbm>>
    %dma_wait3A_106 = tpu.memref_squeeze %dma_wait3A_105 : memref<1x1x1x8x128xf32, #tpu.memory_space<hbm>> -> memref<8x128xf32, #tpu.memory_space<hbm>>
    %dma_wait3A_107 = arith.constant 16 : i32
    %dma_wait3A_108 = arith.constant 0 : i32
    %dma_wait3A_109 = tpu.memref_slice %arg10[%dma_wait3A_107, %dma_wait3A_108] : memref<64x128xf32, #tpu.memory_space<vmem>> -> memref<8x128xf32, #tpu.memory_space<vmem>>
    tpu.wait_dma2 semaphore(%arg16 : memref<!tpu.dma_semaphore, #tpu.memory_space<semaphore_mem>>) src(%dma_wait3A_109 : memref<8x128xf32, #tpu.memory_space<vmem>>) dst(%dma_wait3A_106 : memref<8x128xf32, #tpu.memory_space<hbm>>)
    %dma_wait3A_110 = arith.constant 0 : i32
    %dma_wait3A_111 = arith.constant 3 : i32
    %dma_wait3A_112 = arith.constant 0 : i32
    %dma_wait3A_113 = arith.constant 24 : i32
    %dma_wait3A_114 = arith.constant 0 : i32
    %dma_wait3A_115 = tpu.memref_slice %arg10[%dma_wait3A_113, %dma_wait3A_114] : memref<64x128xf32, #tpu.memory_space<vmem>> -> memref<8x128xf32, #tpu.memory_space<vmem>>
    %dma_wait3A_116 = arith.constant 0 : i32
    %dma_wait3A_117 = arith.constant 0 : i32
    %dma_wait3A_118 = tpu.memref_slice %arg4[%dma_wait3A_110, %dma_wait3A_111, %dma_wait3A_112, %dma_wait3A_116, %dma_wait3A_117] : memref<50x8x128x8x128xf32, #tpu.memory_space<hbm>> -> memref<1x1x1x8x128xf32, #tpu.memory_space<hbm>>
    %dma_wait3A_119 = tpu.memref_squeeze %dma_wait3A_118 : memref<1x1x1x8x128xf32, #tpu.memory_space<hbm>> -> memref<8x128xf32, #tpu.memory_space<hbm>>
    %dma_wait3A_120 = arith.constant 0 : i32
    %dma_wait3A_121 = arith.constant 0 : i32
    %dma_wait3A_122 = tpu.memref_slice %arg4[%dma_wait3A_110, %dma_wait3A_111, %dma_wait3A_112, %dma_wait3A_120, %dma_wait3A_121] : memref<50x8x128x8x128xf32, #tpu.memory_space<hbm>> -> memref<1x1x1x8x128xf32, #tpu.memory_space<hbm>>
    %dma_wait3A_123 = tpu.memref_squeeze %dma_wait3A_122 : memref<1x1x1x8x128xf32, #tpu.memory_space<hbm>> -> memref<8x128xf32, #tpu.memory_space<hbm>>
    %dma_wait3A_124 = arith.constant 24 : i32
    %dma_wait3A_125 = arith.constant 0 : i32
    %dma_wait3A_126 = tpu.memref_slice %arg10[%dma_wait3A_124, %dma_wait3A_125] : memref<64x128xf32, #tpu.memory_space<vmem>> -> memref<8x128xf32, #tpu.memory_space<vmem>>
    tpu.wait_dma2 semaphore(%arg16 : memref<!tpu.dma_semaphore, #tpu.memory_space<semaphore_mem>>) src(%dma_wait3A_126 : memref<8x128xf32, #tpu.memory_space<vmem>>) dst(%dma_wait3A_123 : memref<8x128xf32, #tpu.memory_space<hbm>>)
    %dma_wait3A_127 = arith.constant 0 : i32
    %dma_wait3A_128 = arith.constant 4 : i32
    %dma_wait3A_129 = arith.constant 0 : i32
    %dma_wait3A_130 = arith.constant 32 : i32
    %dma_wait3A_131 = arith.constant 0 : i32
    %dma_wait3A_132 = tpu.memref_slice %arg10[%dma_wait3A_130, %dma_wait3A_131] : memref<64x128xf32, #tpu.memory_space<vmem>> -> memref<8x128xf32, #tpu.memory_space<vmem>>
    %dma_wait3A_133 = arith.constant 0 : i32
    %dma_wait3A_134 = arith.constant 0 : i32
    %dma_wait3A_135 = tpu.memref_slice %arg4[%dma_wait3A_127, %dma_wait3A_128, %dma_wait3A_129, %dma_wait3A_133, %dma_wait3A_134] : memref<50x8x128x8x128xf32, #tpu.memory_space<hbm>> -> memref<1x1x1x8x128xf32, #tpu.memory_space<hbm>>
    %dma_wait3A_136 = tpu.memref_squeeze %dma_wait3A_135 : memref<1x1x1x8x128xf32, #tpu.memory_space<hbm>> -> memref<8x128xf32, #tpu.memory_space<hbm>>
    %dma_wait3A_137 = arith.constant 0 : i32
    %dma_wait3A_138 = arith.constant 0 : i32
    %dma_wait3A_139 = tpu.memref_slice %arg4[%dma_wait3A_127, %dma_wait3A_128, %dma_wait3A_129, %dma_wait3A_137, %dma_wait3A_138] : memref<50x8x128x8x128xf32, #tpu.memory_space<hbm>> -> memref<1x1x1x8x128xf32, #tpu.memory_space<hbm>>
    %dma_wait3A_140 = tpu.memref_squeeze %dma_wait3A_139 : memref<1x1x1x8x128xf32, #tpu.memory_space<hbm>> -> memref<8x128xf32, #tpu.memory_space<hbm>>
    %dma_wait3A_141 = arith.constant 32 : i32
    %dma_wait3A_142 = arith.constant 0 : i32
    %dma_wait3A_143 = tpu.memref_slice %arg10[%dma_wait3A_141, %dma_wait3A_142] : memref<64x128xf32, #tpu.memory_space<vmem>> -> memref<8x128xf32, #tpu.memory_space<vmem>>
    tpu.wait_dma2 semaphore(%arg16 : memref<!tpu.dma_semaphore, #tpu.memory_space<semaphore_mem>>) src(%dma_wait3A_143 : memref<8x128xf32, #tpu.memory_space<vmem>>) dst(%dma_wait3A_140 : memref<8x128xf32, #tpu.memory_space<hbm>>)
    %dma_wait3A_144 = arith.constant 0 : i32
    %dma_wait3A_145 = arith.constant 5 : i32
    %dma_wait3A_146 = arith.constant 0 : i32
    %dma_wait3A_147 = arith.constant 40 : i32
    %dma_wait3A_148 = arith.constant 0 : i32
    %dma_wait3A_149 = tpu.memref_slice %arg10[%dma_wait3A_147, %dma_wait3A_148] : memref<64x128xf32, #tpu.memory_space<vmem>> -> memref<8x128xf32, #tpu.memory_space<vmem>>
    %dma_wait3A_150 = arith.constant 0 : i32
    %dma_wait3A_151 = arith.constant 0 : i32
    %dma_wait3A_152 = tpu.memref_slice %arg4[%dma_wait3A_144, %dma_wait3A_145, %dma_wait3A_146, %dma_wait3A_150, %dma_wait3A_151] : memref<50x8x128x8x128xf32, #tpu.memory_space<hbm>> -> memref<1x1x1x8x128xf32, #tpu.memory_space<hbm>>
    %dma_wait3A_153 = tpu.memref_squeeze %dma_wait3A_152 : memref<1x1x1x8x128xf32, #tpu.memory_space<hbm>> -> memref<8x128xf32, #tpu.memory_space<hbm>>
    %dma_wait3A_154 = arith.constant 0 : i32
    %dma_wait3A_155 = arith.constant 0 : i32
    %dma_wait3A_156 = tpu.memref_slice %arg4[%dma_wait3A_144, %dma_wait3A_145, %dma_wait3A_146, %dma_wait3A_154, %dma_wait3A_155] : memref<50x8x128x8x128xf32, #tpu.memory_space<hbm>> -> memref<1x1x1x8x128xf32, #tpu.memory_space<hbm>>
    %dma_wait3A_157 = tpu.memref_squeeze %dma_wait3A_156 : memref<1x1x1x8x128xf32, #tpu.memory_space<hbm>> -> memref<8x128xf32, #tpu.memory_space<hbm>>
    %dma_wait3A_158 = arith.constant 40 : i32
    %dma_wait3A_159 = arith.constant 0 : i32
    %dma_wait3A_160 = tpu.memref_slice %arg10[%dma_wait3A_158, %dma_wait3A_159] : memref<64x128xf32, #tpu.memory_space<vmem>> -> memref<8x128xf32, #tpu.memory_space<vmem>>
    tpu.wait_dma2 semaphore(%arg16 : memref<!tpu.dma_semaphore, #tpu.memory_space<semaphore_mem>>) src(%dma_wait3A_160 : memref<8x128xf32, #tpu.memory_space<vmem>>) dst(%dma_wait3A_157 : memref<8x128xf32, #tpu.memory_space<hbm>>)
    %dma_wait3A_161 = arith.constant 0 : i32
    %dma_wait3A_162 = arith.constant 6 : i32
    %dma_wait3A_163 = arith.constant 0 : i32
    %dma_wait3A_164 = arith.constant 48 : i32
    %dma_wait3A_165 = arith.constant 0 : i32
    %dma_wait3A_166 = tpu.memref_slice %arg10[%dma_wait3A_164, %dma_wait3A_165] : memref<64x128xf32, #tpu.memory_space<vmem>> -> memref<8x128xf32, #tpu.memory_space<vmem>>
    %dma_wait3A_167 = arith.constant 0 : i32
    %dma_wait3A_168 = arith.constant 0 : i32
    %dma_wait3A_169 = tpu.memref_slice %arg4[%dma_wait3A_161, %dma_wait3A_162, %dma_wait3A_163, %dma_wait3A_167, %dma_wait3A_168] : memref<50x8x128x8x128xf32, #tpu.memory_space<hbm>> -> memref<1x1x1x8x128xf32, #tpu.memory_space<hbm>>
    %dma_wait3A_170 = tpu.memref_squeeze %dma_wait3A_169 : memref<1x1x1x8x128xf32, #tpu.memory_space<hbm>> -> memref<8x128xf32, #tpu.memory_space<hbm>>
    %dma_wait3A_171 = arith.constant 0 : i32
    %dma_wait3A_172 = arith.constant 0 : i32
    %dma_wait3A_173 = tpu.memref_slice %arg4[%dma_wait3A_161, %dma_wait3A_162, %dma_wait3A_163, %dma_wait3A_171, %dma_wait3A_172] : memref<50x8x128x8x128xf32, #tpu.memory_space<hbm>> -> memref<1x1x1x8x128xf32, #tpu.memory_space<hbm>>
    %dma_wait3A_174 = tpu.memref_squeeze %dma_wait3A_173 : memref<1x1x1x8x128xf32, #tpu.memory_space<hbm>> -> memref<8x128xf32, #tpu.memory_space<hbm>>
    %dma_wait3A_175 = arith.constant 48 : i32
    %dma_wait3A_176 = arith.constant 0 : i32
    %dma_wait3A_177 = tpu.memref_slice %arg10[%dma_wait3A_175, %dma_wait3A_176] : memref<64x128xf32, #tpu.memory_space<vmem>> -> memref<8x128xf32, #tpu.memory_space<vmem>>
    tpu.wait_dma2 semaphore(%arg16 : memref<!tpu.dma_semaphore, #tpu.memory_space<semaphore_mem>>) src(%dma_wait3A_177 : memref<8x128xf32, #tpu.memory_space<vmem>>) dst(%dma_wait3A_174 : memref<8x128xf32, #tpu.memory_space<hbm>>)
    %dma_wait3A_178 = arith.constant 0 : i32
    %dma_wait3A_179 = arith.constant 7 : i32
    %dma_wait3A_180 = arith.constant 0 : i32
    %dma_wait3A_181 = arith.constant 56 : i32
    %dma_wait3A_182 = arith.constant 0 : i32
    %dma_wait3A_183 = tpu.memref_slice %arg10[%dma_wait3A_181, %dma_wait3A_182] : memref<64x128xf32, #tpu.memory_space<vmem>> -> memref<8x128xf32, #tpu.memory_space<vmem>>
    %dma_wait3A_184 = arith.constant 0 : i32
    %dma_wait3A_185 = arith.constant 0 : i32
    %dma_wait3A_186 = tpu.memref_slice %arg4[%dma_wait3A_178, %dma_wait3A_179, %dma_wait3A_180, %dma_wait3A_184, %dma_wait3A_185] : memref<50x8x128x8x128xf32, #tpu.memory_space<hbm>> -> memref<1x1x1x8x128xf32, #tpu.memory_space<hbm>>
    %dma_wait3A_187 = tpu.memref_squeeze %dma_wait3A_186 : memref<1x1x1x8x128xf32, #tpu.memory_space<hbm>> -> memref<8x128xf32, #tpu.memory_space<hbm>>
    %dma_wait3A_188 = arith.constant 0 : i32
    %dma_wait3A_189 = arith.constant 0 : i32
    %dma_wait3A_190 = tpu.memref_slice %arg4[%dma_wait3A_178, %dma_wait3A_179, %dma_wait3A_180, %dma_wait3A_188, %dma_wait3A_189] : memref<50x8x128x8x128xf32, #tpu.memory_space<hbm>> -> memref<1x1x1x8x128xf32, #tpu.memory_space<hbm>>
    %dma_wait3A_191 = tpu.memref_squeeze %dma_wait3A_190 : memref<1x1x1x8x128xf32, #tpu.memory_space<hbm>> -> memref<8x128xf32, #tpu.memory_space<hbm>>
    %dma_wait3A_192 = arith.constant 56 : i32
    %dma_wait3A_193 = arith.constant 0 : i32
    %dma_wait3A_194 = tpu.memref_slice %arg10[%dma_wait3A_192, %dma_wait3A_193] : memref<64x128xf32, #tpu.memory_space<vmem>> -> memref<8x128xf32, #tpu.memory_space<vmem>>
    tpu.wait_dma2 semaphore(%arg16 : memref<!tpu.dma_semaphore, #tpu.memory_space<semaphore_mem>>) src(%dma_wait3A_194 : memref<8x128xf32, #tpu.memory_space<vmem>>) dst(%dma_wait3A_191 : memref<8x128xf32, #tpu.memory_space<hbm>>)
    %dma_wait3A_195 = arith.constant 0 : i32
    %dma_wait3A_196 = arith.constant 0 : i32
    %dma_wait3A_197 = arith.constant 0 : i32
    %dma_wait3A_198 = arith.constant 0 : i32
    %dma_wait3A_199 = arith.constant 0 : i32
    %dma_wait3A_200 = tpu.memref_slice %arg11[%dma_wait3A_198, %dma_wait3A_199] : memref<64x128xf32, #tpu.memory_space<vmem>> -> memref<8x128xf32, #tpu.memory_space<vmem>>
    %dma_wait3A_201 = arith.constant 0 : i32
    %dma_wait3A_202 = arith.constant 0 : i32
    %dma_wait3A_203 = tpu.memref_slice %arg4[%dma_wait3A_195, %dma_wait3A_196, %dma_wait3A_197, %dma_wait3A_201, %dma_wait3A_202] : memref<50x8x128x8x128xf32, #tpu.memory_space<hbm>> -> memref<1x1x1x8x128xf32, #tpu.memory_space<hbm>>
    %dma_wait3A_204 = tpu.memref_squeeze %dma_wait3A_203 : memref<1x1x1x8x128xf32, #tpu.memory_space<hbm>> -> memref<8x128xf32, #tpu.memory_space<hbm>>
    %dma_wait3A_205 = arith.constant 0 : i32
    %dma_wait3A_206 = arith.constant 0 : i32
    %dma_wait3A_207 = tpu.memref_slice %arg4[%dma_wait3A_195, %dma_wait3A_196, %dma_wait3A_197, %dma_wait3A_205, %dma_wait3A_206] : memref<50x8x128x8x128xf32, #tpu.memory_space<hbm>> -> memref<1x1x1x8x128xf32, #tpu.memory_space<hbm>>
    %dma_wait3A_208 = tpu.memref_squeeze %dma_wait3A_207 : memref<1x1x1x8x128xf32, #tpu.memory_space<hbm>> -> memref<8x128xf32, #tpu.memory_space<hbm>>
    %dma_wait3A_209 = arith.constant 0 : i32
    %dma_wait3A_210 = arith.constant 0 : i32
    %dma_wait3A_211 = tpu.memref_slice %arg11[%dma_wait3A_209, %dma_wait3A_210] : memref<64x128xf32, #tpu.memory_space<vmem>> -> memref<8x128xf32, #tpu.memory_space<vmem>>
    tpu.wait_dma2 semaphore(%arg17 : memref<!tpu.dma_semaphore, #tpu.memory_space<semaphore_mem>>) src(%dma_wait3A_211 : memref<8x128xf32, #tpu.memory_space<vmem>>) dst(%dma_wait3A_208 : memref<8x128xf32, #tpu.memory_space<hbm>>)
    %dma_wait3A_212 = arith.constant 0 : i32
    %dma_wait3A_213 = arith.constant 1 : i32
    %dma_wait3A_214 = arith.constant 0 : i32
    %dma_wait3A_215 = arith.constant 8 : i32
    %dma_wait3A_216 = arith.constant 0 : i32
    %dma_wait3A_217 = tpu.memref_slice %arg11[%dma_wait3A_215, %dma_wait3A_216] : memref<64x128xf32, #tpu.memory_space<vmem>> -> memref<8x128xf32, #tpu.memory_space<vmem>>
    %dma_wait3A_218 = arith.constant 0 : i32
    %dma_wait3A_219 = arith.constant 0 : i32
    %dma_wait3A_220 = tpu.memref_slice %arg4[%dma_wait3A_212, %dma_wait3A_213, %dma_wait3A_214, %dma_wait3A_218, %dma_wait3A_219] : memref<50x8x128x8x128xf32, #tpu.memory_space<hbm>> -> memref<1x1x1x8x128xf32, #tpu.memory_space<hbm>>
    %dma_wait3A_221 = tpu.memref_squeeze %dma_wait3A_220 : memref<1x1x1x8x128xf32, #tpu.memory_space<hbm>> -> memref<8x128xf32, #tpu.memory_space<hbm>>
    %dma_wait3A_222 = arith.constant 0 : i32
    %dma_wait3A_223 = arith.constant 0 : i32
    %dma_wait3A_224 = tpu.memref_slice %arg4[%dma_wait3A_212, %dma_wait3A_213, %dma_wait3A_214, %dma_wait3A_222, %dma_wait3A_223] : memref<50x8x128x8x128xf32, #tpu.memory_space<hbm>> -> memref<1x1x1x8x128xf32, #tpu.memory_space<hbm>>
    %dma_wait3A_225 = tpu.memref_squeeze %dma_wait3A_224 : memref<1x1x1x8x128xf32, #tpu.memory_space<hbm>> -> memref<8x128xf32, #tpu.memory_space<hbm>>
    %dma_wait3A_226 = arith.constant 8 : i32
    %dma_wait3A_227 = arith.constant 0 : i32
    %dma_wait3A_228 = tpu.memref_slice %arg11[%dma_wait3A_226, %dma_wait3A_227] : memref<64x128xf32, #tpu.memory_space<vmem>> -> memref<8x128xf32, #tpu.memory_space<vmem>>
    tpu.wait_dma2 semaphore(%arg17 : memref<!tpu.dma_semaphore, #tpu.memory_space<semaphore_mem>>) src(%dma_wait3A_228 : memref<8x128xf32, #tpu.memory_space<vmem>>) dst(%dma_wait3A_225 : memref<8x128xf32, #tpu.memory_space<hbm>>)
    %dma_wait3A_229 = arith.constant 0 : i32
    %dma_wait3A_230 = arith.constant 2 : i32
    %dma_wait3A_231 = arith.constant 0 : i32
    %dma_wait3A_232 = arith.constant 16 : i32
    %dma_wait3A_233 = arith.constant 0 : i32
    %dma_wait3A_234 = tpu.memref_slice %arg11[%dma_wait3A_232, %dma_wait3A_233] : memref<64x128xf32, #tpu.memory_space<vmem>> -> memref<8x128xf32, #tpu.memory_space<vmem>>
    %dma_wait3A_235 = arith.constant 0 : i32
    %dma_wait3A_236 = arith.constant 0 : i32
    %dma_wait3A_237 = tpu.memref_slice %arg4[%dma_wait3A_229, %dma_wait3A_230, %dma_wait3A_231, %dma_wait3A_235, %dma_wait3A_236] : memref<50x8x128x8x128xf32, #tpu.memory_space<hbm>> -> memref<1x1x1x8x128xf32, #tpu.memory_space<hbm>>
    %dma_wait3A_238 = tpu.memref_squeeze %dma_wait3A_237 : memref<1x1x1x8x128xf32, #tpu.memory_space<hbm>> -> memref<8x128xf32, #tpu.memory_space<hbm>>
    %dma_wait3A_239 = arith.constant 0 : i32
    %dma_wait3A_240 = arith.constant 0 : i32
    %dma_wait3A_241 = tpu.memref_slice %arg4[%dma_wait3A_229, %dma_wait3A_230, %dma_wait3A_231, %dma_wait3A_239, %dma_wait3A_240] : memref<50x8x128x8x128xf32, #tpu.memory_space<hbm>> -> memref<1x1x1x8x128xf32, #tpu.memory_space<hbm>>
    %dma_wait3A_242 = tpu.memref_squeeze %dma_wait3A_241 : memref<1x1x1x8x128xf32, #tpu.memory_space<hbm>> -> memref<8x128xf32, #tpu.memory_space<hbm>>
    %dma_wait3A_243 = arith.constant 16 : i32
    %dma_wait3A_244 = arith.constant 0 : i32
    %dma_wait3A_245 = tpu.memref_slice %arg11[%dma_wait3A_243, %dma_wait3A_244] : memref<64x128xf32, #tpu.memory_space<vmem>> -> memref<8x128xf32, #tpu.memory_space<vmem>>
    tpu.wait_dma2 semaphore(%arg17 : memref<!tpu.dma_semaphore, #tpu.memory_space<semaphore_mem>>) src(%dma_wait3A_245 : memref<8x128xf32, #tpu.memory_space<vmem>>) dst(%dma_wait3A_242 : memref<8x128xf32, #tpu.memory_space<hbm>>)
    %dma_wait3A_246 = arith.constant 0 : i32
    %dma_wait3A_247 = arith.constant 3 : i32
    %dma_wait3A_248 = arith.constant 0 : i32
    %dma_wait3A_249 = arith.constant 24 : i32
    %dma_wait3A_250 = arith.constant 0 : i32
    %dma_wait3A_251 = tpu.memref_slice %arg11[%dma_wait3A_249, %dma_wait3A_250] : memref<64x128xf32, #tpu.memory_space<vmem>> -> memref<8x128xf32, #tpu.memory_space<vmem>>
    %dma_wait3A_252 = arith.constant 0 : i32
    %dma_wait3A_253 = arith.constant 0 : i32
    %dma_wait3A_254 = tpu.memref_slice %arg4[%dma_wait3A_246, %dma_wait3A_247, %dma_wait3A_248, %dma_wait3A_252, %dma_wait3A_253] : memref<50x8x128x8x128xf32, #tpu.memory_space<hbm>> -> memref<1x1x1x8x128xf32, #tpu.memory_space<hbm>>
    %dma_wait3A_255 = tpu.memref_squeeze %dma_wait3A_254 : memref<1x1x1x8x128xf32, #tpu.memory_space<hbm>> -> memref<8x128xf32, #tpu.memory_space<hbm>>
    %dma_wait3A_256 = arith.constant 0 : i32
    %dma_wait3A_257 = arith.constant 0 : i32
    %dma_wait3A_258 = tpu.memref_slice %arg4[%dma_wait3A_246, %dma_wait3A_247, %dma_wait3A_248, %dma_wait3A_256, %dma_wait3A_257] : memref<50x8x128x8x128xf32, #tpu.memory_space<hbm>> -> memref<1x1x1x8x128xf32, #tpu.memory_space<hbm>>
    %dma_wait3A_259 = tpu.memref_squeeze %dma_wait3A_258 : memref<1x1x1x8x128xf32, #tpu.memory_space<hbm>> -> memref<8x128xf32, #tpu.memory_space<hbm>>
    %dma_wait3A_260 = arith.constant 24 : i32
    %dma_wait3A_261 = arith.constant 0 : i32
    %dma_wait3A_262 = tpu.memref_slice %arg11[%dma_wait3A_260, %dma_wait3A_261] : memref<64x128xf32, #tpu.memory_space<vmem>> -> memref<8x128xf32, #tpu.memory_space<vmem>>
    tpu.wait_dma2 semaphore(%arg17 : memref<!tpu.dma_semaphore, #tpu.memory_space<semaphore_mem>>) src(%dma_wait3A_262 : memref<8x128xf32, #tpu.memory_space<vmem>>) dst(%dma_wait3A_259 : memref<8x128xf32, #tpu.memory_space<hbm>>)
    %dma_wait3A_263 = arith.constant 0 : i32
    %dma_wait3A_264 = arith.constant 4 : i32
    %dma_wait3A_265 = arith.constant 0 : i32
    %dma_wait3A_266 = arith.constant 32 : i32
    %dma_wait3A_267 = arith.constant 0 : i32
    %dma_wait3A_268 = tpu.memref_slice %arg11[%dma_wait3A_266, %dma_wait3A_267] : memref<64x128xf32, #tpu.memory_space<vmem>> -> memref<8x128xf32, #tpu.memory_space<vmem>>
    %dma_wait3A_269 = arith.constant 0 : i32
    %dma_wait3A_270 = arith.constant 0 : i32
    %dma_wait3A_271 = tpu.memref_slice %arg4[%dma_wait3A_263, %dma_wait3A_264, %dma_wait3A_265, %dma_wait3A_269, %dma_wait3A_270] : memref<50x8x128x8x128xf32, #tpu.memory_space<hbm>> -> memref<1x1x1x8x128xf32, #tpu.memory_space<hbm>>
    %dma_wait3A_272 = tpu.memref_squeeze %dma_wait3A_271 : memref<1x1x1x8x128xf32, #tpu.memory_space<hbm>> -> memref<8x128xf32, #tpu.memory_space<hbm>>
    %dma_wait3A_273 = arith.constant 0 : i32
    %dma_wait3A_274 = arith.constant 0 : i32
    %dma_wait3A_275 = tpu.memref_slice %arg4[%dma_wait3A_263, %dma_wait3A_264, %dma_wait3A_265, %dma_wait3A_273, %dma_wait3A_274] : memref<50x8x128x8x128xf32, #tpu.memory_space<hbm>> -> memref<1x1x1x8x128xf32, #tpu.memory_space<hbm>>
    %dma_wait3A_276 = tpu.memref_squeeze %dma_wait3A_275 : memref<1x1x1x8x128xf32, #tpu.memory_space<hbm>> -> memref<8x128xf32, #tpu.memory_space<hbm>>
    %dma_wait3A_277 = arith.constant 32 : i32
    %dma_wait3A_278 = arith.constant 0 : i32
    %dma_wait3A_279 = tpu.memref_slice %arg11[%dma_wait3A_277, %dma_wait3A_278] : memref<64x128xf32, #tpu.memory_space<vmem>> -> memref<8x128xf32, #tpu.memory_space<vmem>>
    tpu.wait_dma2 semaphore(%arg17 : memref<!tpu.dma_semaphore, #tpu.memory_space<semaphore_mem>>) src(%dma_wait3A_279 : memref<8x128xf32, #tpu.memory_space<vmem>>) dst(%dma_wait3A_276 : memref<8x128xf32, #tpu.memory_space<hbm>>)
    %dma_wait3A_280 = arith.constant 0 : i32
    %dma_wait3A_281 = arith.constant 5 : i32
    %dma_wait3A_282 = arith.constant 0 : i32
    %dma_wait3A_283 = arith.constant 40 : i32
    %dma_wait3A_284 = arith.constant 0 : i32
    %dma_wait3A_285 = tpu.memref_slice %arg11[%dma_wait3A_283, %dma_wait3A_284] : memref<64x128xf32, #tpu.memory_space<vmem>> -> memref<8x128xf32, #tpu.memory_space<vmem>>
    %dma_wait3A_286 = arith.constant 0 : i32
    %dma_wait3A_287 = arith.constant 0 : i32
    %dma_wait3A_288 = tpu.memref_slice %arg4[%dma_wait3A_280, %dma_wait3A_281, %dma_wait3A_282, %dma_wait3A_286, %dma_wait3A_287] : memref<50x8x128x8x128xf32, #tpu.memory_space<hbm>> -> memref<1x1x1x8x128xf32, #tpu.memory_space<hbm>>
    %dma_wait3A_289 = tpu.memref_squeeze %dma_wait3A_288 : memref<1x1x1x8x128xf32, #tpu.memory_space<hbm>> -> memref<8x128xf32, #tpu.memory_space<hbm>>
    %dma_wait3A_290 = arith.constant 0 : i32
    %dma_wait3A_291 = arith.constant 0 : i32
    %dma_wait3A_292 = tpu.memref_slice %arg4[%dma_wait3A_280, %dma_wait3A_281, %dma_wait3A_282, %dma_wait3A_290, %dma_wait3A_291] : memref<50x8x128x8x128xf32, #tpu.memory_space<hbm>> -> memref<1x1x1x8x128xf32, #tpu.memory_space<hbm>>
    %dma_wait3A_293 = tpu.memref_squeeze %dma_wait3A_292 : memref<1x1x1x8x128xf32, #tpu.memory_space<hbm>> -> memref<8x128xf32, #tpu.memory_space<hbm>>
    %dma_wait3A_294 = arith.constant 40 : i32
    %dma_wait3A_295 = arith.constant 0 : i32
    %dma_wait3A_296 = tpu.memref_slice %arg11[%dma_wait3A_294, %dma_wait3A_295] : memref<64x128xf32, #tpu.memory_space<vmem>> -> memref<8x128xf32, #tpu.memory_space<vmem>>
    tpu.wait_dma2 semaphore(%arg17 : memref<!tpu.dma_semaphore, #tpu.memory_space<semaphore_mem>>) src(%dma_wait3A_296 : memref<8x128xf32, #tpu.memory_space<vmem>>) dst(%dma_wait3A_293 : memref<8x128xf32, #tpu.memory_space<hbm>>)
    %dma_wait3A_297 = arith.constant 0 : i32
    %dma_wait3A_298 = arith.constant 6 : i32
    %dma_wait3A_299 = arith.constant 0 : i32
    %dma_wait3A_300 = arith.constant 48 : i32
    %dma_wait3A_301 = arith.constant 0 : i32
    %dma_wait3A_302 = tpu.memref_slice %arg11[%dma_wait3A_300, %dma_wait3A_301] : memref<64x128xf32, #tpu.memory_space<vmem>> -> memref<8x128xf32, #tpu.memory_space<vmem>>
    %dma_wait3A_303 = arith.constant 0 : i32
    %dma_wait3A_304 = arith.constant 0 : i32
    %dma_wait3A_305 = tpu.memref_slice %arg4[%dma_wait3A_297, %dma_wait3A_298, %dma_wait3A_299, %dma_wait3A_303, %dma_wait3A_304] : memref<50x8x128x8x128xf32, #tpu.memory_space<hbm>> -> memref<1x1x1x8x128xf32, #tpu.memory_space<hbm>>
    %dma_wait3A_306 = tpu.memref_squeeze %dma_wait3A_305 : memref<1x1x1x8x128xf32, #tpu.memory_space<hbm>> -> memref<8x128xf32, #tpu.memory_space<hbm>>
    %dma_wait3A_307 = arith.constant 0 : i32
    %dma_wait3A_308 = arith.constant 0 : i32
    %dma_wait3A_309 = tpu.memref_slice %arg4[%dma_wait3A_297, %dma_wait3A_298, %dma_wait3A_299, %dma_wait3A_307, %dma_wait3A_308] : memref<50x8x128x8x128xf32, #tpu.memory_space<hbm>> -> memref<1x1x1x8x128xf32, #tpu.memory_space<hbm>>
    %dma_wait3A_310 = tpu.memref_squeeze %dma_wait3A_309 : memref<1x1x1x8x128xf32, #tpu.memory_space<hbm>> -> memref<8x128xf32, #tpu.memory_space<hbm>>
    %dma_wait3A_311 = arith.constant 48 : i32
    %dma_wait3A_312 = arith.constant 0 : i32
    %dma_wait3A_313 = tpu.memref_slice %arg11[%dma_wait3A_311, %dma_wait3A_312] : memref<64x128xf32, #tpu.memory_space<vmem>> -> memref<8x128xf32, #tpu.memory_space<vmem>>
    tpu.wait_dma2 semaphore(%arg17 : memref<!tpu.dma_semaphore, #tpu.memory_space<semaphore_mem>>) src(%dma_wait3A_313 : memref<8x128xf32, #tpu.memory_space<vmem>>) dst(%dma_wait3A_310 : memref<8x128xf32, #tpu.memory_space<hbm>>)
    %dma_wait3A_314 = arith.constant 0 : i32
    %dma_wait3A_315 = arith.constant 7 : i32
    %dma_wait3A_316 = arith.constant 0 : i32
    %dma_wait3A_317 = arith.constant 56 : i32
    %dma_wait3A_318 = arith.constant 0 : i32
    %dma_wait3A_319 = tpu.memref_slice %arg11[%dma_wait3A_317, %dma_wait3A_318] : memref<64x128xf32, #tpu.memory_space<vmem>> -> memref<8x128xf32, #tpu.memory_space<vmem>>
    %dma_wait3A_320 = arith.constant 0 : i32
    %dma_wait3A_321 = arith.constant 0 : i32
    %dma_wait3A_322 = tpu.memref_slice %arg4[%dma_wait3A_314, %dma_wait3A_315, %dma_wait3A_316, %dma_wait3A_320, %dma_wait3A_321] : memref<50x8x128x8x128xf32, #tpu.memory_space<hbm>> -> memref<1x1x1x8x128xf32, #tpu.memory_space<hbm>>
    %dma_wait3A_323 = tpu.memref_squeeze %dma_wait3A_322 : memref<1x1x1x8x128xf32, #tpu.memory_space<hbm>> -> memref<8x128xf32, #tpu.memory_space<hbm>>
    %dma_wait3A_324 = arith.constant 0 : i32
    %dma_wait3A_325 = arith.constant 0 : i32
    %dma_wait3A_326 = tpu.memref_slice %arg4[%dma_wait3A_314, %dma_wait3A_315, %dma_wait3A_316, %dma_wait3A_324, %dma_wait3A_325] : memref<50x8x128x8x128xf32, #tpu.memory_space<hbm>> -> memref<1x1x1x8x128xf32, #tpu.memory_space<hbm>>
    %dma_wait3A_327 = tpu.memref_squeeze %dma_wait3A_326 : memref<1x1x1x8x128xf32, #tpu.memory_space<hbm>> -> memref<8x128xf32, #tpu.memory_space<hbm>>
    %dma_wait3A_328 = arith.constant 56 : i32
    %dma_wait3A_329 = arith.constant 0 : i32
    %dma_wait3A_330 = tpu.memref_slice %arg11[%dma_wait3A_328, %dma_wait3A_329] : memref<64x128xf32, #tpu.memory_space<vmem>> -> memref<8x128xf32, #tpu.memory_space<vmem>>
    tpu.wait_dma2 semaphore(%arg17 : memref<!tpu.dma_semaphore, #tpu.memory_space<semaphore_mem>>) src(%dma_wait3A_330 : memref<8x128xf32, #tpu.memory_space<vmem>>) dst(%dma_wait3A_327 : memref<8x128xf32, #tpu.memory_space<hbm>>)
    return
  }
}

</mosaic_0001>

<sc_bundles>
// kernel: kernel.3.cloned.1.call-start
scs
__scs_entry_jumppad:
0x0: {  	(pc) =	sbr.rel $0x88, $3  }
0x1: {  	(tag) =	ssettag $0x0;
	lr =	simm.s32 $0x1  }
0x2: {  	[smem:$0x3F9F] =	sst lr;
	_ =	strace $0xD0000000  }
0x3: {  	_ = 	snop  }
0x4: {  	_ = 	snop  }
0x5: {  	_ = 	snop  }
0x6: {  	_ = 	snop  }
0x7: {  	_ = 	snop  }
__scs_overlays_trampoline_lowered:
0x8: {  	[smem:$0x3FAE] =	sst s0  }
0x9: {  	[smem:$0x3FAF] =	sst s1  }
0xa: {  	[smem:$0x3FB0] =	sst s2  }
0xb: {  	[smem:$0x3FB1] =	sst s3  }
0xc: {  	[smem:$0x3FB2] =	sst s4  }
0xd: {  	[smem:$0x3FB3] =	sst s5  }
0xe: {  	[smem:$0x3FB4] =	sst s6  }
0xf: {  	[smem:$0x3FB5] =	sst s7  }
0x10: {  	[smem:$0x3FB6] =	sst s8  }
0x11: {  	[smem:$0x3FB7] =	sst s9;
	s0 =	simm.s32 @!p0 $0x0  }
0x12: {  	s1 =	sld [smem:$0x3F9D];
	s0 =	simm.s32 @p0 $0x1  }
0x13: {  	[smem:$0x3FB8] =	sst s0;
	s0 =	simm.s32 @!p1 $0x0  }
0x14: {  	s2 =	sld [smem:$0x3F9C];
	s0 =	simm.s32 @p1 $0x1  }
0x15: {  	[smem:$0x3FB9] =	sst s0;
	s0 =	simm.s32 @!p2 $0x0  }
0x16: {  	s3 =	sld [smem:$0x3FDB];
	s0 =	simm.s32 @p2 $0x1  }
0x17: {  	s4 =	simm.s32 $0x1BF5;
	[smem:$0x3FBB] =	sst s0  }
0x18: {  	s0 =	sld [smem:$0x3F9E];
	_ =	swait.ge [sflag:s4], $0x0  }
0x19: {  	s7 =	sld [smem:$0x3F9F]  }
0x1a: {  	s8 =	sadd.s32 $0xFFFFE003, lr  }
0x1b: {  	s9 =	sadd.s32 $0xFFFFFEF7, lr;
	s5 =	simm.s32 $0xFFFFFFFF;
	p2 =	slt.u32 s8, $0xFFFFF086  }
0x1c: {  	p1 =	slt.u32 s9, $0xF7A;
	s5 =	simm.s32 @!p2 $0x0  }
0x1d: {  	s5 =	simm.s32 @p1 $0x1;
	p0 =	seq.s32 s7, s2  }
0x1e: {  	s7 =	smul.u32 @!p0 $0xF7A, s2;
	p2 =	seq.s32 @!p0 s5, $0x0  }
0x1f: {  	s9 =	smul.u32 $0xF7A, s1;
	s8 =	simm.s32 @!p0 $0x1BF5;
	p2 =	por !p2, p0  }
0x20: {  	[sflag:s8] =	ssyncset.s32 @!p0 $0xFFFFF086;
	s6 =	sadd.s32 @!p0 s3, s7;
	s7 =	simm.s32 @!p0 $0x108  }
0x21: {  	s3 =	sadd.s32 s3, s9;
	s6 =	sadd.s32 @!p0 $0x88, s6;
	s7 =	simm.s32 @p2 $0x1082  }
0x22: {  	[simem:s7], [sflag:s8] =	dma.local @!p0 [hbm:s6], $0xF7A  }
0x23: {  	s9 =	sor.u32 $0xD0000000, s2;
	s6 =	simm.s32 $0x108;
	_ =	swait.ge @!p0 [sflag:s8], $0x0  }
0x24: {  	s3 =	sadd.s32 $0x88, s3;
	s6 =	simm.s32 @!p1 $0x1082;
	[sflag:s4] =	ssyncset.s32 $0xFFFFF086  }
0x25: {  	[simem:s6], [sflag:s4] =	dma.local [hbm:s3], $0xF7A  }
0x26: {  	[smem:$0x3F9F] =	sst s1;
	(tag) =	ssettag s2;
	_ =	strace s9  }
0x27: {  	s1 =	sld [smem:$0x3FAF]  }
0x28: {  	s2 =	sld [smem:$0x3FB0]  }
0x29: {  	s4 =	sld [smem:$0x3FB2]  }
0x2a: {  	p0 =	seq.s32 s5, $0x0;
	s5 =	sld [smem:$0x3FB3]  }
0x2b: {  	s6 =	sld [smem:$0x3FB4]  }
0x2c: {  	s7 =	sld [smem:$0x3FB5]  }
0x2d: {  	s3 =	simm.s32 $0x108;
	s8 =	sld [smem:$0x3FB6]  }
0x2e: {  	s3 =	simm.s32 @!p0 $0x1082;
	s9 =	sld [smem:$0x3FB7]  }
0x2f: {  	lr =	sadd.s32 s0, s3;
	s0 =	sld [smem:$0x3FAE]  }
0x30: {  	s3 =	sld [smem:$0x3FB1]  }
0x31: {  	[smem:$0x3FBA] =	sst s10  }
0x32: {  	s10 =	sld [smem:$0x3FB8];
	_ =	sdelay $0x3  }
0x33: {  	p0 =	seq.s32 s10, $0x1;
	s10 =	sld [smem:$0x3FBA];
	_ =	sdelay $0x3  }
0x34: {  	[smem:$0x3FBA] =	sst s10  }
0x35: {  	s10 =	sld [smem:$0x3FB9];
	_ =	sdelay $0x3  }
0x36: {  	p1 =	seq.s32 s10, $0x1;
	s10 =	sld [smem:$0x3FBA];
	_ =	sdelay $0x3  }
0x37: {  	[smem:$0x3FBA] =	sst s10  }
0x38: {  	s10 =	sld [smem:$0x3FBB]  }
0x39: {  	_ = 	snop;
	(pc) =	sbr.ind lr, $3  }
0x3a: {  	_ = 	snop  }
0x3b: {  	_ = 	snop  }
0x3c: {  	p2 =	seq.s32 s10, $0x1;
	s10 =	sld [smem:$0x3FBA]  }
0x3d: {  	_ =	shalt  }
0x3e: {  	_ =	shalt  }
0x3f: {  	_ =	shalt  }
0x40: {  	_ =	shalt  }
0x41: {  	_ =	shalt  }
0x42: {  	_ =	shalt  }
0x43: {  	_ =	shalt  }
0x44: {  	_ =	shalt  }
0x45: {  	_ =	shalt  }
0x46: {  	_ =	shalt  }
0x47: {  	_ =	shalt  }
0x48: {  	_ =	shalt  }
0x49: {  	_ =	shalt  }
0x4a: {  	_ =	shalt  }
0x4b: {  	_ =	shalt  }
0x4c: {  	_ =	shalt  }
0x4d: {  	_ =	shalt  }
0x4e: {  	_ =	shalt  }
0x4f: {  	_ =	shalt  }
0x50: {  	_ =	shalt  }
0x51: {  	_ =	shalt  }
0x52: {  	_ =	shalt  }
0x53: {  	_ =	shalt  }
0x54: {  	_ =	shalt  }
0x55: {  	_ =	shalt  }
0x56: {  	_ =	shalt  }
0x57: {  	_ =	shalt  }
0x58: {  	_ =	shalt  }
0x59: {  	_ =	shalt  }
0x5a: {  	_ =	shalt  }
0x5b: {  	_ =	shalt  }
0x5c: {  	_ =	shalt  }
0x5d: {  	_ =	shalt  }
0x5e: {  	_ =	shalt  }
0x5f: {  	_ =	shalt  }
0x60: {  	_ =	shalt  }
0x61: {  	_ =	shalt  }
0x62: {  	_ =	shalt  }
0x63: {  	_ =	shalt  }
0x64: {  	_ =	shalt  }
0x65: {  	_ =	shalt  }
0x66: {  	_ =	shalt  }
0x67: {  	_ =	shalt  }
0x68: {  	_ =	shalt  }
0x69: {  	_ =	shalt  }
0x6a: {  	_ =	shalt  }
0x6b: {  	_ =	shalt  }
0x6c: {  	_ =	shalt  }
0x6d: {  	_ =	shalt  }
0x6e: {  	_ =	shalt  }
0x6f: {  	_ =	shalt  }
0x70: {  	_ =	shalt  }
0x71: {  	_ =	shalt  }
0x72: {  	_ =	shalt  }
0x73: {  	_ =	shalt  }
0x74: {  	_ =	shalt  }
0x75: {  	_ =	shalt  }
0x76: {  	_ =	shalt  }
0x77: {  	_ =	shalt  }
0x78: {  	_ =	shalt  }
0x79: {  	_ =	shalt  }
0x7a: {  	_ =	shalt  }
0x7b: {  	_ =	shalt  }
0x7c: {  	_ =	shalt  }
0x7d: {  	_ =	shalt  }
0x7e: {  	_ =	shalt  }
0x7f: {  	_ =	shalt  }
0x80: {  	_ =	shalt  }
0x81: {  	_ =	shalt  }
0x82: {  	_ =	shalt  }
0x83: {  	_ =	shalt  }
0x84: {  	_ =	shalt  }
0x85: {  	_ =	shalt  }
0x86: {  	_ =	shalt  }
0x87: {  	_ =	shalt  }
.Lfunc_end0:
.L_simem_size_0:
called_computation_lowered:
.L_overlay_start_0:
0x88: {  	s2 =	sld [smem:$0x3FD9]  }
0x89: {  	s3 =	sld [smem:$0x3FFE];
	_ =	sdelay $0x1  }
0x8a: {  	s1 =	srdreg.scid  }
0x8b: {  	s0 =	sand.u32 $0x1, s1  }
0x8c: {  	s17 =	sshll.u32 s0, $0xA;
	s2 =	sadd.s32 s3, s2  }
0x8d: {  	s2 =	sadd.s32 s2, s17  }
0x8e: {  	[smem:$0x3FC6] =	sst s2  }
0x8f: {  	_ = 	snop  }
0x90: {  	s2 =	sld [smem:$0x3FD0];
	(tm) =	ssettm $0x1  }
0x91: {  	s18 =	sld [smem:$0x3FFB];
	_ =	sdelay $0x3  }
0x92: {  	_ =	strace s18  }
0x93: {  	s3 =	sld [smem:$0x3FFC];
	_ =	sdelay $0x3  }
0x94: {  	_ =	strace s3  }
0x95: {  	s3 =	sld [smem:$0x3FFD];
	_ =	sdelay $0x3  }
0x96: {  	_ =	strace s3  }
0x97: {  	_ =	strace $0x8FFFFFFF  }
0x98: {  	s19 =	sld [smem:$0x3FDB];
	_ =	sdelay $0x1  }
0x99: {  	s4 =	simm.s32 $_scs_section_size  }
0x9a: {  	s5 =	simm.s32 $_size__tile_overlayer_lowered;
	s6 =	simm.s32 $_tile_overlayer_lowered  }
0x9b: {  	s22 =	simm.s32 $0x1BFF;
	s21 =	sshll.u32 s6, $0x1;
	s3 =	sadd.s32 s4, s19  }
0x9c: {  	s7 =	simm.s32 $0x0;
	s20 =	sshll.u32 s5, $0x1;
	s5 =	sadd.s32 s21, s3  }
0x9d: {  	[timem:s7], [sflag:s22] =	dma.local [hbm:s5], s20  }
0x9e: {  	_ =	swait.ge [sflag:s22], s20  }
0x9f: {  	s4 =	ssub.s32 $0x0, s20;
	[sflag:s22] =	ssyncset.done $0x0  }
0xa0: {  	[sflag:s22] =	ssyncadd.s32 s4;
	_ =	sdelay $0x1  }
0xa1: {  	s23 =	simm.s32 $0x1B8B  }
0xa2: {  	_ =	swait.ge [sflag:s23], $0x1  }
0xa3: {  	[sflag:s23] =	ssyncset.done $0x0  }
0xa4: {  	s25 =	simm.s32 $0x1B8E;
	s24 =	sld [smem:$0x3FFE];
	[sflag:s23] =	ssyncadd.s32 $0xFFFFFFFF  }
0xa5: {  	s26 =	simm.s32 $execute0_lowered;
	[smem:$0x3FD2] =	sst s25  }
0xa6: {  	s5 =	sshll.u32 s26, $0x1;
	_ =	strace $0x80000046;
	[dreg:$0x1] =	wrdreg $0xFFFFFFFF  }
0xa7: {  	s28 =	simm.s32 $_size_execute0_lowered;
	s3 =	sadd.s32 s3, s5;
	[dreg:$0x0] =	wrdreg $0x0  }
0xa8: {  	s5 =	sshll.u32 s28, $0x1;
	[dreg:$0x2] =	wrdreg s3  }
0xa9: {  	[dreg:$0x3] =	wrdreg s5  }
0xaa: {  	[dreg:$0x4] =	wrdreg $0xC0  }
0xab: {  	_ =	task [dreg:s7], $0x5FFFF  }
0xac: {  	[dreg:$0x1] =	wrdreg $0xFFFFFFFF  }
0xad: {  	[dreg:$0x0] =	wrdreg $0x60  }
0xae: {  	[dreg:$0x2] =	wrdreg s24  }
0xaf: {  	[dreg:$0x3] =	wrdreg s2  }
0xb0: {  	[dreg:$0x4] =	wrdreg $0x9  }
0xb1: {  	_ =	task.clear_ibuf [dreg:s7], $0x5FFFF;
	_ =	strace $0x90000046  }
0xb2: {  	s29 =	simm.s32 $0x9;
	_ =	strace $0x80000048  }
0xb3: {  	_ =	swait.ge [sflag:s29], $0x1  }
0xb4: {  	[sflag:s29] =	ssyncadd.s32 $0xFFFFFFFF  }
0xb5: {  	_ =	strace $0x90000048  }
0xb6: {  	_ =	sfence  }
0xb7: {  	s30 =	sld [smem:$0x0];
	_ =	sdelay $0x2  }
0xb8: {  	s31 =	sshll.u32 s1, $0xD;
	s1 =	sshrl.u32 s1, $0x2  }
0xb9: {  	s3 =	sand.u32 $0x4000, s31;
	s1 =	sadd.s32 s1, s30  }
0xba: {  	s0 =	sor.u32 s3, s0;
	s1 =	sshll.u32 s1, $0x11  }
0xbb: {  	s0 =	sor.u32 s1, s0  }
0xbc: {  	s0 =	sadd.s32 $0x8F2B, s0  }
0xbd: {  	[sflag:s0] =	ssyncadd.remote.s32 $0x1  }
0xbe: {  	_ =	sfence.sel $0xFFFF  }
0xbf: {  	[dreg:$0x0] =	wrdreg $0xFFFFFFFF;
	(pc) =	sbr.abs _section_cstart, $3  }
0xc0: {  	[dreg:$0x1] =	wrdreg $0xFFFFFFFF  }
0xc1: {  	_ =	task.clear_ibuf [dreg:s7], $0x2FFFF;
	_ =	strace $0x9FFFFFFF  }
0xc2: {  	(tm) =	ssettm $0x7FFFFFFF  }
0xc3: {  	_ =	shalt  }
tec
execute0_lowered:
.L_overlay_start_1:
0x0: {  	(tag) =	ssettag $0x1  }
0x1: {  	s0 =	rddreg [dreg:$0x0]  }
0x2: {  	s1 =	srdreg.scid;
	s3 =	stileid.u32  }
0x3: {  	s2 =	rddreg [dreg:$0x1];
	s23 =	simm.s32 $0x1;
	s18 =	simm.s32 $0x10800  }
0x4: {  	s19 =	simm.s32 $0x10C00;
	s20 =	simm.s32 $0x11000;
	s21 =	simm.s32 $0x11400  }
0x5: {  	s22 =	simm.s32 $0x11800;
	s14 =	simm.s32 $0x12000;
	s15 =	simm.s32 $0x3  }
0x6: {  	s16 =	simm.s32 $0x5;
	s24 =	simm.s32 $0x4;
	s25 =	simm.s32 $0x6  }
0x7: {  	s17 =	simm.s32 $0x0;
	s1 =	sand.u32 $0x1, s1;
	s4 =	sshll.u32 s3, $0x1  }
0x8: {  	s3 =	simm.s32 $0x0;
	s7 =	sadd.s32 $0x4000, s2;
	s8 =	sadd.s32 $0x8000, s2  }
0x9: {  	s9 =	sadd.s32 $0xC000, s2;
	s10 =	sadd.s32 $0x10000, s2;
	s5 =	sor.u32 s1, s4  }
0xa: {  	s11 =	sadd.s32 $0x14000, s2;
	s12 =	sadd.s32 $0x18000, s2;
	s4 =	smul.u32 $0xC80, s5  }
0xb: {  	s13 =	sadd.s32 $0x1C000, s2;
	[smem:$0x7FF] =	sst s3;
	s1 =	ssub.s32 $0x2, s1  }
0xc: {  	_ =	strace $0x80000047;
	s30 =	sshrl.u32 s1, $0x1;
	s6 =	sadd.s32 s4, s0  }
0xd: {  	s4 =	sadd.s32 $0xF42A00, s0;
	s0 =	ssub.s32 s1, s30;
	s31 =	sadd.s32 $0x600, s6  }
0xe: {  	s5 =	smul.u32 $0xC8, s5;
	s0 =	smax.u32 s0, $0x1;
	[dreg:$0x3] =	wrdreg s31  }
0xf: {  	s6 =	simm.s32 $0x11C00;
	[dreg:$0x4] =	wrdreg s0;
	s0 =	simm.s32 $0x2  }
.LBB2_1:
0x10: {  	[dreg:$0x5] =	wrdreg s17  }
0x11: {  	s1 =	rddreg [dreg:$0x3];
	s17 =	simm.s32 $0x7  }
0x12: {  	[tilespmem:s3], [sflag:$0x7] =	stream.linear.gather [hbm4b:s1+s3], $0x6400, $0x38;
	[tilespmem:$0x12400] =	vst v63  }
0x13: {  	_ =	swait.ge [sflag:s17], $0x6400  }
0x14: {  	[sflag:s17] =	ssyncset.done $0x0  }
0x15: {  	s26 =	simm.s32 $0x6400;
	s1 =	simm.s32 $0x80;
	[sflag:s17] =	ssyncadd.s32 $0xFFFF9C00  }
0x16: {  	[tilespmem:s26], [sflag:$0x1] =	stream.indirect.gather [hbm4b:s4+s1], $0x40, s3, s1, $0xb8;
	[tilespmem:$0x12400] =	vst v63  }
0x17: {  	s28 =	simm.s32 $0x8400  }
0x18: {  	[tilespmem:s28], [sflag:$0x2] =	stream.indirect.gather [hbm4b:s4+s1], $0x40, s1, s1, $0xb8;
	[tilespmem:$0x12400] =	vst v63  }
0x19: {  	s29 =	simm.s32 $0x100;
	s26 =	simm.s32 $0xA400  }
0x1a: {  	[tilespmem:s26], [sflag:$0x3] =	stream.indirect.gather [hbm4b:s4+s1], $0x40, s29, s1, $0xb8;
	[tilespmem:$0x12400] =	vst v63  }
0x1b: {  	s30 =	simm.s32 $0x180;
	s31 =	simm.s32 $0xC400;
	s26 =	simm.s32 $0x0  }
0x1c: {  	[tilespmem:s31], [sflag:$0x4] =	stream.indirect.gather [hbm4b:s4+s1], $0x40, s30, s1, $0xb8;
	[tilespmem:$0x12400] =	vst v63  }
.LBB2_2:
0x1d: {  	_ =	swait.ge [sflag:s23], $0x2000  }
0x1e: {  	p1 =	seq.s32 s26, $0x0;
	[sflag:s23] =	ssyncset.done $0x0  }
0x1f: {  	s1 =	simm.s32 @!p1 $0x5;
	[sflag:s23] =	ssyncadd.s32 $0xFFFFE000  }
0x20: {  	_ =	swait.ge @!p1 [sflag:s1], $0x400  }
0x21: {  	[sflag:s1] =	ssyncset.done @!p1 $0x0  }
0x22: {  	[sflag:s1] =	ssyncadd.s32 @!p1 $0xFFFFFC00  }
0x23: {  	_ =	swait.ge @!p1 [sflag:s1], $0x400  }
0x24: {  	[sflag:s1] =	ssyncset.done @!p1 $0x0  }
0x25: {  	[sflag:s1] =	ssyncadd.s32 @!p1 $0xFFFFFC00  }
0x26: {  	_ =	swait.ge @!p1 [sflag:s1], $0x400  }
0x27: {  	[sflag:s1] =	ssyncset.done @!p1 $0x0  }
0x28: {  	[sflag:s1] =	ssyncadd.s32 @!p1 $0xFFFFFC00  }
0x29: {  	_ =	swait.ge @!p1 [sflag:s1], $0x400  }
0x2a: {  	[sflag:s1] =	ssyncset.done @!p1 $0x0  }
0x2b: {  	[sflag:s1] =	ssyncadd.s32 @!p1 $0xFFFFFC00  }
0x2c: {  	_ =	swait.ge @!p1 [sflag:s1], $0x400  }
0x2d: {  	[sflag:s1] =	ssyncset.done @!p1 $0x0  }
0x2e: {  	[sflag:s1] =	ssyncadd.s32 @!p1 $0xFFFFFC00  }
0x2f: {  	_ =	swait.ge @!p1 [sflag:s1], $0x400  }
0x30: {  	[sflag:s1] =	ssyncset.done @!p1 $0x0  }
0x31: {  	[sflag:s1] =	ssyncadd.s32 @!p1 $0xFFFFFC00  }
0x32: {  	_ =	swait.ge @!p1 [sflag:s1], $0x400  }
0x33: {  	[sflag:s1] =	ssyncset.done @!p1 $0x0  }
0x34: {  	[sflag:s1] =	ssyncadd.s32 @!p1 $0xFFFFFC00  }
0x35: {  	_ =	swait.ge @!p1 [sflag:s1], $0x400  }
0x36: {  	[sflag:s1] =	ssyncset.done @!p1 $0x0  }
0x37: {  	s17 =	simm.s32 $0x6500;
	[sflag:s1] =	ssyncadd.s32 @!p1 $0xFFFFFC00  }
0x38: {  	v0 =	vld [tilespmem:s17+$0xC0]  }
0x39: {  	v1 =	vld [tilespmem:s17+$0xFFFFFF40]  }
0x3a: {  	v2 =	vld [tilespmem:s17+$0xFFFFFF80]  }
0x3b: {  	v3 =	vld [tilespmem:s17+$0xFFFFFFC0]  }
0x3c: {  	s30 =	simm.s32 $0xE600;
	v4 =	vld [tilespmem:s17+$0x0]  }
0x3d: {  	v5 =	vld [tilespmem:s17+$0x40];
	[tilespmem:s30+$0x180] =	vst v0  }
0x3e: {  	[tilespmem:s30+$0xFFFFFE80] =	vst v1;
	v1 =	vld [tilespmem:s17+$0x80]  }
0x3f: {  	[tilespmem:s30+$0xFFFFFF00] =	vst v2;
	v2 =	vld [tilespmem:s17+$0xFFFFFF00]  }
0x40: {  	[tilespmem:s30+$0xFFFFFF80] =	vst v3;
	v0 =	vld [tilespmem:s17+$0xD0]  }
0x41: {  	[tilespmem:s30+$0x0] =	vst v4;
	v3 =	vld [tilespmem:s17+$0xFFFFFF50]  }
0x42: {  	[tilespmem:s30+$0x80] =	vst v5;
	v4 =	vld [tilespmem:s17+$0xFFFFFF90]  }
0x43: {  	v5 =	vld [tilespmem:s17+$0xFFFFFFD0];
	[tilespmem:s30+$0x100] =	vst v1  }
0x44: {  	[tilespmem:s30+$0xFFFFFE00] =	vst v2;
	v1 =	vld [tilespmem:s17+$0x10]  }
0x45: {  	[tilespmem:s30+$0x190] =	vst v0;
	v2 =	vld [tilespmem:s17+$0xFFFFFF10]  }
0x46: {  	[tilespmem:s30+$0xFFFFFE90] =	vst v3;
	v3 =	vld [tilespmem:s17+$0x50]  }
0x47: {  	[tilespmem:s30+$0xFFFFFF10] =	vst v4;
	v0 =	vld [tilespmem:s17+$0xE0]  }
0x48: {  	[tilespmem:s30+$0xFFFFFF90] =	vst v5;
	v4 =	vld [tilespmem:s17+$0x90]  }
0x49: {  	v5 =	vld [tilespmem:s17+$0xFFFFFF60];
	[tilespmem:s30+$0x10] =	vst v1  }
0x4a: {  	v1 =	vld [tilespmem:s17+$0xFFFFFFA0];
	[tilespmem:s30+$0xFFFFFE10] =	vst v2  }
0x4b: {  	[tilespmem:s30+$0x90] =	vst v3;
	v3 =	vld [tilespmem:s17+$0xFFFFFFE0]  }
0x4c: {  	[tilespmem:s30+$0x1A0] =	vst v0;
	v2 =	vld [tilespmem:s17+$0xFFFFFF20]  }
0x4d: {  	[tilespmem:s30+$0x110] =	vst v4;
	v0 =	vld [tilespmem:s17+$0xF0]  }
0x4e: {  	v4 =	vld [tilespmem:s17+$0x20];
	[tilespmem:s30+$0xFFFFFEA0] =	vst v5  }
0x4f: {  	v5 =	vld [tilespmem:s17+$0x60];
	[tilespmem:s30+$0xFFFFFF20] =	vst v1  }
0x50: {  	v1 =	vld [tilespmem:s17+$0xA0];
	[tilespmem:s30+$0xFFFFFFA0] =	vst v3  }
0x51: {  	v3 =	vld [tilespmem:s17+$0xFFFFFF70];
	[tilespmem:s30+$0xFFFFFE20] =	vst v2  }
0x52: {  	[tilespmem:s30+$0x1B0] =	vst v0;
	v2 =	vld [tilespmem:s17+$0xFFFFFF30]  }
0x53: {  	[tilespmem:s30+$0x20] =	vst v4;
	v0 =	vld [tilespmem:s17+$0xC0]  }
0x54: {  	v4 =	vld [tilespmem:s17+$0xFFFFFFB0];
	[tilespmem:s30+$0xA0] =	vst v5  }
0x55: {  	v5 =	vld [tilespmem:s17+$0xFFFFFFF0];
	[tilespmem:s30+$0x120] =	vst v1  }
0x56: {  	v1 =	vld [tilespmem:s17+$0x30];
	[tilespmem:s30+$0xFFFFFEB0] =	vst v3  }
0x57: {  	v3 =	vld [tilespmem:s17+$0xB0];
	[tilespmem:s30+$0xFFFFFE30] =	vst v2  }
0x58: {  	v2 =	vld [tilespmem:s17+$0x70];
	[tilespmem:s30+$0x1C0] =	vst v0  }
0x59: {  	[tilespmem:s30+$0xFFFFFF30] =	vst v4;
	v0 =	vld [tilespmem:s17+$0xD0]  }
0x5a: {  	[tilespmem:s30+$0xFFFFFFB0] =	vst v5;
	v5 =	vld [tilespmem:s17+$0xFFFFFF40]  }
0x5b: {  	v4 =	vld [tilespmem:s17+$0xFFFFFF00];
	[tilespmem:s30+$0x30] =	vst v1  }
0x5c: {  	v1 =	vld [tilespmem:s17+$0xFFFFFF80];
	[tilespmem:s30+$0x130] =	vst v3  }
0x5d: {  	v3 =	vld [tilespmem:s17+$0x0];
	[tilespmem:s30+$0xB0] =	vst v2  }
0x5e: {  	v2 =	vld [tilespmem:s17+$0xFFFFFFC0];
	[tilespmem:s30+$0x1D0] =	vst v0  }
0x5f: {  	[tilespmem:s30+$0xFFFFFEC0] =	vst v5;
	v0 =	vld [tilespmem:s17+$0xE0]  }
0x60: {  	v5 =	vld [tilespmem:s17+$0x80];
	[tilespmem:s30+$0xFFFFFE40] =	vst v4  }
0x61: {  	v4 =	vld [tilespmem:s17+$0x40];
	[tilespmem:s30+$0xFFFFFF40] =	vst v1  }
0x62: {  	v1 =	vld [tilespmem:s17+$0xFFFFFF10];
	[tilespmem:s30+$0x40] =	vst v3  }
0x63: {  	[tilespmem:s30+$0xFFFFFFC0] =	vst v2;
	v2 =	vld [tilespmem:s17+$0xFFFFFF50]  }
0x64: {  	v3 =	vld [tilespmem:s17+$0xFFFFFF90];
	[tilespmem:s30+$0x1E0] =	vst v0  }
0x65: {  	[tilespmem:s30+$0x140] =	vst v5;
	v0 =	vld [tilespmem:s17+$0xF0]  }
0x66: {  	v5 =	vld [tilespmem:s17+$0x10];
	[tilespmem:s30+$0xC0] =	vst v4  }
0x67: {  	v4 =	vld [tilespmem:s17+$0xFFFFFFD0];
	[tilespmem:s30+$0xFFFFFE50] =	vst v1  }
0x68: {  	v1 =	vld [tilespmem:s17+$0x90];
	[tilespmem:s30+$0xFFFFFED0] =	vst v2  }
0x69: {  	[tilespmem:s30+$0xFFFFFF50] =	vst v3;
	v3 =	vld [tilespmem:s17+$0xFFFFFF60]  }
0x6a: {  	[tilespmem:s30+$0x1F0] =	vst v0;
	v0 =	vld [tilespmem:s17+$0x50]  }
0x6b: {  	[tilespmem:s30+$0x50] =	vst v5;
	v2 =	vld [tilespmem:s17+$0xFFFFFF20]  }
0x6c: {  	v6 =	vld [tilespmem:s17+$0x20];
	[tilespmem:s30+$0xFFFFFFD0] =	vst v4  }
0x6d: {  	v4 =	vld [tilespmem:s17+$0xFFFFFFA0];
	[tilespmem:s30+$0x150] =	vst v1  }
0x6e: {  	v5 =	vld [tilespmem:s17+$0xFFFFFFE0];
	[tilespmem:s30+$0xFFFFFEE0] =	vst v3  }
0x6f: {  	v3 =	vld [tilespmem:s17+$0xA0];
	[tilespmem:s30+$0xD0] =	vst v0  }
0x70: {  	[tilespmem:s30+$0xFFFFFE60] =	vst v2;
	v2 =	vld [tilespmem:s17+$0x60]  }
0x71: {  	[tilespmem:s30+$0x60] =	vst v6;
	v7 =	vld [tilespmem:s17+$0xFFFFFF30]  }
0x72: {  	[tilespmem:s30+$0xFFFFFF60] =	vst v4;
	v4 =	vld [tilespmem:s17+$0xFFFFFF70]  }
0x73: {  	[tilespmem:s30+$0xFFFFFFE0] =	vst v5;
	v0 =	vld [tilespmem:s17+$0xFFFFFFB0]  }
0x74: {  	v1 =	vld [tilespmem:s17+$0xFFFFFFF0];
	[tilespmem:s30+$0x160] =	vst v3  }
0x75: {  	[tilespmem:s30+$0xE0] =	vst v2;
	v2 =	vld [tilespmem:s17+$0x30]  }
0x76: {  	s29 =	sshll.u32 s26, $0x2;
	[tilespmem:s30+$0xFFFFFE70] =	vst v7;
	v3 =	vld [tilespmem:s17+$0x70]  }
0x77: {  	s28 =	simm.s32 $0x0;
	s31 =	sadd.s32 s5, s29;
	s1 =	simm.s32 $0x6700;
	[tilespmem:s30+$0xFFFFFEF0] =	vst v4;
	v4 =	vld [tilespmem:s17+$0xB0]  }
.LBB2_3:
0x78: {  	v5 =	vld [tilespmem:s1+$0xC0];
	s28 =	sadd.s32 $0x8, s28;
	[tilespmem:s30+$0xFFFFFF70] =	vst v0  }
0x79: {  	v0 =	vld [tilespmem:s1+$0xFFFFFF40];
	p0 =	slt.u32 s28, $0x38;
	[tilespmem:s30+$0xFFFFFFF0] =	vst v1  }
0x7a: {  	v1 =	vld [tilespmem:s1+$0xFFFFFF80];
	[tilespmem:s30+$0x70] =	vst v2  }
0x7b: {  	v2 =	vld [tilespmem:s1+$0xFFFFFFC0];
	[tilespmem:s30+$0xF0] =	vst v3  }
0x7c: {  	v3 =	vld [tilespmem:s1+$0x0];
	[tilespmem:s30+$0x170] =	vst v4;
	s30 =	sadd.s32 $0x400, s30  }
0x7d: {  	v4 =	vld [tilespmem:s1+$0x40];
	[tilespmem:s30+$0x180] =	vst v5  }
0x7e: {  	[tilespmem:s30+$0xFFFFFE80] =	vst v0;
	v0 =	vld [tilespmem:s1+$0xD0]  }
0x7f: {  	[tilespmem:s30+$0xFFFFFF00] =	vst v1;
	v1 =	vld [tilespmem:s1+$0x80]  }
0x80: {  	v5 =	vld [tilespmem:s1+$0xFFFFFF00];
	[tilespmem:s30+$0xFFFFFF80] =	vst v2  }
0x81: {  	v2 =	vld [tilespmem:s1+$0xFFFFFF50];
	[tilespmem:s30+$0x0] =	vst v3  }
0x82: {  	v3 =	vld [tilespmem:s1+$0xFFFFFF90];
	[tilespmem:s30+$0x80] =	vst v4  }
0x83: {  	v4 =	vld [tilespmem:s1+$0xFFFFFFD0];
	[tilespmem:s30+$0x190] =	vst v0  }
0x84: {  	[tilespmem:s30+$0x100] =	vst v1;
	v0 =	vld [tilespmem:s1+$0xE0]  }
0x85: {  	[tilespmem:s30+$0xFFFFFE00] =	vst v5;
	v1 =	vld [tilespmem:s1+$0x10]  }
0x86: {  	v5 =	vld [tilespmem:s1+$0xFFFFFF10];
	[tilespmem:s30+$0xFFFFFE90] =	vst v2  }
0x87: {  	[tilespmem:s30+$0xFFFFFF10] =	vst v3;
	v2 =	vld [tilespmem:s1+$0x50]  }
0x88: {  	[tilespmem:s30+$0xFFFFFF90] =	vst v4;
	v3 =	vld [tilespmem:s1+$0x90]  }
0x89: {  	v4 =	vld [tilespmem:s1+$0xFFFFFF60];
	[tilespmem:s30+$0x1A0] =	vst v0  }
0x8a: {  	[tilespmem:s30+$0x10] =	vst v1;
	v0 =	vld [tilespmem:s1+$0xF0]  }
0x8b: {  	[tilespmem:s30+$0xFFFFFE10] =	vst v5;
	v1 =	vld [tilespmem:s1+$0xFFFFFFA0]  }
0x8c: {  	v5 =	vld [tilespmem:s1+$0xFFFFFF20];
	[tilespmem:s30+$0x90] =	vst v2  }
0x8d: {  	v2 =	vld [tilespmem:s1+$0xFFFFFFE0];
	[tilespmem:s30+$0x110] =	vst v3  }
0x8e: {  	[tilespmem:s30+$0xFFFFFEA0] =	vst v4;
	v3 =	vld [tilespmem:s1+$0x20]  }
0x8f: {  	v4 =	vld [tilespmem:s1+$0x60];
	[tilespmem:s30+$0x1B0] =	vst v0  }
0x90: {  	[tilespmem:s30+$0xFFFFFF20] =	vst v1;
	v0 =	vld [tilespmem:s1+$0xC0]  }
0x91: {  	[tilespmem:s30+$0xFFFFFE20] =	vst v5;
	v1 =	vld [tilespmem:s1+$0xA0]  }
0x92: {  	v5 =	vld [tilespmem:s1+$0xFFFFFF30];
	[tilespmem:s30+$0xFFFFFFA0] =	vst v2  }
0x93: {  	v2 =	vld [tilespmem:s1+$0xFFFFFF70];
	[tilespmem:s30+$0x20] =	vst v3  }
0x94: {  	v3 =	vld [tilespmem:s1+$0xFFFFFFB0];
	[tilespmem:s30+$0xA0] =	vst v4  }
0x95: {  	v4 =	vld [tilespmem:s1+$0xFFFFFFF0];
	[tilespmem:s30+$0x1C0] =	vst v0  }
0x96: {  	[tilespmem:s30+$0x120] =	vst v1;
	v0 =	vld [tilespmem:s1+$0xD0]  }
0x97: {  	[tilespmem:s30+$0xFFFFFE30] =	vst v5;
	v1 =	vld [tilespmem:s1+$0x30]  }
0x98: {  	[tilespmem:s30+$0xFFFFFEB0] =	vst v2;
	v2 =	vld [tilespmem:s1+$0x70]  }
0x99: {  	[tilespmem:s30+$0xFFFFFF30] =	vst v3;
	v3 =	vld [tilespmem:s1+$0xB0]  }
0x9a: {  	v5 =	vld [tilespmem:s1+$0xFFFFFF00];
	[tilespmem:s30+$0xFFFFFFB0] =	vst v4  }
0x9b: {  	v4 =	vld [tilespmem:s1+$0xFFFFFF40];
	[tilespmem:s30+$0x1D0] =	vst v0  }
0x9c: {  	[tilespmem:s30+$0x30] =	vst v1;
	v0 =	vld [tilespmem:s1+$0xE0]  }
0x9d: {  	v1 =	vld [tilespmem:s1+$0xFFFFFF80];
	[tilespmem:s30+$0xB0] =	vst v2  }
0x9e: {  	v2 =	vld [tilespmem:s1+$0xFFFFFFC0];
	[tilespmem:s30+$0x130] =	vst v3  }
0x9f: {  	[tilespmem:s30+$0xFFFFFE40] =	vst v5;
	v3 =	vld [tilespmem:s1+$0x0]  }
0xa0: {  	[tilespmem:s30+$0xFFFFFEC0] =	vst v4;
	v4 =	vld [tilespmem:s1+$0x40]  }
0xa1: {  	v5 =	vld [tilespmem:s1+$0x80];
	[tilespmem:s30+$0x1E0] =	vst v0  }
0xa2: {  	[tilespmem:s30+$0xFFFFFF40] =	vst v1;
	v0 =	vld [tilespmem:s1+$0xF0]  }
0xa3: {  	v1 =	vld [tilespmem:s1+$0xFFFFFF10];
	[tilespmem:s30+$0xFFFFFFC0] =	vst v2  }
0xa4: {  	v2 =	vld [tilespmem:s1+$0xFFFFFF50];
	[tilespmem:s30+$0x40] =	vst v3  }
0xa5: {  	v3 =	vld [tilespmem:s1+$0xFFFFFF90];
	[tilespmem:s30+$0xC0] =	vst v4  }
0xa6: {  	v4 =	vld [tilespmem:s1+$0xFFFFFFD0];
	[tilespmem:s30+$0x140] =	vst v5  }
0xa7: {  	v5 =	vld [tilespmem:s1+$0x10];
	[tilespmem:s30+$0x1F0] =	vst v0  }
0xa8: {  	[tilespmem:s30+$0xFFFFFE50] =	vst v1;
	v0 =	vld [tilespmem:s1+$0x50]  }
0xa9: {  	[tilespmem:s30+$0xFFFFFED0] =	vst v2;
	v1 =	vld [tilespmem:s1+$0x90]  }
0xaa: {  	v2 =	vld [tilespmem:s1+$0xFFFFFF20];
	[tilespmem:s30+$0xFFFFFF50] =	vst v3  }
0xab: {  	v3 =	vld [tilespmem:s1+$0xFFFFFF60];
	[tilespmem:s30+$0xFFFFFFD0] =	vst v4  }
0xac: {  	v4 =	vld [tilespmem:s1+$0xFFFFFFA0];
	[tilespmem:s30+$0x50] =	vst v5  }
0xad: {  	v5 =	vld [tilespmem:s1+$0xFFFFFFE0];
	[tilespmem:s30+$0xD0] =	vst v0  }
0xae: {  	v6 =	vld [tilespmem:s1+$0x20];
	[tilespmem:s30+$0x150] =	vst v1  }
0xaf: {  	[tilespmem:s30+$0xFFFFFE60] =	vst v2;
	v2 =	vld [tilespmem:s1+$0x60]  }
0xb0: {  	[tilespmem:s30+$0xFFFFFEE0] =	vst v3;
	v3 =	vld [tilespmem:s1+$0xA0]  }
0xb1: {  	v7 =	vld [tilespmem:s1+$0xFFFFFF30];
	[tilespmem:s30+$0xFFFFFF60] =	vst v4  }
0xb2: {  	v4 =	vld [tilespmem:s1+$0xFFFFFF70];
	[tilespmem:s30+$0xFFFFFFE0] =	vst v5  }
.Ltmp0:
0xb3: {  	v0 =	vld [tilespmem:s1+$0xFFFFFFB0];
	[tilespmem:s30+$0x60] =	vst v6;
	(pc) =	sbr.rel @p0 .LBB2_3-.Ltmp0, $4  }
0xb4: {  	v1 =	vld [tilespmem:s1+$0xFFFFFFF0];
	[tilespmem:s30+$0xE0] =	vst v2  }
0xb5: {  	v2 =	vld [tilespmem:s1+$0x30];
	[tilespmem:s30+$0x160] =	vst v3  }
0xb6: {  	[tilespmem:s30+$0xFFFFFE70] =	vst v7;
	v3 =	vld [tilespmem:s1+$0x70]  }
0xb7: {  	[tilespmem:s30+$0xFFFFFEF0] =	vst v4;
	v4 =	vld [tilespmem:s1+$0xB0];
	s1 =	sadd.s32 $0x200, s1  }
0xb8: {  	[tilespmem:s30+$0xFFFFFF70] =	vst v0  }
0xb9: {  	p0 =	seq.s32 s26, $0x31;
	[tilespmem:s30+$0xFFFFFFF0] =	vst v1  }
0xba: {  	s1 =	sshll.u32 @!p0 s26, $0x9;
	[tilespmem:s30+$0x70] =	vst v2  }
0xbb: {  	s28 =	sand.u32 @!p0 $0x3FFFFE00, s1;
	[tilespmem:s30+$0xF0] =	vst v3  }
0xbc: {  	s17 =	simm.s32 @!p0 $0x80;
	s1 =	sadd.s32 @!p0 $0x200, s28;
	[tilespmem:s30+$0x170] =	vst v4;
	s30 =	simm.s32 @!p0 $0x6400  }
0xbd: {  	[tilespmem:s30], [sflag:$0x1] =	stream.indirect.gather @!p0 [hbm4b:s4+s17], $0x40, s1, s17, $0xb8;
	[tilespmem:$0x12400] =	vst v63  }
0xbe: {  	s1 =	sshll.u32 s31, $0xA;
	s17 =	sshll.u32 s31, $0x7  }
0xbf: {  	s1 =	sand.u32 $0xFFE0000, s1;
	s17 =	sand.u32 $0x3E00, s17  }
0xc0: {  	s1 =	sor.u32 s17, s1  }
0xc1: {  	s30 =	simm.s32 $0xE400;
	s17 =	sadd.s32 s2, s1  }
0xc2: {  	[hbm4b:s17+s3] =	stream.linear.scatter [tilespmem:s30], [sflag:$0x5], $0x400, $0x38;
	[tilespmem:$0x12400] =	vst v63  }
0xc3: {  	s17 =	sadd.s32 s1, s7;
	s30 =	simm.s32 $0xE800  }
0xc4: {  	[hbm4b:s17+s3] =	stream.linear.scatter [tilespmem:s30], [sflag:$0x5], $0x400, $0x38;
	[tilespmem:$0x12400] =	vst v63  }
0xc5: {  	s17 =	sadd.s32 s1, s8;
	s30 =	simm.s32 $0xEC00  }
0xc6: {  	[hbm4b:s17+s3] =	stream.linear.scatter [tilespmem:s30], [sflag:$0x5], $0x400, $0x38;
	[tilespmem:$0x12400] =	vst v63  }
0xc7: {  	s17 =	sadd.s32 s1, s9;
	s30 =	simm.s32 $0xF000  }
0xc8: {  	[hbm4b:s17+s3] =	stream.linear.scatter [tilespmem:s30], [sflag:$0x5], $0x400, $0x38;
	[tilespmem:$0x12400] =	vst v63  }
0xc9: {  	s17 =	sadd.s32 s1, s10;
	s30 =	simm.s32 $0xF400  }
0xca: {  	[hbm4b:s17+s3] =	stream.linear.scatter [tilespmem:s30], [sflag:$0x5], $0x400, $0x38;
	[tilespmem:$0x12400] =	vst v63  }
0xcb: {  	s17 =	sadd.s32 s1, s11;
	s30 =	simm.s32 $0xF800  }
0xcc: {  	[hbm4b:s17+s3] =	stream.linear.scatter [tilespmem:s30], [sflag:$0x5], $0x400, $0x38;
	[tilespmem:$0x12400] =	vst v63  }
0xcd: {  	s17 =	sadd.s32 s1, s12;
	s30 =	simm.s32 $0xFC00  }
0xce: {  	[hbm4b:s17+s3] =	stream.linear.scatter [tilespmem:s30], [sflag:$0x5], $0x400, $0x38;
	[tilespmem:$0x12400] =	vst v63  }
0xcf: {  	s1 =	sadd.s32 s1, s13;
	s17 =	simm.s32 $0x10000  }
0xd0: {  	[hbm4b:s1+s3] =	stream.linear.scatter [tilespmem:s17], [sflag:$0x5], $0x400, $0x38;
	[tilespmem:$0x12400] =	vst v63  }
0xd1: {  	_ =	swait.ge [sflag:s0], $0x2000  }
0xd2: {  	[sflag:s0] =	ssyncset.done $0x0  }
0xd3: {  	s1 =	simm.s32 @!p1 $0x6;
	[sflag:s0] =	ssyncadd.s32 $0xFFFFE000  }
0xd4: {  	_ =	swait.ge @!p1 [sflag:s1], $0x400  }
0xd5: {  	[sflag:s1] =	ssyncset.done @!p1 $0x0  }
0xd6: {  	[sflag:s1] =	ssyncadd.s32 @!p1 $0xFFFFFC00  }
0xd7: {  	_ =	swait.ge @!p1 [sflag:s1], $0x400  }
0xd8: {  	[sflag:s1] =	ssyncset.done @!p1 $0x0  }
0xd9: {  	[sflag:s1] =	ssyncadd.s32 @!p1 $0xFFFFFC00  }
0xda: {  	_ =	swait.ge @!p1 [sflag:s1], $0x400  }
0xdb: {  	[sflag:s1] =	ssyncset.done @!p1 $0x0  }
0xdc: {  	[sflag:s1] =	ssyncadd.s32 @!p1 $0xFFFFFC00  }
0xdd: {  	_ =	swait.ge @!p1 [sflag:s1], $0x400  }
0xde: {  	[sflag:s1] =	ssyncset.done @!p1 $0x0  }
0xdf: {  	[sflag:s1] =	ssyncadd.s32 @!p1 $0xFFFFFC00  }
0xe0: {  	_ =	swait.ge @!p1 [sflag:s1], $0x400  }
0xe1: {  	[sflag:s1] =	ssyncset.done @!p1 $0x0  }
0xe2: {  	[sflag:s1] =	ssyncadd.s32 @!p1 $0xFFFFFC00  }
0xe3: {  	_ =	swait.ge @!p1 [sflag:s1], $0x400  }
0xe4: {  	[sflag:s1] =	ssyncset.done @!p1 $0x0  }
0xe5: {  	[sflag:s1] =	ssyncadd.s32 @!p1 $0xFFFFFC00  }
0xe6: {  	_ =	swait.ge @!p1 [sflag:s1], $0x400  }
0xe7: {  	[sflag:s1] =	ssyncset.done @!p1 $0x0  }
0xe8: {  	[sflag:s1] =	ssyncadd.s32 @!p1 $0xFFFFFC00  }
0xe9: {  	_ =	swait.ge @!p1 [sflag:s1], $0x400  }
0xea: {  	[sflag:s1] =	ssyncset.done @!p1 $0x0  }
0xeb: {  	s17 =	simm.s32 $0x8500;
	[sflag:s1] =	ssyncadd.s32 @!p1 $0xFFFFFC00  }
0xec: {  	v0 =	vld [tilespmem:s17+$0xC0]  }
0xed: {  	v1 =	vld [tilespmem:s17+$0xFFFFFF40]  }
0xee: {  	v2 =	vld [tilespmem:s17+$0xFFFFFF80]  }
0xef: {  	v3 =	vld [tilespmem:s17+$0xFFFFFFC0]  }
0xf0: {  	s30 =	simm.s32 $0x10600;
	v4 =	vld [tilespmem:s17+$0x0]  }
0xf1: {  	v5 =	vld [tilespmem:s17+$0x40];
	[tilespmem:s30+$0x180] =	vst v0  }
0xf2: {  	[tilespmem:s30+$0xFFFFFE80] =	vst v1;
	v1 =	vld [tilespmem:s17+$0x80]  }
0xf3: {  	[tilespmem:s30+$0xFFFFFF00] =	vst v2;
	v2 =	vld [tilespmem:s17+$0xFFFFFF00]  }
0xf4: {  	[tilespmem:s30+$0xFFFFFF80] =	vst v3;
	v0 =	vld [tilespmem:s17+$0xD0]  }
0xf5: {  	[tilespmem:s30+$0x0] =	vst v4;
	v3 =	vld [tilespmem:s17+$0xFFFFFF50]  }
0xf6: {  	[tilespmem:s30+$0x80] =	vst v5;
	v4 =	vld [tilespmem:s17+$0xFFFFFF90]  }
0xf7: {  	v5 =	vld [tilespmem:s17+$0xFFFFFFD0];
	[tilespmem:s30+$0x100] =	vst v1  }
0xf8: {  	[tilespmem:s30+$0xFFFFFE00] =	vst v2;
	v1 =	vld [tilespmem:s17+$0x10]  }
0xf9: {  	[tilespmem:s30+$0x190] =	vst v0;
	v2 =	vld [tilespmem:s17+$0xFFFFFF10]  }
0xfa: {  	[tilespmem:s30+$0xFFFFFE90] =	vst v3;
	v3 =	vld [tilespmem:s17+$0x50]  }
0xfb: {  	[tilespmem:s30+$0xFFFFFF10] =	vst v4;
	v0 =	vld [tilespmem:s17+$0xE0]  }
0xfc: {  	[tilespmem:s30+$0xFFFFFF90] =	vst v5;
	v4 =	vld [tilespmem:s17+$0x90]  }
0xfd: {  	v5 =	vld [tilespmem:s17+$0xFFFFFF60];
	[tilespmem:s30+$0x10] =	vst v1  }
0xfe: {  	v1 =	vld [tilespmem:s17+$0xFFFFFFA0];
	[tilespmem:s30+$0xFFFFFE10] =	vst v2  }
0xff: {  	[tilespmem:s30+$0x90] =	vst v3;
	v3 =	vld [tilespmem:s17+$0xFFFFFFE0]  }
0x100: {  	[tilespmem:s30+$0x1A0] =	vst v0;
	v2 =	vld [tilespmem:s17+$0xFFFFFF20]  }
0x101: {  	[tilespmem:s30+$0x110] =	vst v4;
	v0 =	vld [tilespmem:s17+$0xF0]  }
0x102: {  	v4 =	vld [tilespmem:s17+$0x20];
	[tilespmem:s30+$0xFFFFFEA0] =	vst v5  }
0x103: {  	v5 =	vld [tilespmem:s17+$0x60];
	[tilespmem:s30+$0xFFFFFF20] =	vst v1  }
0x104: {  	v1 =	vld [tilespmem:s17+$0xA0];
	[tilespmem:s30+$0xFFFFFFA0] =	vst v3  }
0x105: {  	v3 =	vld [tilespmem:s17+$0xFFFFFF70];
	[tilespmem:s30+$0xFFFFFE20] =	vst v2  }
0x106: {  	[tilespmem:s30+$0x1B0] =	vst v0;
	v2 =	vld [tilespmem:s17+$0xFFFFFF30]  }
0x107: {  	[tilespmem:s30+$0x20] =	vst v4;
	v0 =	vld [tilespmem:s17+$0xC0]  }
0x108: {  	v4 =	vld [tilespmem:s17+$0xFFFFFFB0];
	[tilespmem:s30+$0xA0] =	vst v5  }
0x109: {  	v5 =	vld [tilespmem:s17+$0xFFFFFFF0];
	[tilespmem:s30+$0x120] =	vst v1  }
0x10a: {  	v1 =	vld [tilespmem:s17+$0x30];
	[tilespmem:s30+$0xFFFFFEB0] =	vst v3  }
0x10b: {  	v3 =	vld [tilespmem:s17+$0xB0];
	[tilespmem:s30+$0xFFFFFE30] =	vst v2  }
0x10c: {  	v2 =	vld [tilespmem:s17+$0x70];
	[tilespmem:s30+$0x1C0] =	vst v0  }
0x10d: {  	[tilespmem:s30+$0xFFFFFF30] =	vst v4;
	v0 =	vld [tilespmem:s17+$0xD0]  }
0x10e: {  	[tilespmem:s30+$0xFFFFFFB0] =	vst v5;
	v5 =	vld [tilespmem:s17+$0xFFFFFF40]  }
0x10f: {  	v4 =	vld [tilespmem:s17+$0xFFFFFF00];
	[tilespmem:s30+$0x30] =	vst v1  }
0x110: {  	v1 =	vld [tilespmem:s17+$0xFFFFFF80];
	[tilespmem:s30+$0x130] =	vst v3  }
0x111: {  	v3 =	vld [tilespmem:s17+$0x0];
	[tilespmem:s30+$0xB0] =	vst v2  }
0x112: {  	v2 =	vld [tilespmem:s17+$0xFFFFFFC0];
	[tilespmem:s30+$0x1D0] =	vst v0  }
0x113: {  	[tilespmem:s30+$0xFFFFFEC0] =	vst v5;
	v0 =	vld [tilespmem:s17+$0xE0]  }
0x114: {  	v5 =	vld [tilespmem:s17+$0x80];
	[tilespmem:s30+$0xFFFFFE40] =	vst v4  }
0x115: {  	v4 =	vld [tilespmem:s17+$0x40];
	[tilespmem:s30+$0xFFFFFF40] =	vst v1  }
0x116: {  	v1 =	vld [tilespmem:s17+$0xFFFFFF10];
	[tilespmem:s30+$0x40] =	vst v3  }
0x117: {  	[tilespmem:s30+$0xFFFFFFC0] =	vst v2;
	v2 =	vld [tilespmem:s17+$0xFFFFFF50]  }
0x118: {  	v3 =	vld [tilespmem:s17+$0xFFFFFF90];
	[tilespmem:s30+$0x1E0] =	vst v0  }
0x119: {  	[tilespmem:s30+$0x140] =	vst v5;
	v0 =	vld [tilespmem:s17+$0xF0]  }
0x11a: {  	v5 =	vld [tilespmem:s17+$0x10];
	[tilespmem:s30+$0xC0] =	vst v4  }
0x11b: {  	v4 =	vld [tilespmem:s17+$0xFFFFFFD0];
	[tilespmem:s30+$0xFFFFFE50] =	vst v1  }
0x11c: {  	v1 =	vld [tilespmem:s17+$0x90];
	[tilespmem:s30+$0xFFFFFED0] =	vst v2  }
0x11d: {  	[tilespmem:s30+$0xFFFFFF50] =	vst v3;
	v3 =	vld [tilespmem:s17+$0xFFFFFF60]  }
0x11e: {  	[tilespmem:s30+$0x1F0] =	vst v0;
	v0 =	vld [tilespmem:s17+$0x50]  }
0x11f: {  	[tilespmem:s30+$0x50] =	vst v5;
	v2 =	vld [tilespmem:s17+$0xFFFFFF20]  }
0x120: {  	v6 =	vld [tilespmem:s17+$0x20];
	[tilespmem:s30+$0xFFFFFFD0] =	vst v4  }
0x121: {  	v4 =	vld [tilespmem:s17+$0xFFFFFFA0];
	[tilespmem:s30+$0x150] =	vst v1  }
0x122: {  	v5 =	vld [tilespmem:s17+$0xFFFFFFE0];
	[tilespmem:s30+$0xFFFFFEE0] =	vst v3  }
0x123: {  	v3 =	vld [tilespmem:s17+$0xA0];
	[tilespmem:s30+$0xD0] =	vst v0  }
0x124: {  	[tilespmem:s30+$0xFFFFFE60] =	vst v2;
	v2 =	vld [tilespmem:s17+$0x60]  }
0x125: {  	[tilespmem:s30+$0x60] =	vst v6;
	v7 =	vld [tilespmem:s17+$0xFFFFFF30]  }
0x126: {  	[tilespmem:s30+$0xFFFFFF60] =	vst v4;
	v4 =	vld [tilespmem:s17+$0xFFFFFF70]  }
0x127: {  	[tilespmem:s30+$0xFFFFFFE0] =	vst v5;
	v0 =	vld [tilespmem:s17+$0xFFFFFFB0]  }
0x128: {  	v1 =	vld [tilespmem:s17+$0xFFFFFFF0];
	[tilespmem:s30+$0x160] =	vst v3  }
0x129: {  	[tilespmem:s30+$0xE0] =	vst v2;
	v2 =	vld [tilespmem:s17+$0x30]  }
0x12a: {  	s29 =	sadd.s32 s29, s5;
	[tilespmem:s30+$0xFFFFFE70] =	vst v7;
	v3 =	vld [tilespmem:s17+$0x70]  }
0x12b: {  	s31 =	sadd.s32 $0x1, s29;
	s1 =	simm.s32 $0x0;
	[tilespmem:s30+$0xFFFFFEF0] =	vst v4;
	v4 =	vld [tilespmem:s17+$0xB0];
	s17 =	simm.s32 $0x8700  }
.LBB2_5:
0x12c: {  	v5 =	vld [tilespmem:s17+$0xC0];
	s1 =	sadd.s32 $0x8, s1;
	[tilespmem:s30+$0xFFFFFF70] =	vst v0  }
0x12d: {  	v0 =	vld [tilespmem:s17+$0xFFFFFF40];
	p1 =	slt.u32 s1, $0x38;
	[tilespmem:s30+$0xFFFFFFF0] =	vst v1  }
0x12e: {  	v1 =	vld [tilespmem:s17+$0xFFFFFF80];
	[tilespmem:s30+$0x70] =	vst v2  }
0x12f: {  	v2 =	vld [tilespmem:s17+$0xFFFFFFC0];
	[tilespmem:s30+$0xF0] =	vst v3  }
0x130: {  	v3 =	vld [tilespmem:s17+$0x0];
	[tilespmem:s30+$0x170] =	vst v4;
	s30 =	sadd.s32 $0x400, s30  }
0x131: {  	v4 =	vld [tilespmem:s17+$0x40];
	[tilespmem:s30+$0x180] =	vst v5  }
0x132: {  	[tilespmem:s30+$0xFFFFFE80] =	vst v0;
	v0 =	vld [tilespmem:s17+$0xD0]  }
0x133: {  	[tilespmem:s30+$0xFFFFFF00] =	vst v1;
	v1 =	vld [tilespmem:s17+$0x80]  }
0x134: {  	v5 =	vld [tilespmem:s17+$0xFFFFFF00];
	[tilespmem:s30+$0xFFFFFF80] =	vst v2  }
0x135: {  	v2 =	vld [tilespmem:s17+$0xFFFFFF50];
	[tilespmem:s30+$0x0] =	vst v3  }
0x136: {  	v3 =	vld [tilespmem:s17+$0xFFFFFF90];
	[tilespmem:s30+$0x80] =	vst v4  }
0x137: {  	v4 =	vld [tilespmem:s17+$0xFFFFFFD0];
	[tilespmem:s30+$0x190] =	vst v0  }
0x138: {  	[tilespmem:s30+$0x100] =	vst v1;
	v0 =	vld [tilespmem:s17+$0xE0]  }
0x139: {  	[tilespmem:s30+$0xFFFFFE00] =	vst v5;
	v1 =	vld [tilespmem:s17+$0x10]  }
0x13a: {  	v5 =	vld [tilespmem:s17+$0xFFFFFF10];
	[tilespmem:s30+$0xFFFFFE90] =	vst v2  }
0x13b: {  	[tilespmem:s30+$0xFFFFFF10] =	vst v3;
	v2 =	vld [tilespmem:s17+$0x50]  }
0x13c: {  	[tilespmem:s30+$0xFFFFFF90] =	vst v4;
	v3 =	vld [tilespmem:s17+$0x90]  }
0x13d: {  	v4 =	vld [tilespmem:s17+$0xFFFFFF60];
	[tilespmem:s30+$0x1A0] =	vst v0  }
0x13e: {  	[tilespmem:s30+$0x10] =	vst v1;
	v0 =	vld [tilespmem:s17+$0xF0]  }
0x13f: {  	[tilespmem:s30+$0xFFFFFE10] =	vst v5;
	v1 =	vld [tilespmem:s17+$0xFFFFFFA0]  }
0x140: {  	v5 =	vld [tilespmem:s17+$0xFFFFFF20];
	[tilespmem:s30+$0x90] =	vst v2  }
0x141: {  	v2 =	vld [tilespmem:s17+$0xFFFFFFE0];
	[tilespmem:s30+$0x110] =	vst v3  }
0x142: {  	[tilespmem:s30+$0xFFFFFEA0] =	vst v4;
	v3 =	vld [tilespmem:s17+$0x20]  }
0x143: {  	v4 =	vld [tilespmem:s17+$0x60];
	[tilespmem:s30+$0x1B0] =	vst v0  }
0x144: {  	[tilespmem:s30+$0xFFFFFF20] =	vst v1;
	v0 =	vld [tilespmem:s17+$0xC0]  }
0x145: {  	[tilespmem:s30+$0xFFFFFE20] =	vst v5;
	v1 =	vld [tilespmem:s17+$0xA0]  }
0x146: {  	v5 =	vld [tilespmem:s17+$0xFFFFFF30];
	[tilespmem:s30+$0xFFFFFFA0] =	vst v2  }
0x147: {  	v2 =	vld [tilespmem:s17+$0xFFFFFF70];
	[tilespmem:s30+$0x20] =	vst v3  }
0x148: {  	v3 =	vld [tilespmem:s17+$0xFFFFFFB0];
	[tilespmem:s30+$0xA0] =	vst v4  }
0x149: {  	v4 =	vld [tilespmem:s17+$0xFFFFFFF0];
	[tilespmem:s30+$0x1C0] =	vst v0  }
0x14a: {  	[tilespmem:s30+$0x120] =	vst v1;
	v0 =	vld [tilespmem:s17+$0xD0]  }
0x14b: {  	[tilespmem:s30+$0xFFFFFE30] =	vst v5;
	v1 =	vld [tilespmem:s17+$0x30]  }
0x14c: {  	[tilespmem:s30+$0xFFFFFEB0] =	vst v2;
	v2 =	vld [tilespmem:s17+$0x70]  }
0x14d: {  	[tilespmem:s30+$0xFFFFFF30] =	vst v3;
	v3 =	vld [tilespmem:s17+$0xB0]  }
0x14e: {  	v5 =	vld [tilespmem:s17+$0xFFFFFF00];
	[tilespmem:s30+$0xFFFFFFB0] =	vst v4  }
0x14f: {  	v4 =	vld [tilespmem:s17+$0xFFFFFF40];
	[tilespmem:s30+$0x1D0] =	vst v0  }
0x150: {  	[tilespmem:s30+$0x30] =	vst v1;
	v0 =	vld [tilespmem:s17+$0xE0]  }
0x151: {  	v1 =	vld [tilespmem:s17+$0xFFFFFF80];
	[tilespmem:s30+$0xB0] =	vst v2  }
0x152: {  	v2 =	vld [tilespmem:s17+$0xFFFFFFC0];
	[tilespmem:s30+$0x130] =	vst v3  }
0x153: {  	[tilespmem:s30+$0xFFFFFE40] =	vst v5;
	v3 =	vld [tilespmem:s17+$0x0]  }
0x154: {  	[tilespmem:s30+$0xFFFFFEC0] =	vst v4;
	v4 =	vld [tilespmem:s17+$0x40]  }
0x155: {  	v5 =	vld [tilespmem:s17+$0x80];
	[tilespmem:s30+$0x1E0] =	vst v0  }
0x156: {  	[tilespmem:s30+$0xFFFFFF40] =	vst v1;
	v0 =	vld [tilespmem:s17+$0xF0]  }
0x157: {  	v1 =	vld [tilespmem:s17+$0xFFFFFF10];
	[tilespmem:s30+$0xFFFFFFC0] =	vst v2  }
0x158: {  	v2 =	vld [tilespmem:s17+$0xFFFFFF50];
	[tilespmem:s30+$0x40] =	vst v3  }
0x159: {  	v3 =	vld [tilespmem:s17+$0xFFFFFF90];
	[tilespmem:s30+$0xC0] =	vst v4  }
0x15a: {  	v4 =	vld [tilespmem:s17+$0xFFFFFFD0];
	[tilespmem:s30+$0x140] =	vst v5  }
0x15b: {  	v5 =	vld [tilespmem:s17+$0x10];
	[tilespmem:s30+$0x1F0] =	vst v0  }
0x15c: {  	[tilespmem:s30+$0xFFFFFE50] =	vst v1;
	v0 =	vld [tilespmem:s17+$0x50]  }
0x15d: {  	[tilespmem:s30+$0xFFFFFED0] =	vst v2;
	v1 =	vld [tilespmem:s17+$0x90]  }
0x15e: {  	v2 =	vld [tilespmem:s17+$0xFFFFFF20];
	[tilespmem:s30+$0xFFFFFF50] =	vst v3  }
0x15f: {  	v3 =	vld [tilespmem:s17+$0xFFFFFF60];
	[tilespmem:s30+$0xFFFFFFD0] =	vst v4  }
0x160: {  	v4 =	vld [tilespmem:s17+$0xFFFFFFA0];
	[tilespmem:s30+$0x50] =	vst v5  }
0x161: {  	v5 =	vld [tilespmem:s17+$0xFFFFFFE0];
	[tilespmem:s30+$0xD0] =	vst v0  }
0x162: {  	v6 =	vld [tilespmem:s17+$0x20];
	[tilespmem:s30+$0x150] =	vst v1  }
0x163: {  	[tilespmem:s30+$0xFFFFFE60] =	vst v2;
	v2 =	vld [tilespmem:s17+$0x60]  }
0x164: {  	[tilespmem:s30+$0xFFFFFEE0] =	vst v3;
	v3 =	vld [tilespmem:s17+$0xA0]  }
0x165: {  	v7 =	vld [tilespmem:s17+$0xFFFFFF30];
	[tilespmem:s30+$0xFFFFFF60] =	vst v4  }
0x166: {  	v4 =	vld [tilespmem:s17+$0xFFFFFF70];
	[tilespmem:s30+$0xFFFFFFE0] =	vst v5  }
.Ltmp1:
0x167: {  	v0 =	vld [tilespmem:s17+$0xFFFFFFB0];
	[tilespmem:s30+$0x60] =	vst v6;
	(pc) =	sbr.rel @p1 .LBB2_5-.Ltmp1, $4  }
0x168: {  	v1 =	vld [tilespmem:s17+$0xFFFFFFF0];
	[tilespmem:s30+$0xE0] =	vst v2  }
0x169: {  	v2 =	vld [tilespmem:s17+$0x30];
	[tilespmem:s30+$0x160] =	vst v3  }
0x16a: {  	[tilespmem:s30+$0xFFFFFE70] =	vst v7;
	v3 =	vld [tilespmem:s17+$0x70]  }
0x16b: {  	[tilespmem:s30+$0xFFFFFEF0] =	vst v4;
	v4 =	vld [tilespmem:s17+$0xB0];
	s17 =	sadd.s32 $0x200, s17  }
0x16c: {  	[tilespmem:s30+$0xFFFFFF70] =	vst v0  }
0x16d: {  	[tilespmem:s30+$0xFFFFFFF0] =	vst v1  }
0x16e: {  	[tilespmem:s30+$0x70] =	vst v2  }
0x16f: {  	[tilespmem:s30+$0xF0] =	vst v3  }
0x170: {  	s1 =	sadd.s32 @!p0 $0x280, s28;
	s17 =	simm.s32 @!p0 $0x80;
	[tilespmem:s30+$0x170] =	vst v4;
	s30 =	simm.s32 @!p0 $0x8400  }
0x171: {  	[tilespmem:s30], [sflag:$0x2] =	stream.indirect.gather @!p0 [hbm4b:s4+s17], $0x40, s1, s17, $0xb8;
	[tilespmem:$0x12400] =	vst v63  }
0x172: {  	s17 =	sshll.u32 s31, $0xA;
	s31 =	sshll.u32 s31, $0x7  }
0x173: {  	s1 =	sand.u32 $0xFFE0000, s17;
	s17 =	sand.u32 $0x3E80, s31  }
0x174: {  	s1 =	sor.u32 s17, s1  }
0x175: {  	s30 =	simm.s32 $0x10400;
	s17 =	sadd.s32 s2, s1  }
0x176: {  	[hbm4b:s17+s3] =	stream.linear.scatter [tilespmem:s30], [sflag:$0x6], $0x400, $0x38;
	[tilespmem:$0x12400] =	vst v63  }
0x177: {  	s31 =	sadd.s32 s1, s7  }
0x178: {  	[hbm4b:s31+s3] =	stream.linear.scatter [tilespmem:s18], [sflag:$0x6], $0x400, $0x38;
	[tilespmem:$0x12400] =	vst v63  }
0x179: {  	s31 =	sadd.s32 s1, s8  }
0x17a: {  	[hbm4b:s31+s3] =	stream.linear.scatter [tilespmem:s19], [sflag:$0x6], $0x400, $0x38;
	[tilespmem:$0x12400] =	vst v63  }
0x17b: {  	s31 =	sadd.s32 s1, s9  }
0x17c: {  	[hbm4b:s31+s3] =	stream.linear.scatter [tilespmem:s20], [sflag:$0x6], $0x400, $0x38;
	[tilespmem:$0x12400] =	vst v63  }
0x17d: {  	s31 =	sadd.s32 s1, s10  }
0x17e: {  	[hbm4b:s31+s3] =	stream.linear.scatter [tilespmem:s21], [sflag:$0x6], $0x400, $0x38;
	[tilespmem:$0x12400] =	vst v63  }
0x17f: {  	s31 =	sadd.s32 s1, s11  }
0x180: {  	[hbm4b:s31+s3] =	stream.linear.scatter [tilespmem:s22], [sflag:$0x6], $0x400, $0x38;
	[tilespmem:$0x12400] =	vst v63  }
0x181: {  	s31 =	sadd.s32 s1, s12  }
0x182: {  	[hbm4b:s31+s3] =	stream.linear.scatter [tilespmem:s6], [sflag:$0x6], $0x400, $0x38;
	[tilespmem:$0x12400] =	vst v63  }
0x183: {  	s1 =	sadd.s32 s1, s13  }
0x184: {  	[hbm4b:s1+s3] =	stream.linear.scatter [tilespmem:s14], [sflag:$0x6], $0x400, $0x38;
	[tilespmem:$0x12400] =	vst v63  }
0x185: {  	_ =	swait.ge [sflag:s15], $0x2000  }
0x186: {  	[sflag:s15] =	ssyncset.done $0x0  }
0x187: {  	[sflag:s15] =	ssyncadd.s32 $0xFFFFE000  }
0x188: {  	_ =	swait.ge [sflag:s16], $0x400  }
0x189: {  	[sflag:s16] =	ssyncset.done $0x0  }
0x18a: {  	[sflag:s16] =	ssyncadd.s32 $0xFFFFFC00  }
0x18b: {  	_ =	swait.ge [sflag:s16], $0x400  }
0x18c: {  	[sflag:s16] =	ssyncset.done $0x0  }
0x18d: {  	[sflag:s16] =	ssyncadd.s32 $0xFFFFFC00  }
0x18e: {  	_ =	swait.ge [sflag:s16], $0x400  }
0x18f: {  	[sflag:s16] =	ssyncset.done $0x0  }
0x190: {  	[sflag:s16] =	ssyncadd.s32 $0xFFFFFC00  }
0x191: {  	_ =	swait.ge [sflag:s16], $0x400  }
0x192: {  	[sflag:s16] =	ssyncset.done $0x0  }
0x193: {  	[sflag:s16] =	ssyncadd.s32 $0xFFFFFC00  }
0x194: {  	_ =	swait.ge [sflag:s16], $0x400  }
0x195: {  	[sflag:s16] =	ssyncset.done $0x0  }
0x196: {  	[sflag:s16] =	ssyncadd.s32 $0xFFFFFC00  }
0x197: {  	_ =	swait.ge [sflag:s16], $0x400  }
0x198: {  	[sflag:s16] =	ssyncset.done $0x0  }
0x199: {  	[sflag:s16] =	ssyncadd.s32 $0xFFFFFC00  }
0x19a: {  	_ =	swait.ge [sflag:s16], $0x400  }
0x19b: {  	[sflag:s16] =	ssyncset.done $0x0  }
0x19c: {  	[sflag:s16] =	ssyncadd.s32 $0xFFFFFC00  }
0x19d: {  	_ =	swait.ge [sflag:s16], $0x400  }
0x19e: {  	[sflag:s16] =	ssyncset.done $0x0  }
0x19f: {  	s31 =	simm.s32 $0xA500;
	[sflag:s16] =	ssyncadd.s32 $0xFFFFFC00  }
0x1a0: {  	v0 =	vld [tilespmem:s31+$0xC0]  }
0x1a1: {  	v1 =	vld [tilespmem:s31+$0xFFFFFF40]  }
0x1a2: {  	v2 =	vld [tilespmem:s31+$0xFFFFFF80]  }
0x1a3: {  	v3 =	vld [tilespmem:s31+$0xFFFFFFC0]  }
0x1a4: {  	s30 =	simm.s32 $0xE600;
	v4 =	vld [tilespmem:s31+$0x0]  }
0x1a5: {  	v5 =	vld [tilespmem:s31+$0x40];
	[tilespmem:s30+$0x180] =	vst v0  }
0x1a6: {  	[tilespmem:s30+$0xFFFFFE80] =	vst v1;
	v1 =	vld [tilespmem:s31+$0x80]  }
0x1a7: {  	[tilespmem:s30+$0xFFFFFF00] =	vst v2;
	v2 =	vld [tilespmem:s31+$0xFFFFFF00]  }
0x1a8: {  	[tilespmem:s30+$0xFFFFFF80] =	vst v3;
	v0 =	vld [tilespmem:s31+$0xD0]  }
0x1a9: {  	[tilespmem:s30+$0x0] =	vst v4;
	v3 =	vld [tilespmem:s31+$0xFFFFFF50]  }
0x1aa: {  	[tilespmem:s30+$0x80] =	vst v5;
	v4 =	vld [tilespmem:s31+$0xFFFFFF90]  }
0x1ab: {  	v5 =	vld [tilespmem:s31+$0xFFFFFFD0];
	[tilespmem:s30+$0x100] =	vst v1  }
0x1ac: {  	[tilespmem:s30+$0xFFFFFE00] =	vst v2;
	v1 =	vld [tilespmem:s31+$0x10]  }
0x1ad: {  	[tilespmem:s30+$0x190] =	vst v0;
	v2 =	vld [tilespmem:s31+$0xFFFFFF10]  }
0x1ae: {  	[tilespmem:s30+$0xFFFFFE90] =	vst v3;
	v3 =	vld [tilespmem:s31+$0x50]  }
0x1af: {  	[tilespmem:s30+$0xFFFFFF10] =	vst v4;
	v0 =	vld [tilespmem:s31+$0xE0]  }
0x1b0: {  	[tilespmem:s30+$0xFFFFFF90] =	vst v5;
	v4 =	vld [tilespmem:s31+$0x90]  }
0x1b1: {  	v5 =	vld [tilespmem:s31+$0xFFFFFF60];
	[tilespmem:s30+$0x10] =	vst v1  }
0x1b2: {  	v1 =	vld [tilespmem:s31+$0xFFFFFFA0];
	[tilespmem:s30+$0xFFFFFE10] =	vst v2  }
0x1b3: {  	[tilespmem:s30+$0x90] =	vst v3;
	v3 =	vld [tilespmem:s31+$0xFFFFFFE0]  }
0x1b4: {  	[tilespmem:s30+$0x1A0] =	vst v0;
	v2 =	vld [tilespmem:s31+$0xFFFFFF20]  }
0x1b5: {  	[tilespmem:s30+$0x110] =	vst v4;
	v0 =	vld [tilespmem:s31+$0xF0]  }
0x1b6: {  	v4 =	vld [tilespmem:s31+$0x20];
	[tilespmem:s30+$0xFFFFFEA0] =	vst v5  }
0x1b7: {  	v5 =	vld [tilespmem:s31+$0x60];
	[tilespmem:s30+$0xFFFFFF20] =	vst v1  }
0x1b8: {  	v1 =	vld [tilespmem:s31+$0xA0];
	[tilespmem:s30+$0xFFFFFFA0] =	vst v3  }
0x1b9: {  	v3 =	vld [tilespmem:s31+$0xFFFFFF70];
	[tilespmem:s30+$0xFFFFFE20] =	vst v2  }
0x1ba: {  	[tilespmem:s30+$0x1B0] =	vst v0;
	v2 =	vld [tilespmem:s31+$0xFFFFFF30]  }
0x1bb: {  	[tilespmem:s30+$0x20] =	vst v4;
	v0 =	vld [tilespmem:s31+$0xC0]  }
0x1bc: {  	v4 =	vld [tilespmem:s31+$0xFFFFFFB0];
	[tilespmem:s30+$0xA0] =	vst v5  }
0x1bd: {  	v5 =	vld [tilespmem:s31+$0xFFFFFFF0];
	[tilespmem:s30+$0x120] =	vst v1  }
0x1be: {  	v1 =	vld [tilespmem:s31+$0x30];
	[tilespmem:s30+$0xFFFFFEB0] =	vst v3  }
0x1bf: {  	v3 =	vld [tilespmem:s31+$0xB0];
	[tilespmem:s30+$0xFFFFFE30] =	vst v2  }
0x1c0: {  	v2 =	vld [tilespmem:s31+$0x70];
	[tilespmem:s30+$0x1C0] =	vst v0  }
0x1c1: {  	[tilespmem:s30+$0xFFFFFF30] =	vst v4;
	v0 =	vld [tilespmem:s31+$0xD0]  }
0x1c2: {  	[tilespmem:s30+$0xFFFFFFB0] =	vst v5;
	v5 =	vld [tilespmem:s31+$0xFFFFFF40]  }
0x1c3: {  	v4 =	vld [tilespmem:s31+$0xFFFFFF00];
	[tilespmem:s30+$0x30] =	vst v1  }
0x1c4: {  	v1 =	vld [tilespmem:s31+$0xFFFFFF80];
	[tilespmem:s30+$0x130] =	vst v3  }
0x1c5: {  	v3 =	vld [tilespmem:s31+$0x0];
	[tilespmem:s30+$0xB0] =	vst v2  }
0x1c6: {  	v2 =	vld [tilespmem:s31+$0xFFFFFFC0];
	[tilespmem:s30+$0x1D0] =	vst v0  }
0x1c7: {  	[tilespmem:s30+$0xFFFFFEC0] =	vst v5;
	v0 =	vld [tilespmem:s31+$0xE0]  }
0x1c8: {  	v5 =	vld [tilespmem:s31+$0x80];
	[tilespmem:s30+$0xFFFFFE40] =	vst v4  }
0x1c9: {  	v4 =	vld [tilespmem:s31+$0x40];
	[tilespmem:s30+$0xFFFFFF40] =	vst v1  }
0x1ca: {  	v1 =	vld [tilespmem:s31+$0xFFFFFF10];
	[tilespmem:s30+$0x40] =	vst v3  }
0x1cb: {  	[tilespmem:s30+$0xFFFFFFC0] =	vst v2;
	v2 =	vld [tilespmem:s31+$0xFFFFFF50]  }
0x1cc: {  	v3 =	vld [tilespmem:s31+$0xFFFFFF90];
	[tilespmem:s30+$0x1E0] =	vst v0  }
0x1cd: {  	[tilespmem:s30+$0x140] =	vst v5;
	v0 =	vld [tilespmem:s31+$0xF0]  }
0x1ce: {  	v5 =	vld [tilespmem:s31+$0x10];
	[tilespmem:s30+$0xC0] =	vst v4  }
0x1cf: {  	v4 =	vld [tilespmem:s31+$0xFFFFFFD0];
	[tilespmem:s30+$0xFFFFFE50] =	vst v1  }
0x1d0: {  	v1 =	vld [tilespmem:s31+$0x90];
	[tilespmem:s30+$0xFFFFFED0] =	vst v2  }
0x1d1: {  	[tilespmem:s30+$0xFFFFFF50] =	vst v3;
	v3 =	vld [tilespmem:s31+$0xFFFFFF60]  }
0x1d2: {  	[tilespmem:s30+$0x1F0] =	vst v0;
	v0 =	vld [tilespmem:s31+$0x50]  }
0x1d3: {  	[tilespmem:s30+$0x50] =	vst v5;
	v2 =	vld [tilespmem:s31+$0xFFFFFF20]  }
0x1d4: {  	v6 =	vld [tilespmem:s31+$0x20];
	[tilespmem:s30+$0xFFFFFFD0] =	vst v4  }
0x1d5: {  	v4 =	vld [tilespmem:s31+$0xFFFFFFA0];
	[tilespmem:s30+$0x150] =	vst v1  }
0x1d6: {  	v5 =	vld [tilespmem:s31+$0xFFFFFFE0];
	[tilespmem:s30+$0xFFFFFEE0] =	vst v3  }
0x1d7: {  	v3 =	vld [tilespmem:s31+$0xA0];
	[tilespmem:s30+$0xD0] =	vst v0  }
0x1d8: {  	[tilespmem:s30+$0xFFFFFE60] =	vst v2;
	v2 =	vld [tilespmem:s31+$0x60]  }
0x1d9: {  	[tilespmem:s30+$0x60] =	vst v6;
	v7 =	vld [tilespmem:s31+$0xFFFFFF30]  }
0x1da: {  	[tilespmem:s30+$0xFFFFFF60] =	vst v4;
	v4 =	vld [tilespmem:s31+$0xFFFFFF70]  }
0x1db: {  	[tilespmem:s30+$0xFFFFFFE0] =	vst v5;
	v0 =	vld [tilespmem:s31+$0xFFFFFFB0]  }
0x1dc: {  	v1 =	vld [tilespmem:s31+$0xFFFFFFF0];
	[tilespmem:s30+$0x160] =	vst v3  }
0x1dd: {  	[tilespmem:s30+$0xE0] =	vst v2;
	v2 =	vld [tilespmem:s31+$0x30]  }
0x1de: {  	[tilespmem:s30+$0xFFFFFE70] =	vst v7;
	v3 =	vld [tilespmem:s31+$0x70]  }
0x1df: {  	s17 =	simm.s32 $0xA700;
	s1 =	simm.s32 $0x0;
	[tilespmem:s30+$0xFFFFFEF0] =	vst v4;
	v4 =	vld [tilespmem:s31+$0xB0]  }
.LBB2_7:
0x1e0: {  	v5 =	vld [tilespmem:s17+$0xC0];
	s1 =	sadd.s32 $0x8, s1;
	[tilespmem:s30+$0xFFFFFF70] =	vst v0  }
0x1e1: {  	v0 =	vld [tilespmem:s17+$0xFFFFFF40];
	p1 =	slt.u32 s1, $0x38;
	[tilespmem:s30+$0xFFFFFFF0] =	vst v1  }
0x1e2: {  	v1 =	vld [tilespmem:s17+$0xFFFFFF80];
	[tilespmem:s30+$0x70] =	vst v2  }
0x1e3: {  	v2 =	vld [tilespmem:s17+$0xFFFFFFC0];
	[tilespmem:s30+$0xF0] =	vst v3  }
0x1e4: {  	v3 =	vld [tilespmem:s17+$0x0];
	[tilespmem:s30+$0x170] =	vst v4;
	s30 =	sadd.s32 $0x400, s30  }
0x1e5: {  	v4 =	vld [tilespmem:s17+$0x40];
	[tilespmem:s30+$0x180] =	vst v5  }
0x1e6: {  	[tilespmem:s30+$0xFFFFFE80] =	vst v0;
	v0 =	vld [tilespmem:s17+$0xD0]  }
0x1e7: {  	[tilespmem:s30+$0xFFFFFF00] =	vst v1;
	v1 =	vld [tilespmem:s17+$0x80]  }
0x1e8: {  	v5 =	vld [tilespmem:s17+$0xFFFFFF00];
	[tilespmem:s30+$0xFFFFFF80] =	vst v2  }
0x1e9: {  	v2 =	vld [tilespmem:s17+$0xFFFFFF50];
	[tilespmem:s30+$0x0] =	vst v3  }
0x1ea: {  	v3 =	vld [tilespmem:s17+$0xFFFFFF90];
	[tilespmem:s30+$0x80] =	vst v4  }
0x1eb: {  	v4 =	vld [tilespmem:s17+$0xFFFFFFD0];
	[tilespmem:s30+$0x190] =	vst v0  }
0x1ec: {  	[tilespmem:s30+$0x100] =	vst v1;
	v0 =	vld [tilespmem:s17+$0xE0]  }
0x1ed: {  	[tilespmem:s30+$0xFFFFFE00] =	vst v5;
	v1 =	vld [tilespmem:s17+$0x10]  }
0x1ee: {  	v5 =	vld [tilespmem:s17+$0xFFFFFF10];
	[tilespmem:s30+$0xFFFFFE90] =	vst v2  }
0x1ef: {  	[tilespmem:s30+$0xFFFFFF10] =	vst v3;
	v2 =	vld [tilespmem:s17+$0x50]  }
0x1f0: {  	[tilespmem:s30+$0xFFFFFF90] =	vst v4;
	v3 =	vld [tilespmem:s17+$0x90]  }
0x1f1: {  	v4 =	vld [tilespmem:s17+$0xFFFFFF60];
	[tilespmem:s30+$0x1A0] =	vst v0  }
0x1f2: {  	[tilespmem:s30+$0x10] =	vst v1;
	v0 =	vld [tilespmem:s17+$0xF0]  }
0x1f3: {  	[tilespmem:s30+$0xFFFFFE10] =	vst v5;
	v1 =	vld [tilespmem:s17+$0xFFFFFFA0]  }
0x1f4: {  	v5 =	vld [tilespmem:s17+$0xFFFFFF20];
	[tilespmem:s30+$0x90] =	vst v2  }
0x1f5: {  	v2 =	vld [tilespmem:s17+$0xFFFFFFE0];
	[tilespmem:s30+$0x110] =	vst v3  }
0x1f6: {  	[tilespmem:s30+$0xFFFFFEA0] =	vst v4;
	v3 =	vld [tilespmem:s17+$0x20]  }
0x1f7: {  	v4 =	vld [tilespmem:s17+$0x60];
	[tilespmem:s30+$0x1B0] =	vst v0  }
0x1f8: {  	[tilespmem:s30+$0xFFFFFF20] =	vst v1;
	v0 =	vld [tilespmem:s17+$0xC0]  }
0x1f9: {  	[tilespmem:s30+$0xFFFFFE20] =	vst v5;
	v1 =	vld [tilespmem:s17+$0xA0]  }
0x1fa: {  	v5 =	vld [tilespmem:s17+$0xFFFFFF30];
	[tilespmem:s30+$0xFFFFFFA0] =	vst v2  }
0x1fb: {  	v2 =	vld [tilespmem:s17+$0xFFFFFF70];
	[tilespmem:s30+$0x20] =	vst v3  }
0x1fc: {  	v3 =	vld [tilespmem:s17+$0xFFFFFFB0];
	[tilespmem:s30+$0xA0] =	vst v4  }
0x1fd: {  	v4 =	vld [tilespmem:s17+$0xFFFFFFF0];
	[tilespmem:s30+$0x1C0] =	vst v0  }
0x1fe: {  	[tilespmem:s30+$0x120] =	vst v1;
	v0 =	vld [tilespmem:s17+$0xD0]  }
0x1ff: {  	[tilespmem:s30+$0xFFFFFE30] =	vst v5;
	v1 =	vld [tilespmem:s17+$0x30]  }
0x200: {  	[tilespmem:s30+$0xFFFFFEB0] =	vst v2;
	v2 =	vld [tilespmem:s17+$0x70]  }
0x201: {  	[tilespmem:s30+$0xFFFFFF30] =	vst v3;
	v3 =	vld [tilespmem:s17+$0xB0]  }
0x202: {  	v5 =	vld [tilespmem:s17+$0xFFFFFF00];
	[tilespmem:s30+$0xFFFFFFB0] =	vst v4  }
0x203: {  	v4 =	vld [tilespmem:s17+$0xFFFFFF40];
	[tilespmem:s30+$0x1D0] =	vst v0  }
0x204: {  	[tilespmem:s30+$0x30] =	vst v1;
	v0 =	vld [tilespmem:s17+$0xE0]  }
0x205: {  	v1 =	vld [tilespmem:s17+$0xFFFFFF80];
	[tilespmem:s30+$0xB0] =	vst v2  }
0x206: {  	v2 =	vld [tilespmem:s17+$0xFFFFFFC0];
	[tilespmem:s30+$0x130] =	vst v3  }
0x207: {  	[tilespmem:s30+$0xFFFFFE40] =	vst v5;
	v3 =	vld [tilespmem:s17+$0x0]  }
0x208: {  	[tilespmem:s30+$0xFFFFFEC0] =	vst v4;
	v4 =	vld [tilespmem:s17+$0x40]  }
0x209: {  	v5 =	vld [tilespmem:s17+$0x80];
	[tilespmem:s30+$0x1E0] =	vst v0  }
0x20a: {  	[tilespmem:s30+$0xFFFFFF40] =	vst v1;
	v0 =	vld [tilespmem:s17+$0xF0]  }
0x20b: {  	v1 =	vld [tilespmem:s17+$0xFFFFFF10];
	[tilespmem:s30+$0xFFFFFFC0] =	vst v2  }
0x20c: {  	v2 =	vld [tilespmem:s17+$0xFFFFFF50];
	[tilespmem:s30+$0x40] =	vst v3  }
0x20d: {  	v3 =	vld [tilespmem:s17+$0xFFFFFF90];
	[tilespmem:s30+$0xC0] =	vst v4  }
0x20e: {  	v4 =	vld [tilespmem:s17+$0xFFFFFFD0];
	[tilespmem:s30+$0x140] =	vst v5  }
0x20f: {  	v5 =	vld [tilespmem:s17+$0x10];
	[tilespmem:s30+$0x1F0] =	vst v0  }
0x210: {  	[tilespmem:s30+$0xFFFFFE50] =	vst v1;
	v0 =	vld [tilespmem:s17+$0x50]  }
0x211: {  	[tilespmem:s30+$0xFFFFFED0] =	vst v2;
	v1 =	vld [tilespmem:s17+$0x90]  }
0x212: {  	v2 =	vld [tilespmem:s17+$0xFFFFFF20];
	[tilespmem:s30+$0xFFFFFF50] =	vst v3  }
0x213: {  	v3 =	vld [tilespmem:s17+$0xFFFFFF60];
	[tilespmem:s30+$0xFFFFFFD0] =	vst v4  }
0x214: {  	v4 =	vld [tilespmem:s17+$0xFFFFFFA0];
	[tilespmem:s30+$0x50] =	vst v5  }
0x215: {  	v5 =	vld [tilespmem:s17+$0xFFFFFFE0];
	[tilespmem:s30+$0xD0] =	vst v0  }
0x216: {  	v6 =	vld [tilespmem:s17+$0x20];
	[tilespmem:s30+$0x150] =	vst v1  }
0x217: {  	[tilespmem:s30+$0xFFFFFE60] =	vst v2;
	v2 =	vld [tilespmem:s17+$0x60]  }
0x218: {  	[tilespmem:s30+$0xFFFFFEE0] =	vst v3;
	v3 =	vld [tilespmem:s17+$0xA0]  }
0x219: {  	v7 =	vld [tilespmem:s17+$0xFFFFFF30];
	[tilespmem:s30+$0xFFFFFF60] =	vst v4  }
0x21a: {  	v4 =	vld [tilespmem:s17+$0xFFFFFF70];
	[tilespmem:s30+$0xFFFFFFE0] =	vst v5  }
.Ltmp2:
0x21b: {  	v0 =	vld [tilespmem:s17+$0xFFFFFFB0];
	[tilespmem:s30+$0x60] =	vst v6;
	(pc) =	sbr.rel @p1 .LBB2_7-.Ltmp2, $4  }
0x21c: {  	v1 =	vld [tilespmem:s17+$0xFFFFFFF0];
	[tilespmem:s30+$0xE0] =	vst v2  }
0x21d: {  	v2 =	vld [tilespmem:s17+$0x30];
	[tilespmem:s30+$0x160] =	vst v3  }
0x21e: {  	[tilespmem:s30+$0xFFFFFE70] =	vst v7;
	v3 =	vld [tilespmem:s17+$0x70]  }
0x21f: {  	[tilespmem:s30+$0xFFFFFEF0] =	vst v4;
	v4 =	vld [tilespmem:s17+$0xB0];
	s17 =	sadd.s32 $0x200, s17  }
0x220: {  	[tilespmem:s30+$0xFFFFFF70] =	vst v0  }
0x221: {  	[tilespmem:s30+$0xFFFFFFF0] =	vst v1  }
0x222: {  	[tilespmem:s30+$0x70] =	vst v2  }
0x223: {  	s1 =	sadd.s32 $0x2, s29;
	[tilespmem:s30+$0xF0] =	vst v3  }
0x224: {  	s17 =	sadd.s32 @!p0 $0x300, s28;
	s31 =	simm.s32 @!p0 $0xA400;
	[tilespmem:s30+$0x170] =	vst v4;
	s30 =	simm.s32 @!p0 $0x80  }
0x225: {  	[tilespmem:s31], [sflag:$0x3] =	stream.indirect.gather @!p0 [hbm4b:s4+s30], $0x40, s17, s30, $0xb8;
	[tilespmem:$0x12400] =	vst v63  }
0x226: {  	s31 =	sshll.u32 s1, $0xA;
	s1 =	sshll.u32 s1, $0x7  }
0x227: {  	s17 =	sand.u32 $0xFFE0000, s31;
	s1 =	sand.u32 $0x3F00, s1  }
0x228: {  	s1 =	sor.u32 s1, s17  }
0x229: {  	s30 =	simm.s32 $0xE400;
	s17 =	sadd.s32 s2, s1  }
0x22a: {  	[hbm4b:s17+s3] =	stream.linear.scatter [tilespmem:s30], [sflag:$0x5], $0x400, $0x38;
	[tilespmem:$0x12400] =	vst v63  }
0x22b: {  	s31 =	sadd.s32 s1, s7;
	s30 =	simm.s32 $0xE800  }
0x22c: {  	[hbm4b:s31+s3] =	stream.linear.scatter [tilespmem:s30], [sflag:$0x5], $0x400, $0x38;
	[tilespmem:$0x12400] =	vst v63  }
0x22d: {  	s31 =	sadd.s32 s1, s8;
	s30 =	simm.s32 $0xEC00  }
0x22e: {  	[hbm4b:s31+s3] =	stream.linear.scatter [tilespmem:s30], [sflag:$0x5], $0x400, $0x38;
	[tilespmem:$0x12400] =	vst v63  }
0x22f: {  	s31 =	sadd.s32 s1, s9;
	s30 =	simm.s32 $0xF000  }
0x230: {  	[hbm4b:s31+s3] =	stream.linear.scatter [tilespmem:s30], [sflag:$0x5], $0x400, $0x38;
	[tilespmem:$0x12400] =	vst v63  }
0x231: {  	s31 =	sadd.s32 s1, s10;
	s30 =	simm.s32 $0xF400  }
0x232: {  	[hbm4b:s31+s3] =	stream.linear.scatter [tilespmem:s30], [sflag:$0x5], $0x400, $0x38;
	[tilespmem:$0x12400] =	vst v63  }
0x233: {  	s31 =	sadd.s32 s1, s11;
	s30 =	simm.s32 $0xF800  }
0x234: {  	[hbm4b:s31+s3] =	stream.linear.scatter [tilespmem:s30], [sflag:$0x5], $0x400, $0x38;
	[tilespmem:$0x12400] =	vst v63  }
0x235: {  	s31 =	sadd.s32 s1, s12;
	s30 =	simm.s32 $0xFC00  }
0x236: {  	[hbm4b:s31+s3] =	stream.linear.scatter [tilespmem:s30], [sflag:$0x5], $0x400, $0x38;
	[tilespmem:$0x12400] =	vst v63  }
0x237: {  	s1 =	sadd.s32 s1, s13;
	s31 =	simm.s32 $0x10000  }
0x238: {  	[hbm4b:s1+s3] =	stream.linear.scatter [tilespmem:s31], [sflag:$0x5], $0x400, $0x38;
	[tilespmem:$0x12400] =	vst v63  }
0x239: {  	_ =	swait.ge [sflag:s24], $0x2000  }
0x23a: {  	[sflag:s24] =	ssyncset.done $0x0  }
0x23b: {  	[sflag:s24] =	ssyncadd.s32 $0xFFFFE000  }
0x23c: {  	_ =	swait.ge [sflag:s25], $0x400  }
0x23d: {  	[sflag:s25] =	ssyncset.done $0x0  }
0x23e: {  	[sflag:s25] =	ssyncadd.s32 $0xFFFFFC00  }
0x23f: {  	_ =	swait.ge [sflag:s25], $0x400  }
0x240: {  	[sflag:s25] =	ssyncset.done $0x0  }
0x241: {  	[sflag:s25] =	ssyncadd.s32 $0xFFFFFC00  }
0x242: {  	_ =	swait.ge [sflag:s25], $0x400  }
0x243: {  	[sflag:s25] =	ssyncset.done $0x0  }
0x244: {  	[sflag:s25] =	ssyncadd.s32 $0xFFFFFC00  }
0x245: {  	_ =	swait.ge [sflag:s25], $0x400  }
0x246: {  	[sflag:s25] =	ssyncset.done $0x0  }
0x247: {  	[sflag:s25] =	ssyncadd.s32 $0xFFFFFC00  }
0x248: {  	_ =	swait.ge [sflag:s25], $0x400  }
0x249: {  	[sflag:s25] =	ssyncset.done $0x0  }
0x24a: {  	[sflag:s25] =	ssyncadd.s32 $0xFFFFFC00  }
0x24b: {  	_ =	swait.ge [sflag:s25], $0x400  }
0x24c: {  	[sflag:s25] =	ssyncset.done $0x0  }
0x24d: {  	[sflag:s25] =	ssyncadd.s32 $0xFFFFFC00  }
0x24e: {  	_ =	swait.ge [sflag:s25], $0x400  }
0x24f: {  	[sflag:s25] =	ssyncset.done $0x0  }
0x250: {  	[sflag:s25] =	ssyncadd.s32 $0xFFFFFC00  }
0x251: {  	_ =	swait.ge [sflag:s25], $0x400  }
0x252: {  	[sflag:s25] =	ssyncset.done $0x0  }
0x253: {  	s31 =	simm.s32 $0xC500;
	[sflag:s25] =	ssyncadd.s32 $0xFFFFFC00  }
0x254: {  	v0 =	vld [tilespmem:s31+$0xC0]  }
0x255: {  	v1 =	vld [tilespmem:s31+$0xFFFFFF40]  }
0x256: {  	v2 =	vld [tilespmem:s31+$0xFFFFFF80]  }
0x257: {  	v3 =	vld [tilespmem:s31+$0xFFFFFFC0]  }
0x258: {  	s30 =	simm.s32 $0x10600;
	v4 =	vld [tilespmem:s31+$0x0]  }
0x259: {  	v5 =	vld [tilespmem:s31+$0x40];
	[tilespmem:s30+$0x180] =	vst v0  }
0x25a: {  	[tilespmem:s30+$0xFFFFFE80] =	vst v1;
	v1 =	vld [tilespmem:s31+$0x80]  }
0x25b: {  	[tilespmem:s30+$0xFFFFFF00] =	vst v2;
	v2 =	vld [tilespmem:s31+$0xFFFFFF00]  }
0x25c: {  	[tilespmem:s30+$0xFFFFFF80] =	vst v3;
	v0 =	vld [tilespmem:s31+$0xD0]  }
0x25d: {  	[tilespmem:s30+$0x0] =	vst v4;
	v3 =	vld [tilespmem:s31+$0xFFFFFF50]  }
0x25e: {  	[tilespmem:s30+$0x80] =	vst v5;
	v4 =	vld [tilespmem:s31+$0xFFFFFF90]  }
0x25f: {  	v5 =	vld [tilespmem:s31+$0xFFFFFFD0];
	[tilespmem:s30+$0x100] =	vst v1  }
0x260: {  	[tilespmem:s30+$0xFFFFFE00] =	vst v2;
	v1 =	vld [tilespmem:s31+$0x10]  }
0x261: {  	[tilespmem:s30+$0x190] =	vst v0;
	v2 =	vld [tilespmem:s31+$0xFFFFFF10]  }
0x262: {  	[tilespmem:s30+$0xFFFFFE90] =	vst v3;
	v3 =	vld [tilespmem:s31+$0x50]  }
0x263: {  	[tilespmem:s30+$0xFFFFFF10] =	vst v4;
	v0 =	vld [tilespmem:s31+$0xE0]  }
0x264: {  	[tilespmem:s30+$0xFFFFFF90] =	vst v5;
	v4 =	vld [tilespmem:s31+$0x90]  }
0x265: {  	v5 =	vld [tilespmem:s31+$0xFFFFFF60];
	[tilespmem:s30+$0x10] =	vst v1  }
0x266: {  	v1 =	vld [tilespmem:s31+$0xFFFFFFA0];
	[tilespmem:s30+$0xFFFFFE10] =	vst v2  }
0x267: {  	[tilespmem:s30+$0x90] =	vst v3;
	v3 =	vld [tilespmem:s31+$0xFFFFFFE0]  }
0x268: {  	[tilespmem:s30+$0x1A0] =	vst v0;
	v2 =	vld [tilespmem:s31+$0xFFFFFF20]  }
0x269: {  	[tilespmem:s30+$0x110] =	vst v4;
	v0 =	vld [tilespmem:s31+$0xF0]  }
0x26a: {  	v4 =	vld [tilespmem:s31+$0x20];
	[tilespmem:s30+$0xFFFFFEA0] =	vst v5  }
0x26b: {  	v5 =	vld [tilespmem:s31+$0x60];
	[tilespmem:s30+$0xFFFFFF20] =	vst v1  }
0x26c: {  	v1 =	vld [tilespmem:s31+$0xA0];
	[tilespmem:s30+$0xFFFFFFA0] =	vst v3  }
0x26d: {  	v3 =	vld [tilespmem:s31+$0xFFFFFF70];
	[tilespmem:s30+$0xFFFFFE20] =	vst v2  }
0x26e: {  	[tilespmem:s30+$0x1B0] =	vst v0;
	v2 =	vld [tilespmem:s31+$0xFFFFFF30]  }
0x26f: {  	[tilespmem:s30+$0x20] =	vst v4;
	v0 =	vld [tilespmem:s31+$0xC0]  }
0x270: {  	v4 =	vld [tilespmem:s31+$0xFFFFFFB0];
	[tilespmem:s30+$0xA0] =	vst v5  }
0x271: {  	v5 =	vld [tilespmem:s31+$0xFFFFFFF0];
	[tilespmem:s30+$0x120] =	vst v1  }
0x272: {  	v1 =	vld [tilespmem:s31+$0x30];
	[tilespmem:s30+$0xFFFFFEB0] =	vst v3  }
0x273: {  	v3 =	vld [tilespmem:s31+$0xB0];
	[tilespmem:s30+$0xFFFFFE30] =	vst v2  }
0x274: {  	v2 =	vld [tilespmem:s31+$0x70];
	[tilespmem:s30+$0x1C0] =	vst v0  }
0x275: {  	[tilespmem:s30+$0xFFFFFF30] =	vst v4;
	v0 =	vld [tilespmem:s31+$0xD0]  }
0x276: {  	[tilespmem:s30+$0xFFFFFFB0] =	vst v5;
	v5 =	vld [tilespmem:s31+$0xFFFFFF40]  }
0x277: {  	v4 =	vld [tilespmem:s31+$0xFFFFFF00];
	[tilespmem:s30+$0x30] =	vst v1  }
0x278: {  	v1 =	vld [tilespmem:s31+$0xFFFFFF80];
	[tilespmem:s30+$0x130] =	vst v3  }
0x279: {  	v3 =	vld [tilespmem:s31+$0x0];
	[tilespmem:s30+$0xB0] =	vst v2  }
0x27a: {  	v2 =	vld [tilespmem:s31+$0xFFFFFFC0];
	[tilespmem:s30+$0x1D0] =	vst v0  }
0x27b: {  	[tilespmem:s30+$0xFFFFFEC0] =	vst v5;
	v0 =	vld [tilespmem:s31+$0xE0]  }
0x27c: {  	v5 =	vld [tilespmem:s31+$0x80];
	[tilespmem:s30+$0xFFFFFE40] =	vst v4  }
0x27d: {  	v4 =	vld [tilespmem:s31+$0x40];
	[tilespmem:s30+$0xFFFFFF40] =	vst v1  }
0x27e: {  	v1 =	vld [tilespmem:s31+$0xFFFFFF10];
	[tilespmem:s30+$0x40] =	vst v3  }
0x27f: {  	[tilespmem:s30+$0xFFFFFFC0] =	vst v2;
	v2 =	vld [tilespmem:s31+$0xFFFFFF50]  }
0x280: {  	v3 =	vld [tilespmem:s31+$0xFFFFFF90];
	[tilespmem:s30+$0x1E0] =	vst v0  }
0x281: {  	[tilespmem:s30+$0x140] =	vst v5;
	v0 =	vld [tilespmem:s31+$0xF0]  }
0x282: {  	v5 =	vld [tilespmem:s31+$0x10];
	[tilespmem:s30+$0xC0] =	vst v4  }
0x283: {  	v4 =	vld [tilespmem:s31+$0xFFFFFFD0];
	[tilespmem:s30+$0xFFFFFE50] =	vst v1  }
0x284: {  	v1 =	vld [tilespmem:s31+$0x90];
	[tilespmem:s30+$0xFFFFFED0] =	vst v2  }
0x285: {  	[tilespmem:s30+$0xFFFFFF50] =	vst v3;
	v3 =	vld [tilespmem:s31+$0xFFFFFF60]  }
0x286: {  	[tilespmem:s30+$0x1F0] =	vst v0;
	v0 =	vld [tilespmem:s31+$0x50]  }
0x287: {  	[tilespmem:s30+$0x50] =	vst v5;
	v2 =	vld [tilespmem:s31+$0xFFFFFF20]  }
0x288: {  	v6 =	vld [tilespmem:s31+$0x20];
	[tilespmem:s30+$0xFFFFFFD0] =	vst v4  }
0x289: {  	v4 =	vld [tilespmem:s31+$0xFFFFFFA0];
	[tilespmem:s30+$0x150] =	vst v1  }
0x28a: {  	v5 =	vld [tilespmem:s31+$0xFFFFFFE0];
	[tilespmem:s30+$0xFFFFFEE0] =	vst v3  }
0x28b: {  	v3 =	vld [tilespmem:s31+$0xA0];
	[tilespmem:s30+$0xD0] =	vst v0  }
0x28c: {  	[tilespmem:s30+$0xFFFFFE60] =	vst v2;
	v2 =	vld [tilespmem:s31+$0x60]  }
0x28d: {  	[tilespmem:s30+$0x60] =	vst v6;
	v7 =	vld [tilespmem:s31+$0xFFFFFF30]  }
0x28e: {  	[tilespmem:s30+$0xFFFFFF60] =	vst v4;
	v4 =	vld [tilespmem:s31+$0xFFFFFF70]  }
0x28f: {  	[tilespmem:s30+$0xFFFFFFE0] =	vst v5;
	v0 =	vld [tilespmem:s31+$0xFFFFFFB0]  }
0x290: {  	v1 =	vld [tilespmem:s31+$0xFFFFFFF0];
	[tilespmem:s30+$0x160] =	vst v3  }
0x291: {  	[tilespmem:s30+$0xE0] =	vst v2;
	v2 =	vld [tilespmem:s31+$0x30]  }
0x292: {  	[tilespmem:s30+$0xFFFFFE70] =	vst v7;
	v3 =	vld [tilespmem:s31+$0x70]  }
0x293: {  	s17 =	simm.s32 $0xC700;
	s1 =	simm.s32 $0x0;
	[tilespmem:s30+$0xFFFFFEF0] =	vst v4;
	v4 =	vld [tilespmem:s31+$0xB0]  }
.LBB2_9:
0x294: {  	v5 =	vld [tilespmem:s17+$0xC0];
	s1 =	sadd.s32 $0x8, s1;
	[tilespmem:s30+$0xFFFFFF70] =	vst v0  }
0x295: {  	v0 =	vld [tilespmem:s17+$0xFFFFFF40];
	p1 =	slt.u32 s1, $0x38;
	[tilespmem:s30+$0xFFFFFFF0] =	vst v1  }
0x296: {  	v1 =	vld [tilespmem:s17+$0xFFFFFF80];
	[tilespmem:s30+$0x70] =	vst v2  }
0x297: {  	v2 =	vld [tilespmem:s17+$0xFFFFFFC0];
	[tilespmem:s30+$0xF0] =	vst v3  }
0x298: {  	v3 =	vld [tilespmem:s17+$0x0];
	[tilespmem:s30+$0x170] =	vst v4;
	s30 =	sadd.s32 $0x400, s30  }
0x299: {  	v4 =	vld [tilespmem:s17+$0x40];
	[tilespmem:s30+$0x180] =	vst v5  }
0x29a: {  	[tilespmem:s30+$0xFFFFFE80] =	vst v0;
	v0 =	vld [tilespmem:s17+$0xD0]  }
0x29b: {  	[tilespmem:s30+$0xFFFFFF00] =	vst v1;
	v1 =	vld [tilespmem:s17+$0x80]  }
0x29c: {  	v5 =	vld [tilespmem:s17+$0xFFFFFF00];
	[tilespmem:s30+$0xFFFFFF80] =	vst v2  }
0x29d: {  	v2 =	vld [tilespmem:s17+$0xFFFFFF50];
	[tilespmem:s30+$0x0] =	vst v3  }
0x29e: {  	v3 =	vld [tilespmem:s17+$0xFFFFFF90];
	[tilespmem:s30+$0x80] =	vst v4  }
0x29f: {  	v4 =	vld [tilespmem:s17+$0xFFFFFFD0];
	[tilespmem:s30+$0x190] =	vst v0  }
0x2a0: {  	[tilespmem:s30+$0x100] =	vst v1;
	v0 =	vld [tilespmem:s17+$0xE0]  }
0x2a1: {  	[tilespmem:s30+$0xFFFFFE00] =	vst v5;
	v1 =	vld [tilespmem:s17+$0x10]  }
0x2a2: {  	v5 =	vld [tilespmem:s17+$0xFFFFFF10];
	[tilespmem:s30+$0xFFFFFE90] =	vst v2  }
0x2a3: {  	[tilespmem:s30+$0xFFFFFF10] =	vst v3;
	v2 =	vld [tilespmem:s17+$0x50]  }
0x2a4: {  	[tilespmem:s30+$0xFFFFFF90] =	vst v4;
	v3 =	vld [tilespmem:s17+$0x90]  }
0x2a5: {  	v4 =	vld [tilespmem:s17+$0xFFFFFF60];
	[tilespmem:s30+$0x1A0] =	vst v0  }
0x2a6: {  	[tilespmem:s30+$0x10] =	vst v1;
	v0 =	vld [tilespmem:s17+$0xF0]  }
0x2a7: {  	[tilespmem:s30+$0xFFFFFE10] =	vst v5;
	v1 =	vld [tilespmem:s17+$0xFFFFFFA0]  }
0x2a8: {  	v5 =	vld [tilespmem:s17+$0xFFFFFF20];
	[tilespmem:s30+$0x90] =	vst v2  }
0x2a9: {  	v2 =	vld [tilespmem:s17+$0xFFFFFFE0];
	[tilespmem:s30+$0x110] =	vst v3  }
0x2aa: {  	[tilespmem:s30+$0xFFFFFEA0] =	vst v4;
	v3 =	vld [tilespmem:s17+$0x20]  }
0x2ab: {  	v4 =	vld [tilespmem:s17+$0x60];
	[tilespmem:s30+$0x1B0] =	vst v0  }
0x2ac: {  	[tilespmem:s30+$0xFFFFFF20] =	vst v1;
	v0 =	vld [tilespmem:s17+$0xC0]  }
0x2ad: {  	[tilespmem:s30+$0xFFFFFE20] =	vst v5;
	v1 =	vld [tilespmem:s17+$0xA0]  }
0x2ae: {  	v5 =	vld [tilespmem:s17+$0xFFFFFF30];
	[tilespmem:s30+$0xFFFFFFA0] =	vst v2  }
0x2af: {  	v2 =	vld [tilespmem:s17+$0xFFFFFF70];
	[tilespmem:s30+$0x20] =	vst v3  }
0x2b0: {  	v3 =	vld [tilespmem:s17+$0xFFFFFFB0];
	[tilespmem:s30+$0xA0] =	vst v4  }
0x2b1: {  	v4 =	vld [tilespmem:s17+$0xFFFFFFF0];
	[tilespmem:s30+$0x1C0] =	vst v0  }
0x2b2: {  	[tilespmem:s30+$0x120] =	vst v1;
	v0 =	vld [tilespmem:s17+$0xD0]  }
0x2b3: {  	[tilespmem:s30+$0xFFFFFE30] =	vst v5;
	v1 =	vld [tilespmem:s17+$0x30]  }
0x2b4: {  	[tilespmem:s30+$0xFFFFFEB0] =	vst v2;
	v2 =	vld [tilespmem:s17+$0x70]  }
0x2b5: {  	[tilespmem:s30+$0xFFFFFF30] =	vst v3;
	v3 =	vld [tilespmem:s17+$0xB0]  }
0x2b6: {  	v5 =	vld [tilespmem:s17+$0xFFFFFF00];
	[tilespmem:s30+$0xFFFFFFB0] =	vst v4  }
0x2b7: {  	v4 =	vld [tilespmem:s17+$0xFFFFFF40];
	[tilespmem:s30+$0x1D0] =	vst v0  }
0x2b8: {  	[tilespmem:s30+$0x30] =	vst v1;
	v0 =	vld [tilespmem:s17+$0xE0]  }
0x2b9: {  	v1 =	vld [tilespmem:s17+$0xFFFFFF80];
	[tilespmem:s30+$0xB0] =	vst v2  }
0x2ba: {  	v2 =	vld [tilespmem:s17+$0xFFFFFFC0];
	[tilespmem:s30+$0x130] =	vst v3  }
0x2bb: {  	[tilespmem:s30+$0xFFFFFE40] =	vst v5;
	v3 =	vld [tilespmem:s17+$0x0]  }
0x2bc: {  	[tilespmem:s30+$0xFFFFFEC0] =	vst v4;
	v4 =	vld [tilespmem:s17+$0x40]  }
0x2bd: {  	v5 =	vld [tilespmem:s17+$0x80];
	[tilespmem:s30+$0x1E0] =	vst v0  }
0x2be: {  	[tilespmem:s30+$0xFFFFFF40] =	vst v1;
	v0 =	vld [tilespmem:s17+$0xF0]  }
0x2bf: {  	v1 =	vld [tilespmem:s17+$0xFFFFFF10];
	[tilespmem:s30+$0xFFFFFFC0] =	vst v2  }
0x2c0: {  	v2 =	vld [tilespmem:s17+$0xFFFFFF50];
	[tilespmem:s30+$0x40] =	vst v3  }
0x2c1: {  	v3 =	vld [tilespmem:s17+$0xFFFFFF90];
	[tilespmem:s30+$0xC0] =	vst v4  }
0x2c2: {  	v4 =	vld [tilespmem:s17+$0xFFFFFFD0];
	[tilespmem:s30+$0x140] =	vst v5  }
0x2c3: {  	v5 =	vld [tilespmem:s17+$0x10];
	[tilespmem:s30+$0x1F0] =	vst v0  }
0x2c4: {  	[tilespmem:s30+$0xFFFFFE50] =	vst v1;
	v0 =	vld [tilespmem:s17+$0x50]  }
0x2c5: {  	[tilespmem:s30+$0xFFFFFED0] =	vst v2;
	v1 =	vld [tilespmem:s17+$0x90]  }
0x2c6: {  	v2 =	vld [tilespmem:s17+$0xFFFFFF20];
	[tilespmem:s30+$0xFFFFFF50] =	vst v3  }
0x2c7: {  	v3 =	vld [tilespmem:s17+$0xFFFFFF60];
	[tilespmem:s30+$0xFFFFFFD0] =	vst v4  }
0x2c8: {  	v4 =	vld [tilespmem:s17+$0xFFFFFFA0];
	[tilespmem:s30+$0x50] =	vst v5  }
0x2c9: {  	v5 =	vld [tilespmem:s17+$0xFFFFFFE0];
	[tilespmem:s30+$0xD0] =	vst v0  }
0x2ca: {  	v6 =	vld [tilespmem:s17+$0x20];
	[tilespmem:s30+$0x150] =	vst v1  }
0x2cb: {  	[tilespmem:s30+$0xFFFFFE60] =	vst v2;
	v2 =	vld [tilespmem:s17+$0x60]  }
0x2cc: {  	[tilespmem:s30+$0xFFFFFEE0] =	vst v3;
	v3 =	vld [tilespmem:s17+$0xA0]  }
0x2cd: {  	v7 =	vld [tilespmem:s17+$0xFFFFFF30];
	[tilespmem:s30+$0xFFFFFF60] =	vst v4  }
0x2ce: {  	v4 =	vld [tilespmem:s17+$0xFFFFFF70];
	[tilespmem:s30+$0xFFFFFFE0] =	vst v5  }
.Ltmp3:
0x2cf: {  	v0 =	vld [tilespmem:s17+$0xFFFFFFB0];
	[tilespmem:s30+$0x60] =	vst v6;
	(pc) =	sbr.rel @p1 .LBB2_9-.Ltmp3, $4  }
0x2d0: {  	v1 =	vld [tilespmem:s17+$0xFFFFFFF0];
	[tilespmem:s30+$0xE0] =	vst v2  }
0x2d1: {  	v2 =	vld [tilespmem:s17+$0x30];
	[tilespmem:s30+$0x160] =	vst v3  }
0x2d2: {  	[tilespmem:s30+$0xFFFFFE70] =	vst v7;
	v3 =	vld [tilespmem:s17+$0x70]  }
0x2d3: {  	[tilespmem:s30+$0xFFFFFEF0] =	vst v4;
	v4 =	vld [tilespmem:s17+$0xB0];
	s17 =	sadd.s32 $0x200, s17  }
0x2d4: {  	[tilespmem:s30+$0xFFFFFF70] =	vst v0  }
0x2d5: {  	[tilespmem:s30+$0xFFFFFFF0] =	vst v1  }
0x2d6: {  	[tilespmem:s30+$0x70] =	vst v2  }
0x2d7: {  	s1 =	sadd.s32 $0x3, s29;
	[tilespmem:s30+$0xF0] =	vst v3  }
0x2d8: {  	s17 =	sadd.s32 @!p0 $0x380, s28;
	s28 =	simm.s32 @!p0 $0x80;
	s29 =	simm.s32 @!p0 $0xC400;
	[tilespmem:s30+$0x170] =	vst v4  }
0x2d9: {  	[tilespmem:s29], [sflag:$0x4] =	stream.indirect.gather @!p0 [hbm4b:s4+s28], $0x40, s17, s28, $0xb8;
	[tilespmem:$0x12400] =	vst v63  }
0x2da: {  	s28 =	sshll.u32 s1, $0xA;
	s1 =	sshll.u32 s1, $0x7  }
0x2db: {  	s17 =	sand.u32 $0xFFE0000, s28;
	s1 =	sand.u32 $0x3F80, s1  }
0x2dc: {  	s1 =	sor.u32 s1, s17  }
0x2dd: {  	s29 =	simm.s32 $0x10400;
	s17 =	sadd.s32 s2, s1  }
0x2de: {  	[hbm4b:s17+s3] =	stream.linear.scatter [tilespmem:s29], [sflag:$0x6], $0x400, $0x38;
	[tilespmem:$0x12400] =	vst v63  }
0x2df: {  	s30 =	sadd.s32 s1, s7  }
0x2e0: {  	[hbm4b:s30+s3] =	stream.linear.scatter [tilespmem:s18], [sflag:$0x6], $0x400, $0x38;
	[tilespmem:$0x12400] =	vst v63  }
0x2e1: {  	s31 =	sadd.s32 s1, s8  }
0x2e2: {  	[hbm4b:s31+s3] =	stream.linear.scatter [tilespmem:s19], [sflag:$0x6], $0x400, $0x38;
	[tilespmem:$0x12400] =	vst v63  }
0x2e3: {  	s28 =	sadd.s32 s1, s9  }
0x2e4: {  	[hbm4b:s28+s3] =	stream.linear.scatter [tilespmem:s20], [sflag:$0x6], $0x400, $0x38;
	[tilespmem:$0x12400] =	vst v63  }
0x2e5: {  	s26 =	sadd.s32 $0x1, s26;
	s29 =	sadd.s32 s1, s10  }
0x2e6: {  	[hbm4b:s29+s3] =	stream.linear.scatter [tilespmem:s21], [sflag:$0x6], $0x400, $0x38;
	[tilespmem:$0x12400] =	vst v63  }
0x2e7: {  	p0 =	sne.s32 s26, $0x32;
	s30 =	sadd.s32 s1, s11  }
0x2e8: {  	[hbm4b:s30+s3] =	stream.linear.scatter [tilespmem:s22], [sflag:$0x6], $0x400, $0x38;
	[tilespmem:$0x12400] =	vst v63  }
.Ltmp4:
0x2e9: {  	_ = 	snop;
	(pc) =	sbr.rel @p0 .LBB2_2-.Ltmp4, $4  }
0x2ea: {  	s31 =	sadd.s32 s1, s12  }
0x2eb: {  	[hbm4b:s31+s3] =	stream.linear.scatter [tilespmem:s6], [sflag:$0x6], $0x400, $0x38;
	[tilespmem:$0x12400] =	vst v63  }
0x2ec: {  	s1 =	sadd.s32 s1, s13  }
0x2ed: {  	[hbm4b:s1+s3] =	stream.linear.scatter [tilespmem:s14], [sflag:$0x6], $0x400, $0x38;
	[tilespmem:$0x12400] =	vst v63  }
0x2ee: {  	_ =	swait.ge [sflag:s16], $0x400  }
0x2ef: {  	[sflag:s16] =	ssyncset.done $0x0  }
0x2f0: {  	[sflag:s16] =	ssyncadd.s32 $0xFFFFFC00  }
0x2f1: {  	_ =	swait.ge [sflag:s16], $0x400  }
0x2f2: {  	[sflag:s16] =	ssyncset.done $0x0  }
0x2f3: {  	[sflag:s16] =	ssyncadd.s32 $0xFFFFFC00  }
0x2f4: {  	_ =	swait.ge [sflag:s16], $0x400  }
0x2f5: {  	[sflag:s16] =	ssyncset.done $0x0  }
0x2f6: {  	[sflag:s16] =	ssyncadd.s32 $0xFFFFFC00  }
0x2f7: {  	_ =	swait.ge [sflag:s16], $0x400  }
0x2f8: {  	[sflag:s16] =	ssyncset.done $0x0  }
0x2f9: {  	[sflag:s16] =	ssyncadd.s32 $0xFFFFFC00  }
0x2fa: {  	_ =	swait.ge [sflag:s16], $0x400  }
0x2fb: {  	[sflag:s16] =	ssyncset.done $0x0  }
0x2fc: {  	[sflag:s16] =	ssyncadd.s32 $0xFFFFFC00  }
0x2fd: {  	_ =	swait.ge [sflag:s16], $0x400  }
0x2fe: {  	[sflag:s16] =	ssyncset.done $0x0  }
0x2ff: {  	[sflag:s16] =	ssyncadd.s32 $0xFFFFFC00  }
0x300: {  	_ =	swait.ge [sflag:s16], $0x400  }
0x301: {  	[sflag:s16] =	ssyncset.done $0x0  }
0x302: {  	[sflag:s16] =	ssyncadd.s32 $0xFFFFFC00  }
0x303: {  	_ =	swait.ge [sflag:s16], $0x400  }
0x304: {  	[sflag:s16] =	ssyncset.done $0x0  }
0x305: {  	[sflag:s16] =	ssyncadd.s32 $0xFFFFFC00  }
0x306: {  	_ =	swait.ge [sflag:s25], $0x400  }
0x307: {  	[sflag:s25] =	ssyncset.done $0x0  }
0x308: {  	[sflag:s25] =	ssyncadd.s32 $0xFFFFFC00  }
0x309: {  	_ =	swait.ge [sflag:s25], $0x400  }
0x30a: {  	[sflag:s25] =	ssyncset.done $0x0  }
0x30b: {  	[sflag:s25] =	ssyncadd.s32 $0xFFFFFC00  }
0x30c: {  	_ =	swait.ge [sflag:s25], $0x400  }
0x30d: {  	[sflag:s25] =	ssyncset.done $0x0  }
0x30e: {  	[sflag:s25] =	ssyncadd.s32 $0xFFFFFC00  }
0x30f: {  	_ =	swait.ge [sflag:s25], $0x400  }
0x310: {  	[sflag:s25] =	ssyncset.done $0x0  }
0x311: {  	[sflag:s25] =	ssyncadd.s32 $0xFFFFFC00  }
0x312: {  	_ =	swait.ge [sflag:s25], $0x400  }
0x313: {  	[sflag:s25] =	ssyncset.done $0x0  }
0x314: {  	[sflag:s25] =	ssyncadd.s32 $0xFFFFFC00  }
0x315: {  	_ =	swait.ge [sflag:s25], $0x400  }
0x316: {  	[sflag:s25] =	ssyncset.done $0x0  }
0x317: {  	[sflag:s25] =	ssyncadd.s32 $0xFFFFFC00  }
0x318: {  	_ =	swait.ge [sflag:s25], $0x400  }
0x319: {  	[sflag:s25] =	ssyncset.done $0x0  }
0x31a: {  	[sflag:s25] =	ssyncadd.s32 $0xFFFFFC00  }
0x31b: {  	_ =	swait.ge [sflag:s25], $0x400  }
0x31c: {  	s17 =	rddreg [dreg:$0x5]  }
0x31d: {  	s1 =	rddreg [dreg:$0x4];
	s17 =	sadd.s32 $0x1, s17  }
0x31e: {  	p0 =	sne.s32 s17, s1  }
.Ltmp5:
0x31f: {  	_ = 	snop;
	(pc) =	sbr.rel @p0 .LBB2_1-.Ltmp5, $3  }
0x320: {  	_ =	sdelay $0x1  }
0x321: {  	[sflag:s25] =	ssyncset.done $0x0  }
0x322: {  	[sflag:s25] =	ssyncadd.s32 $0xFFFFFC00  }
0x323: {  	_ =	sfence.sel $0x180000  }
0x324: {  	[bflag:$0x0] =	sbarrier.arrive $0xFFFF  }
0x325: {  	_ =	strace $0x90000047  }
0x326: {  	s0 =	stileid.u32;
	[bflag:$0x2] =	sbarrier.arrive $0xFFFF  }
0x327: {  	p0 =	sne.s32 s0, $0x0;
	s0 =	rddreg [dreg:$0x2]  }
0x328: {  	s0 =	sadd.s32 @!p0 $0x100000, s0  }
0x329: {  	[sflag:s0] =	ssyncadd.tile.s32 @!p0 $0x1;
	_ =	shalt  }
.Lfunc_end2:
_tile_overlayer_lowered:
.L_overlay_start_2:
0x32a: {  	(tag) =	ssettag $0x2  }
0x32b: {  	s0 =	rddreg [dreg:$0x0];
	s2 =	stileid.u32  }
0x32c: {  	s1 =	rddreg [dreg:$0x1];
	p0 =	sne.s32 s2, $0x0  }
0x32d: {  	s3 =	rddreg [dreg:$0x2];
	[bflag:$0x3] =	sbarrier.arrive $0xFFFF;
	s2 =	simm.s32 @!p0 $0x1C07  }
0x32e: {  	[timem:s3], [sflag:s2] =	dma.local @!p0 [hbm:s0], s1  }
0x32f: {  	s0 =	simm.s32 @!p0 $0x7  }
0x330: {  	_ =	swait.ge @!p0 [sflag:s0], s1  }
0x331: {  	s1 =	ssub.s32 @!p0 $0x0, s1;
	[sflag:s0] =	ssyncset.done @!p0 $0x0  }
0x332: {  	[sflag:s0] =	ssyncadd.s32 @!p0 s1  }
0x333: {  	[bflag:$0x3] =	sbarrier.arrive $0xFFFF  }
0x334: {  	_ =	shalt  }

</sc_bundles>
